<compile_context>
chip_gen: v7x
topology: tpu7x:2x2x1
jax: 0.10.2.dev20260603
libtpu: 0.0.44.dev20260713+nightly
codegen_flags: <defaults>
</compile_context>

<pallas_src>
import functools

import jax
import jax.numpy as jnp
from jax import lax
from jax.experimental import pallas as pl
from jax.experimental.pallas import tpu as pltpu
from jax.experimental.pallas import tpu_sc as plsc

N = 10000
E = 320000
D = 64
NW = 32
CHUNK = 128
EPW = 10240
NCHUNK = EPW // CHUNK
NPAD = 10240
RPT = NPAD // 16
DEGW = 16

M0 = 80
M1 = 80
MMAX = max(M0, M1)
NTOT = 16 * (M0 + M1)
NFLAT = NTOT + MMAX

_SC_CACHE = {}


def _build_deg_kernel():
    if "deg" in _SC_CACHE:
        return _SC_CACHE["deg"]
    kern = functools.partial(
        pl.kernel,
        out_type=jax.ShapeDtypeStruct((2, NPAD, DEGW), jnp.float32),
        mesh=plsc.VectorSubcoreMesh(core_axis_name="c", subcore_axis_name="s"),
        scratch_types=[
            pltpu.VMEM((NCHUNK, CHUNK), jnp.int32),
            pltpu.VMEM((CHUNK, DEGW), jnp.float32),
            pltpu.VMEM_SHARED((NPAD, DEGW), jnp.float32),
            pltpu.SemaphoreType.DMA,
        ],
    )(_deg_body)
    _SC_CACHE["deg"] = kern
    return kern


def _deg_body(dst_hbm, out_hbm, dst_v, ones_v, acc_sh, sem):
    cid = lax.axis_index("c")
    sid = lax.axis_index("s")
    wid = cid * 16 + sid
    cp = pltpu.async_copy(dst_hbm.at[wid], dst_v, sem)

    def fill(val):
        def body(i, carry):
            ones_v[i, pl.ds(0, 16)] = jnp.full((16,), val, jnp.float32)
            return carry
        lax.fori_loop(0, CHUNK, body, 0)

    fill(0.0)
    base = sid * RPT
    for r in range(RPT // CHUNK):
        pltpu.sync_copy(ones_v, acc_sh.at[pl.ds(base + r * CHUNK, CHUNK)])
    fill(1.0)
    cp.wait()
    plsc.subcore_barrier()

    def body(j, carry):
        pltpu.sync_copy(ones_v, acc_sh.at[dst_v.at[j]], add=True)
        return carry
    lax.fori_loop(0, NCHUNK, body, 0)

    plsc.subcore_barrier()
    pltpu.sync_copy(acc_sh.at[pl.ds(base, RPT)], out_hbm.at[cid, pl.ds(base, RPT)])


def _build_agg_kernel():
    if "agg" in _SC_CACHE:
        return _SC_CACHE["agg"]
    kern = functools.partial(
        pl.kernel,
        out_type=jax.ShapeDtypeStruct((2, NPAD, D), jnp.float32),
        mesh=plsc.VectorSubcoreMesh(core_axis_name="c", subcore_axis_name="s"),
        scratch_types=[
            pltpu.VMEM((MMAX, CHUNK), jnp.int32),
            pltpu.VMEM((MMAX, CHUNK), jnp.int32),
            pltpu.VMEM((2 * CHUNK, D), jnp.float32),
            pltpu.VMEM_SHARED((NPAD, D), jnp.float32),
            pltpu.SemaphoreType.DMA,
            pltpu.SemaphoreType.DMA,
            pltpu.SemaphoreType.DMA,
        ],
        compiler_params=pltpu.CompilerParams(use_tc_tiling_on_sc=False),
    )(_agg_body)
    _SC_CACHE["agg"] = kern
    return kern


def _agg_body(g_hbm, src_hbm, dst_hbm, out_hbm,
              src_v, dst_v, rows_v, acc_sh, g0, s0, s1):
    cid = lax.axis_index("c")
    sid = lax.axis_index("s")
    wid = cid * 16 + sid
    cnt = jnp.where(cid == 0, M0, M1)
    cp_s = pltpu.async_copy(src_hbm.at[wid], src_v, s0)
    cp_d = pltpu.async_copy(dst_hbm.at[wid], dst_v, s1)

    def zbody(i, carry):
        for c in range(D // 16):
            rows_v[i, pl.ds(c * 16, 16)] = jnp.zeros((16,), jnp.float32)
        return carry
    lax.fori_loop(0, CHUNK, zbody, 0)

    base = sid * RPT
    for r in range(RPT // CHUNK):
        pltpu.sync_copy(rows_v.at[pl.ds(0, CHUNK)],
                        acc_sh.at[pl.ds(base + r * CHUNK, CHUNK)])
    cp_s.wait()
    cp_d.wait()
    plsc.subcore_barrier()

    def body(j, carry):
        goff = lax.rem(j, 2) * CHUNK
        jp = jnp.maximum(j - 1, 0)
        poff = lax.rem(jp, 2) * CHUNK

        @pl.when(j < cnt)
        def _():
            pltpu.async_copy(
                g_hbm.at[src_v.at[j]], rows_v.at[pl.ds(goff, CHUNK)], g0)

        @pl.when(j > 0)
        def _():
            pltpu.make_async_copy(
                g_hbm.at[src_v.at[jp]],
                rows_v.at[pl.ds(poff, CHUNK)], g0).wait()
            pltpu.sync_copy(rows_v.at[pl.ds(poff, CHUNK)],
                            acc_sh.at[dst_v.at[jp]], add=True)
        return carry
    lax.fori_loop(0, cnt + 1, body, 0)

    plsc.subcore_barrier()
    pltpu.sync_copy(acc_sh.at[pl.ds(base, RPT)], out_hbm.at[cid, pl.ds(base, RPT)])


def _mm_body(x_ref, w_ref, o_ref):
    o_ref[...] = jnp.dot(x_ref[...], w_ref[...],
                         preferred_element_type=jnp.float32)


def _matmul(x, w, bm=1000):
    m, k = x.shape
    n = w.shape[1]
    return pl.pallas_call(
        _mm_body,
        grid=(m // bm,),
        in_specs=[pl.BlockSpec((bm, k), lambda i: (i, 0)),
                  pl.BlockSpec((k, n), lambda i: (0, 0))],
        out_specs=pl.BlockSpec((bm, n), lambda i: (i, 0)),
        out_shape=jax.ShapeDtypeStruct((m, n), jnp.float32),
    )(x, w)


def _scale0_body(h_ref, p0_ref, p1_ref, g_ref, dinv_ref):
    deg = p0_ref[...] + p1_ref[...] + 1.0
    dinv = lax.rsqrt(deg)
    dinv_ref[...] = dinv
    g_ref[...] = h_ref[...] * dinv


def _scale0(h, p0, p1, bm=1000):
    m = h.shape[0]
    return pl.pallas_call(
        _scale0_body,
        grid=(m // bm,),
        in_specs=[pl.BlockSpec((bm, D), lambda i: (i, 0)),
                  pl.BlockSpec((bm, 1), lambda i: (i, 0)),
                  pl.BlockSpec((bm, 1), lambda i: (i, 0))],
        out_specs=[pl.BlockSpec((bm, D), lambda i: (i, 0)),
                   pl.BlockSpec((bm, 1), lambda i: (i, 0))],
        out_shape=[jax.ShapeDtypeStruct((m, D), jnp.float32),
                   jax.ShapeDtypeStruct((m, 1), jnp.float32)],
    )(h, p0, p1)


def _mid_body(p0_ref, p1_ref, g_ref, dinv_ref, b_ref, w_ref, o_ref):
    dinv = dinv_ref[...]
    a = dinv * (p0_ref[...] + p1_ref[...] + g_ref[...]) + b_ref[...]
    a = jnp.maximum(a, 0.0)
    o_ref[...] = dinv * jnp.dot(a, w_ref[...],
                                preferred_element_type=jnp.float32)


def _mid(p0, p1, g, dinv, b, w, bm=1000):
    m = g.shape[0]
    n = w.shape[1]
    return pl.pallas_call(
        _mid_body,
        grid=(m // bm,),
        in_specs=[pl.BlockSpec((bm, D), lambda i: (i, 0)),
                  pl.BlockSpec((bm, D), lambda i: (i, 0)),
                  pl.BlockSpec((bm, D), lambda i: (i, 0)),
                  pl.BlockSpec((bm, 1), lambda i: (i, 0)),
                  pl.BlockSpec((1, D), lambda i: (0, 0)),
                  pl.BlockSpec((D, n), lambda i: (0, 0))],
        out_specs=pl.BlockSpec((bm, n), lambda i: (i, 0)),
        out_shape=jax.ShapeDtypeStruct((m, n), jnp.float32),
    )(p0, p1, g, dinv, b, w)


def _fin_body(p0_ref, p1_ref, g_ref, dinv_ref, b_ref, o_ref):
    o_ref[...] = (dinv_ref[...] * (p0_ref[...] + p1_ref[...] + g_ref[...])
                  + b_ref[...])


def _fin(p0, p1, g, dinv, b, bm=1000):
    m = g.shape[0]
    return pl.pallas_call(
        _fin_body,
        grid=(m // bm,),
        in_specs=[pl.BlockSpec((bm, D), lambda i: (i, 0)),
                  pl.BlockSpec((bm, D), lambda i: (i, 0)),
                  pl.BlockSpec((bm, D), lambda i: (i, 0)),
                  pl.BlockSpec((bm, 1), lambda i: (i, 0)),
                  pl.BlockSpec((1, D), lambda i: (0, 0))],
        out_specs=pl.BlockSpec((bm, D), lambda i: (i, 0)),
        out_shape=jax.ShapeDtypeStruct((m, D), jnp.float32),
    )(p0, p1, g, dinv, b)


def kernel(x, edge_index, W1, b1, W2, b2, W3, b3):
    ei = edge_index.astype(jnp.int32)
    src, dst = ei[0], ei[1]
    npad_e = NW * EPW - E
    dst3 = jnp.concatenate(
        [dst, jnp.full((npad_e,), N, jnp.int32)]).reshape(NW, NCHUNK, CHUNK)
    def arrange(vals, fill):
        slots = jnp.concatenate(
            [vals, jnp.full((NTOT * CHUNK - E,), fill, jnp.int32)]
        ).reshape(NTOT, CHUNK)
        a = slots[:16 * M0].reshape(16, M0, CHUNK)
        b = slots[16 * M0:].reshape(16, M1, CHUNK)
        a = jnp.concatenate(
            [a, jnp.full((16, MMAX - M0, CHUNK), fill, jnp.int32)], axis=1)
        b = jnp.concatenate(
            [b, jnp.full((16, MMAX - M1, CHUNK), fill, jnp.int32)], axis=1)
        return jnp.concatenate([a, b], axis=0)

    src_f = arrange(src, 0)
    dst_f = arrange(dst, N)

    pdeg = _build_deg_kernel()(dst3)
    p0 = pdeg[0, :N, 0:1]
    p1 = pdeg[1, :N, 0:1]

    h1 = _matmul(x, W1)
    g1, dinv = _scale0(h1, p0, p1)

    agg = _build_agg_kernel()
    acc1 = agg(g1, src_f, dst_f)
    g2 = _mid(acc1[0, :N], acc1[1, :N], g1, dinv, b1.reshape(1, D), W2)

    acc2 = agg(g2, src_f, dst_f)
    g3 = _mid(acc2[0, :N], acc2[1, :N], g2, dinv, b2.reshape(1, D), W3)

    acc3 = agg(g3, src_f, dst_f)
    return _fin(acc3[0, :N], acc3[1, :N], g3, dinv, b3.reshape(1, D))

# --- scband reference (transcript-rebuilt; emitter-appended) ---
"""Pipeline reference for scband-graph-saintmodel-55662776156290 (READ-ONLY COPY).

The authoritative reference and input builder live on the scoring server;
editing this copy changes nothing except your own understanding.
"""

import jax, jax.numpy as jnp
import numpy as np

N_NODES = 10000
N_EDGES = 320000
IN_DIM = 128
HID = 64
OUT_DIM = 64

def setup_inputs(seed: int = 0) -> dict:
    key = jax.random.key(seed)
    ks = jax.random.split(key, 10)
    x = jax.random.normal(ks[0], (N_NODES, IN_DIM), dtype=jnp.float32)
    edge_index = jax.random.randint(ks[1], (2, N_EDGES), 0, N_NODES, dtype=jnp.int64)
    def glorot(k, fan_in, fan_out):
        lim = jnp.sqrt(6.0 / (fan_in + fan_out))
        return jax.random.uniform(k, (fan_in, fan_out), minval=-lim, maxval=lim, dtype=jnp.float32)
    W1 = glorot(ks[2], IN_DIM, HID)
    b1 = jnp.zeros((HID,), dtype=jnp.float32)
    W2 = glorot(ks[3], HID, HID)
    b2 = jnp.zeros((HID,), dtype=jnp.float32)
    W3 = glorot(ks[4], HID, OUT_DIM)
    b3 = jnp.zeros((OUT_DIM,), dtype=jnp.float32)
    return {"x": x, "edge_index": edge_index, "W1": W1, "b1": b1, "W2": W2, "b2": b2, "W3": W3, "b3": b3}

def _gcn_conv(x, src, dst, W, b, num_nodes):
    # add self loops
    loop = jnp.arange(num_nodes, dtype=src.dtype)
    s = jnp.concatenate([src, loop])
    d = jnp.concatenate([dst, loop])
    w = jnp.ones(s.shape[0], dtype=x.dtype)
    deg = jax.ops.segment_sum(w, d, num_segments=num_nodes)
    dinv = jnp.where(deg > 0, deg ** -0.5, 0.0)
    norm = dinv[s] * w * dinv[d]
    h = x @ W
    msg = h[s] * norm[:, None]
    out = jax.ops.segment_sum(msg, d, num_segments=num_nodes)
    return out + b

def reference(x, edge_index, W1, b1, W2, b2, W3, b3):
    num_nodes = x.shape[0]
    src, dst = edge_index[0], edge_index[1]
    h = _gcn_conv(x, src, dst, W1, b1, num_nodes)
    h = jax.nn.relu(h)  # dropout is identity in eval mode
    h = _gcn_conv(h, src, dst, W2, b2, num_nodes)
    h = jax.nn.relu(h)
    h = _gcn_conv(h, src, dst, W3, b3, num_nodes)
    return h

if __name__ == "__main__":
    import jax
    _d = setup_inputs()
    print(jax.jit(kernel)(*tuple(_d.values())))

</pallas_src>

<mosaic_0001>
#map = affine_map<(d0, d1) -> (0, 0, 0)>
module attributes {stable_mosaic.version = 14 : i64} {
  func.func @_deg_body(%arg0: i32, %arg1: i32, %arg2: memref<32x80x128xi32, #tpu.memory_space<hbm>>, %arg3: memref<2x10240x16xf32, #tpu.memory_space<hbm>>, %arg4: memref<80x128xi32, #tpu.memory_space<vmem>>, %arg5: memref<128x16xf32, #tpu.memory_space<vmem>>, %arg6: memref<10240x16xf32, #tpu.memory_space<vmem_shared>>, %arg7: memref<!tpu.dma_semaphore, #tpu.memory_space<semaphore_mem>>) attributes {dimension_semantics = [#tpu.dimension_semantics<core_parallel>, #tpu.dimension_semantics<subcore_parallel>], iteration_bounds = array<i64: 2, 16>, scalar_prefetch = 0 : i64, scratch_operands = 4 : i64, tpu.core_type = #tpu.core_type<sc_vector_subcore>, window_params = [{transform_indices = #map}, {transform_indices = #map}]} {
    %mul3A = arith.constant 16 : i32
    %mul3A_0 = arith.muli %arg0, %mul3A : i32
    %add3A = arith.addi %mul3A_0, %arg1 : i32
    %dma_start3A = arith.constant 0 : i32
    %dma_start3A_1 = arith.constant 0 : i32
    %dma_start3A_2 = tpu.memref_slice %arg2[%add3A, %dma_start3A, %dma_start3A_1] : memref<32x80x128xi32, #tpu.memory_space<hbm>> -> memref<1x80x128xi32, #tpu.memory_space<hbm>>
    %dma_start3A_3 = tpu.memref_squeeze %dma_start3A_2 : memref<1x80x128xi32, #tpu.memory_space<hbm>> -> memref<80x128xi32, #tpu.memory_space<hbm>>
    %dma_start3A_4 = arith.constant 0 : i32
    %dma_start3A_5 = arith.constant 0 : i32
    %dma_start3A_6 = tpu.memref_slice %arg2[%add3A, %dma_start3A_4, %dma_start3A_5] : memref<32x80x128xi32, #tpu.memory_space<hbm>> -> memref<1x80x128xi32, #tpu.memory_space<hbm>>
    %dma_start3A_7 = tpu.memref_squeeze %dma_start3A_6 : memref<1x80x128xi32, #tpu.memory_space<hbm>> -> memref<80x128xi32, #tpu.memory_space<hbm>>
    tpu.enqueue_dma source(%dma_start3A_7 : memref<80x128xi32, #tpu.memory_space<hbm>>) target(%arg4 : memref<80x128xi32, #tpu.memory_space<vmem>>) target_semaphore(%arg7 : memref<!tpu.dma_semaphore, #tpu.memory_space<semaphore_mem>>)
    %scan3A = arith.constant 0 : i32
    %scan3A_8 = arith.constant 0 : i32
    %scan3A_9 = arith.constant 128 : i32
    %scan3A_10 = arith.addi %scan3A_8, %scan3A_9 : i32
    %scan3A_11 = arith.constant 1 : i32
    scf.for %scan3A_45 = %scan3A_8 to %scan3A_10 step %scan3A_11  : i32 {
      %broadcast_in_dim3A = arith.constant 0.000000e+00 : f32
      %broadcast_in_dim3A_46 = vector.broadcast %broadcast_in_dim3A : f32 to vector<16xf32>
      %swap3A = arith.index_cast %scan3A_45 : i32 to index
      %swap3A_47 = arith.constant 0 : index
      %swap3A_48 = tpu.vector_load %arg5[%swap3A, %swap3A_47] {strides = array<i32>} : memref<128x16xf32, #tpu.memory_space<vmem>>, vector<1x16xf32>,
      %swap3A_49 = vector.shape_cast %swap3A_48 : vector<1x16xf32> to vector<16xf32>
      %swap3A_50 = vector.shape_cast %broadcast_in_dim3A_46 : vector<16xf32> to vector<1x16xf32>
      tpu.vector_store %arg5[%swap3A, %swap3A_47], %swap3A_50 {strides = array<i32>} : memref<128x16xf32, #tpu.memory_space<vmem>>, vector<1x16xf32>,
    }
    %scan3A_12 = arith.constant 128 : i32
    %mul3A_13 = arith.constant 640 : i32
    %mul3A_14 = arith.muli %arg1, %mul3A_13 : i32
    %add3A_15 = arith.constant 0 : i32
    %add3A_16 = arith.addi %mul3A_14, %add3A_15 : i32
    "tpu.region"() ({
      %run_scoped3A = tpu.sem_alloc : memref<!tpu.dma_semaphore, #tpu.memory_space<semaphore_mem>>
      %dma_start3A_45 = arith.constant 0 : i32
      %dma_start3A_46 = tpu.memref_slice %arg6[%add3A_16, %dma_start3A_45] : memref<10240x16xf32, #tpu.memory_space<vmem_shared>> -> memref<128x16xf32, #tpu.memory_space<vmem_shared>>
      %dma_start3A_47 = arith.constant 0 : i32
      %dma_start3A_48 = tpu.memref_slice %arg6[%add3A_16, %dma_start3A_47] : memref<10240x16xf32, #tpu.memory_space<vmem_shared>> -> memref<128x16xf32, #tpu.memory_space<vmem_shared>>
      tpu.enqueue_dma source(%arg5 : memref<128x16xf32, #tpu.memory_space<vmem>>) target(%dma_start3A_48 : memref<128x16xf32, #tpu.memory_space<vmem_shared>>) target_semaphore(%run_scoped3A : memref<!tpu.dma_semaphore, #tpu.memory_space<semaphore_mem>>)
      %dma_wait3A_49 = arith.constant 0 : i32
      %dma_wait3A_50 = tpu.memref_slice %arg6[%add3A_16, %dma_wait3A_49] : memref<10240x16xf32, #tpu.memory_space<vmem_shared>> -> memref<128x16xf32, #tpu.memory_space<vmem_shared>>
      %dma_wait3A_51 = arith.constant 0 : i32
      %dma_wait3A_52 = tpu.memref_slice %arg6[%add3A_16, %dma_wait3A_51] : memref<10240x16xf32, #tpu.memory_space<vmem_shared>> -> memref<128x16xf32, #tpu.memory_space<vmem_shared>>
      tpu.wait_dma2 semaphore(%run_scoped3A : memref<!tpu.dma_semaphore, #tpu.memory_space<semaphore_mem>>) src(%arg5 : memref<128x16xf32, #tpu.memory_space<vmem>>) dst(%dma_wait3A_52 : memref<128x16xf32, #tpu.memory_space<vmem_shared>>)
      tpu.yield
    }) : () -> ()
    %add3A_17 = arith.constant 128 : i32
    %add3A_18 = arith.addi %mul3A_14, %add3A_17 : i32
    "tpu.region"() ({
      %run_scoped3A = tpu.sem_alloc : memref<!tpu.dma_semaphore, #tpu.memory_space<semaphore_mem>>
      %dma_start3A_45 = arith.constant 0 : i32
      %dma_start3A_46 = tpu.memref_slice %arg6[%add3A_18, %dma_start3A_45] : memref<10240x16xf32, #tpu.memory_space<vmem_shared>> -> memref<128x16xf32, #tpu.memory_space<vmem_shared>>
      %dma_start3A_47 = arith.constant 0 : i32
      %dma_start3A_48 = tpu.memref_slice %arg6[%add3A_18, %dma_start3A_47] : memref<10240x16xf32, #tpu.memory_space<vmem_shared>> -> memref<128x16xf32, #tpu.memory_space<vmem_shared>>
      tpu.enqueue_dma source(%arg5 : memref<128x16xf32, #tpu.memory_space<vmem>>) target(%dma_start3A_48 : memref<128x16xf32, #tpu.memory_space<vmem_shared>>) target_semaphore(%run_scoped3A : memref<!tpu.dma_semaphore, #tpu.memory_space<semaphore_mem>>)
      %dma_wait3A_49 = arith.constant 0 : i32
      %dma_wait3A_50 = tpu.memref_slice %arg6[%add3A_18, %dma_wait3A_49] : memref<10240x16xf32, #tpu.memory_space<vmem_shared>> -> memref<128x16xf32, #tpu.memory_space<vmem_shared>>
      %dma_wait3A_51 = arith.constant 0 : i32
      %dma_wait3A_52 = tpu.memref_slice %arg6[%add3A_18, %dma_wait3A_51] : memref<10240x16xf32, #tpu.memory_space<vmem_shared>> -> memref<128x16xf32, #tpu.memory_space<vmem_shared>>
      tpu.wait_dma2 semaphore(%run_scoped3A : memref<!tpu.dma_semaphore, #tpu.memory_space<semaphore_mem>>) src(%arg5 : memref<128x16xf32, #tpu.memory_space<vmem>>) dst(%dma_wait3A_52 : memref<128x16xf32, #tpu.memory_space<vmem_shared>>)
      tpu.yield
    }) : () -> ()
    %add3A_19 = arith.constant 256 : i32
    %add3A_20 = arith.addi %mul3A_14, %add3A_19 : i32
    "tpu.region"() ({
      %run_scoped3A = tpu.sem_alloc : memref<!tpu.dma_semaphore, #tpu.memory_space<semaphore_mem>>
      %dma_start3A_45 = arith.constant 0 : i32
      %dma_start3A_46 = tpu.memref_slice %arg6[%add3A_20, %dma_start3A_45] : memref<10240x16xf32, #tpu.memory_space<vmem_shared>> -> memref<128x16xf32, #tpu.memory_space<vmem_shared>>
      %dma_start3A_47 = arith.constant 0 : i32
      %dma_start3A_48 = tpu.memref_slice %arg6[%add3A_20, %dma_start3A_47] : memref<10240x16xf32, #tpu.memory_space<vmem_shared>> -> memref<128x16xf32, #tpu.memory_space<vmem_shared>>
      tpu.enqueue_dma source(%arg5 : memref<128x16xf32, #tpu.memory_space<vmem>>) target(%dma_start3A_48 : memref<128x16xf32, #tpu.memory_space<vmem_shared>>) target_semaphore(%run_scoped3A : memref<!tpu.dma_semaphore, #tpu.memory_space<semaphore_mem>>)
      %dma_wait3A_49 = arith.constant 0 : i32
      %dma_wait3A_50 = tpu.memref_slice %arg6[%add3A_20, %dma_wait3A_49] : memref<10240x16xf32, #tpu.memory_space<vmem_shared>> -> memref<128x16xf32, #tpu.memory_space<vmem_shared>>
      %dma_wait3A_51 = arith.constant 0 : i32
      %dma_wait3A_52 = tpu.memref_slice %arg6[%add3A_20, %dma_wait3A_51] : memref<10240x16xf32, #tpu.memory_space<vmem_shared>> -> memref<128x16xf32, #tpu.memory_space<vmem_shared>>
      tpu.wait_dma2 semaphore(%run_scoped3A : memref<!tpu.dma_semaphore, #tpu.memory_space<semaphore_mem>>) src(%arg5 : memref<128x16xf32, #tpu.memory_space<vmem>>) dst(%dma_wait3A_52 : memref<128x16xf32, #tpu.memory_space<vmem_shared>>)
      tpu.yield
    }) : () -> ()
    %add3A_21 = arith.constant 384 : i32
    %add3A_22 = arith.addi %mul3A_14, %add3A_21 : i32
    "tpu.region"() ({
      %run_scoped3A = tpu.sem_alloc : memref<!tpu.dma_semaphore, #tpu.memory_space<semaphore_mem>>
      %dma_start3A_45 = arith.constant 0 : i32
      %dma_start3A_46 = tpu.memref_slice %arg6[%add3A_22, %dma_start3A_45] : memref<10240x16xf32, #tpu.memory_space<vmem_shared>> -> memref<128x16xf32, #tpu.memory_space<vmem_shared>>
      %dma_start3A_47 = arith.constant 0 : i32
      %dma_start3A_48 = tpu.memref_slice %arg6[%add3A_22, %dma_start3A_47] : memref<10240x16xf32, #tpu.memory_space<vmem_shared>> -> memref<128x16xf32, #tpu.memory_space<vmem_shared>>
      tpu.enqueue_dma source(%arg5 : memref<128x16xf32, #tpu.memory_space<vmem>>) target(%dma_start3A_48 : memref<128x16xf32, #tpu.memory_space<vmem_shared>>) target_semaphore(%run_scoped3A : memref<!tpu.dma_semaphore, #tpu.memory_space<semaphore_mem>>)
      %dma_wait3A_49 = arith.constant 0 : i32
      %dma_wait3A_50 = tpu.memref_slice %arg6[%add3A_22, %dma_wait3A_49] : memref<10240x16xf32, #tpu.memory_space<vmem_shared>> -> memref<128x16xf32, #tpu.memory_space<vmem_shared>>
      %dma_wait3A_51 = arith.constant 0 : i32
      %dma_wait3A_52 = tpu.memref_slice %arg6[%add3A_22, %dma_wait3A_51] : memref<10240x16xf32, #tpu.memory_space<vmem_shared>> -> memref<128x16xf32, #tpu.memory_space<vmem_shared>>
      tpu.wait_dma2 semaphore(%run_scoped3A : memref<!tpu.dma_semaphore, #tpu.memory_space<semaphore_mem>>) src(%arg5 : memref<128x16xf32, #tpu.memory_space<vmem>>) dst(%dma_wait3A_52 : memref<128x16xf32, #tpu.memory_space<vmem_shared>>)
      tpu.yield
    }) : () -> ()
    %add3A_23 = arith.constant 512 : i32
    %add3A_24 = arith.addi %mul3A_14, %add3A_23 : i32
    "tpu.region"() ({
      %run_scoped3A = tpu.sem_alloc : memref<!tpu.dma_semaphore, #tpu.memory_space<semaphore_mem>>
      %dma_start3A_45 = arith.constant 0 : i32
      %dma_start3A_46 = tpu.memref_slice %arg6[%add3A_24, %dma_start3A_45] : memref<10240x16xf32, #tpu.memory_space<vmem_shared>> -> memref<128x16xf32, #tpu.memory_space<vmem_shared>>
      %dma_start3A_47 = arith.constant 0 : i32
      %dma_start3A_48 = tpu.memref_slice %arg6[%add3A_24, %dma_start3A_47] : memref<10240x16xf32, #tpu.memory_space<vmem_shared>> -> memref<128x16xf32, #tpu.memory_space<vmem_shared>>
      tpu.enqueue_dma source(%arg5 : memref<128x16xf32, #tpu.memory_space<vmem>>) target(%dma_start3A_48 : memref<128x16xf32, #tpu.memory_space<vmem_shared>>) target_semaphore(%run_scoped3A : memref<!tpu.dma_semaphore, #tpu.memory_space<semaphore_mem>>)
      %dma_wait3A_49 = arith.constant 0 : i32
      %dma_wait3A_50 = tpu.memref_slice %arg6[%add3A_24, %dma_wait3A_49] : memref<10240x16xf32, #tpu.memory_space<vmem_shared>> -> memref<128x16xf32, #tpu.memory_space<vmem_shared>>
      %dma_wait3A_51 = arith.constant 0 : i32
      %dma_wait3A_52 = tpu.memref_slice %arg6[%add3A_24, %dma_wait3A_51] : memref<10240x16xf32, #tpu.memory_space<vmem_shared>> -> memref<128x16xf32, #tpu.memory_space<vmem_shared>>
      tpu.wait_dma2 semaphore(%run_scoped3A : memref<!tpu.dma_semaphore, #tpu.memory_space<semaphore_mem>>) src(%arg5 : memref<128x16xf32, #tpu.memory_space<vmem>>) dst(%dma_wait3A_52 : memref<128x16xf32, #tpu.memory_space<vmem_shared>>)
      tpu.yield
    }) : () -> ()
    %scan3A_25 = arith.constant 0 : i32
    %scan3A_26 = arith.constant 0 : i32
    %scan3A_27 = arith.constant 128 : i32
    %scan3A_28 = arith.addi %scan3A_26, %scan3A_27 : i32
    %scan3A_29 = arith.constant 1 : i32
    scf.for %scan3A_45 = %scan3A_26 to %scan3A_28 step %scan3A_29  : i32 {
      %broadcast_in_dim3A = arith.constant 1.000000e+00 : f32
      %broadcast_in_dim3A_46 = vector.broadcast %broadcast_in_dim3A : f32 to vector<16xf32>
      %swap3A = arith.index_cast %scan3A_45 : i32 to index
      %swap3A_47 = arith.constant 0 : index
      %swap3A_48 = tpu.vector_load %arg5[%swap3A, %swap3A_47] {strides = array<i32>} : memref<128x16xf32, #tpu.memory_space<vmem>>, vector<1x16xf32>,
      %swap3A_49 = vector.shape_cast %swap3A_48 : vector<1x16xf32> to vector<16xf32>
      %swap3A_50 = vector.shape_cast %broadcast_in_dim3A_46 : vector<16xf32> to vector<1x16xf32>
      tpu.vector_store %arg5[%swap3A, %swap3A_47], %swap3A_50 {strides = array<i32>} : memref<128x16xf32, #tpu.memory_space<vmem>>, vector<1x16xf32>,
    }
    %scan3A_30 = arith.constant 128 : i32
    %dma_wait3A = arith.constant 0 : i32
    %dma_wait3A_31 = arith.constant 0 : i32
    %dma_wait3A_32 = tpu.memref_slice %arg2[%add3A, %dma_wait3A, %dma_wait3A_31] : memref<32x80x128xi32, #tpu.memory_space<hbm>> -> memref<1x80x128xi32, #tpu.memory_space<hbm>>
    %dma_wait3A_33 = tpu.memref_squeeze %dma_wait3A_32 : memref<1x80x128xi32, #tpu.memory_space<hbm>> -> memref<80x128xi32, #tpu.memory_space<hbm>>
    %dma_wait3A_34 = arith.constant 0 : i32
    %dma_wait3A_35 = arith.constant 0 : i32
    %dma_wait3A_36 = tpu.memref_slice %arg2[%add3A, %dma_wait3A_34, %dma_wait3A_35] : memref<32x80x128xi32, #tpu.memory_space<hbm>> -> memref<1x80x128xi32, #tpu.memory_space<hbm>>
    %dma_wait3A_37 = tpu.memref_squeeze %dma_wait3A_36 : memref<1x80x128xi32, #tpu.memory_space<hbm>> -> memref<80x128xi32, #tpu.memory_space<hbm>>
    tpu.wait_dma2 semaphore(%arg7 : memref<!tpu.dma_semaphore, #tpu.memory_space<semaphore_mem>>) src(%dma_wait3A_37 : memref<80x128xi32, #tpu.memory_space<hbm>>) dst(%arg4 : memref<80x128xi32, #tpu.memory_space<vmem>>)
    %barrier3A = arith.constant 0 : index
    tpu.barrier barrier_id(%barrier3A)
    %scan3A_38 = arith.constant 0 : i32
    %scan3A_39 = arith.constant 0 : i32
    %scan3A_40 = arith.constant 80 : i32
    %scan3A_41 = arith.addi %scan3A_39, %scan3A_40 : i32
    %scan3A_42 = arith.constant 1 : i32
    scf.for %scan3A_45 = %scan3A_39 to %scan3A_41 step %scan3A_42  : i32 {
      "tpu.region"() ({
        %run_scoped3A = tpu.sem_alloc : memref<!tpu.dma_semaphore, #tpu.memory_space<semaphore_mem>>
        %dma_start3A_46 = arith.constant 0 : i32
        %dma_start3A_47 = tpu.memref_slice %arg4[%scan3A_45, %dma_start3A_46] : memref<80x128xi32, #tpu.memory_space<vmem>> -> memref<1x128xi32, #tpu.memory_space<vmem>>
        %dma_start3A_48 = tpu.memref_squeeze %dma_start3A_47 : memref<1x128xi32, #tpu.memory_space<vmem>> -> memref<128xi32, #tpu.memory_space<vmem>>
        %dma_start3A_49 = arith.constant 0 : i32
        %dma_start3A_50 = arith.constant 0 : i32
        %dma_start3A_51 = tpu.memref_slice %arg6[%dma_start3A_49, %dma_start3A_50] : memref<10240x16xf32, #tpu.memory_space<vmem_shared>> -> memref<10240x16xf32, #tpu.memory_space<vmem_shared>>
        tpu.enqueue_indirect_dma source(%arg5 : memref<128x16xf32, #tpu.memory_space<vmem>>) target(%dma_start3A_51 : memref<10240x16xf32, #tpu.memory_space<vmem_shared>>) offsets(%dma_start3A_48 : memref<128xi32, #tpu.memory_space<vmem>>) semaphore(%run_scoped3A : memref<!tpu.dma_semaphore, #tpu.memory_space<semaphore_mem>>) {add = true}
        %dma_wait3A_52 = arith.constant 0 : i32
        %dma_wait3A_53 = tpu.memref_slice %arg4[%scan3A_45, %dma_wait3A_52] : memref<80x128xi32, #tpu.memory_space<vmem>> -> memref<1x128xi32, #tpu.memory_space<vmem>>
        %dma_wait3A_54 = tpu.memref_squeeze %dma_wait3A_53 : memref<1x128xi32, #tpu.memory_space<vmem>> -> memref<128xi32, #tpu.memory_space<vmem>>
        %dma_wait3A_55 = arith.constant 0 : i32
        %dma_wait3A_56 = arith.constant 0 : i32
        %dma_wait3A_57 = tpu.memref_slice %arg6[%dma_wait3A_55, %dma_wait3A_56] : memref<10240x16xf32, #tpu.memory_space<vmem_shared>> -> memref<10240x16xf32, #tpu.memory_space<vmem_shared>>
        tpu.wait_indirect_dma semaphore(%run_scoped3A : memref<!tpu.dma_semaphore, #tpu.memory_space<semaphore_mem>>) src(%arg5 : memref<128x16xf32, #tpu.memory_space<vmem>>) dst(%dma_wait3A_57 : memref<10240x16xf32, #tpu.memory_space<vmem_shared>>)
        tpu.yield
      }) : () -> ()
    }
    %scan3A_43 = arith.constant 80 : i32
    %barrier3A_44 = arith.constant 0 : index
    tpu.barrier barrier_id(%barrier3A_44)
    "tpu.region"() ({
      %run_scoped3A = tpu.sem_alloc : memref<!tpu.dma_semaphore, #tpu.memory_space<semaphore_mem>>
      %dma_start3A_45 = arith.constant 0 : i32
      %dma_start3A_46 = tpu.memref_slice %arg3[%arg0, %mul3A_14, %dma_start3A_45] : memref<2x10240x16xf32, #tpu.memory_space<hbm>> -> memref<1x640x16xf32, #tpu.memory_space<hbm>>
      %dma_start3A_47 = tpu.memref_squeeze %dma_start3A_46 : memref<1x640x16xf32, #tpu.memory_space<hbm>> -> memref<640x16xf32, #tpu.memory_space<hbm>>
      %dma_start3A_48 = arith.constant 0 : i32
      %dma_start3A_49 = tpu.memref_slice %arg6[%mul3A_14, %dma_start3A_48] : memref<10240x16xf32, #tpu.memory_space<vmem_shared>> -> memref<640x16xf32, #tpu.memory_space<vmem_shared>>
      tpu.enqueue_dma source(%dma_start3A_49 : memref<640x16xf32, #tpu.memory_space<vmem_shared>>) target(%dma_start3A_47 : memref<640x16xf32, #tpu.memory_space<hbm>>) target_semaphore(%run_scoped3A : memref<!tpu.dma_semaphore, #tpu.memory_space<semaphore_mem>>)
      %dma_wait3A_50 = arith.constant 0 : i32
      %dma_wait3A_51 = tpu.memref_slice %arg3[%arg0, %mul3A_14, %dma_wait3A_50] : memref<2x10240x16xf32, #tpu.memory_space<hbm>> -> memref<1x640x16xf32, #tpu.memory_space<hbm>>
      %dma_wait3A_52 = tpu.memref_squeeze %dma_wait3A_51 : memref<1x640x16xf32, #tpu.memory_space<hbm>> -> memref<640x16xf32, #tpu.memory_space<hbm>>
      %dma_wait3A_53 = arith.constant 0 : i32
      %dma_wait3A_54 = tpu.memref_slice %arg6[%mul3A_14, %dma_wait3A_53] : memref<10240x16xf32, #tpu.memory_space<vmem_shared>> -> memref<640x16xf32, #tpu.memory_space<vmem_shared>>
      tpu.wait_dma2 semaphore(%run_scoped3A : memref<!tpu.dma_semaphore, #tpu.memory_space<semaphore_mem>>) src(%dma_wait3A_54 : memref<640x16xf32, #tpu.memory_space<vmem_shared>>) dst(%dma_wait3A_52 : memref<640x16xf32, #tpu.memory_space<hbm>>)
      tpu.yield
    }) : () -> ()
    return
  }
}

#map = affine_map<(d0, d1) -> (0, 0)>
#map1 = affine_map<(d0, d1) -> (0, 0, 0)>
module attributes {stable_mosaic.version = 14 : i64} {
  func.func @_agg_body(%arg0: i32, %arg1: i32, %arg2: memref<10000x64xf32, #tpu.memory_space<hbm>>, %arg3: memref<32x80x128xi32, #tpu.memory_space<hbm>>, %arg4: memref<32x80x128xi32, #tpu.memory_space<hbm>>, %arg5: memref<2x10240x64xf32, #tpu.memory_space<hbm>>, %arg6: memref<80x128xi32, #tpu.memory_space<vmem>>, %arg7: memref<80x128xi32, #tpu.memory_space<vmem>>, %arg8: memref<256x64xf32, #tpu.memory_space<vmem>>, %arg9: memref<10240x64xf32, #tpu.memory_space<vmem_shared>>, %arg10: memref<!tpu.dma_semaphore, #tpu.memory_space<semaphore_mem>>, %arg11: memref<!tpu.dma_semaphore, #tpu.memory_space<semaphore_mem>>, %arg12: memref<!tpu.dma_semaphore, #tpu.memory_space<semaphore_mem>>) attributes {dimension_semantics = [#tpu.dimension_semantics<core_parallel>, #tpu.dimension_semantics<subcore_parallel>], iteration_bounds = array<i64: 2, 16>, scalar_prefetch = 0 : i64, scratch_operands = 7 : i64, tpu.core_type = #tpu.core_type<sc_vector_subcore>, window_params = [{transform_indices = #map}, {transform_indices = #map1}, {transform_indices = #map1}, {transform_indices = #map1}]} {
    %mul3A = arith.constant 16 : i32
    %mul3A_0 = arith.muli %arg0, %mul3A : i32
    %add3A = arith.addi %mul3A_0, %arg1 : i32
    %eq3A = arith.constant 0 : i32
    %eq3A_1 = arith.cmpi eq, %arg0, %eq3A : i32
    %jit3A = arith.constant 80 : i32
    %jit3A_2 = arith.constant 80 : i32
    %select_n3A = arith.select %eq3A_1, %jit3A, %jit3A_2 : i32
    %dma_start3A = arith.constant 0 : i32
    %dma_start3A_3 = arith.constant 0 : i32
    %dma_start3A_4 = tpu.memref_slice %arg3[%add3A, %dma_start3A, %dma_start3A_3] : memref<32x80x128xi32, #tpu.memory_space<hbm>> -> memref<1x80x128xi32, #tpu.memory_space<hbm>>
    %dma_start3A_5 = tpu.memref_squeeze %dma_start3A_4 : memref<1x80x128xi32, #tpu.memory_space<hbm>> -> memref<80x128xi32, #tpu.memory_space<hbm>>
    %dma_start3A_6 = arith.constant 0 : i32
    %dma_start3A_7 = arith.constant 0 : i32
    %dma_start3A_8 = tpu.memref_slice %arg3[%add3A, %dma_start3A_6, %dma_start3A_7] : memref<32x80x128xi32, #tpu.memory_space<hbm>> -> memref<1x80x128xi32, #tpu.memory_space<hbm>>
    %dma_start3A_9 = tpu.memref_squeeze %dma_start3A_8 : memref<1x80x128xi32, #tpu.memory_space<hbm>> -> memref<80x128xi32, #tpu.memory_space<hbm>>
    tpu.enqueue_dma source(%dma_start3A_9 : memref<80x128xi32, #tpu.memory_space<hbm>>) target(%arg6 : memref<80x128xi32, #tpu.memory_space<vmem>>) target_semaphore(%arg11 : memref<!tpu.dma_semaphore, #tpu.memory_space<semaphore_mem>>)
    %dma_start3A_10 = arith.constant 0 : i32
    %dma_start3A_11 = arith.constant 0 : i32
    %dma_start3A_12 = tpu.memref_slice %arg4[%add3A, %dma_start3A_10, %dma_start3A_11] : memref<32x80x128xi32, #tpu.memory_space<hbm>> -> memref<1x80x128xi32, #tpu.memory_space<hbm>>
    %dma_start3A_13 = tpu.memref_squeeze %dma_start3A_12 : memref<1x80x128xi32, #tpu.memory_space<hbm>> -> memref<80x128xi32, #tpu.memory_space<hbm>>
    %dma_start3A_14 = arith.constant 0 : i32
    %dma_start3A_15 = arith.constant 0 : i32
    %dma_start3A_16 = tpu.memref_slice %arg4[%add3A, %dma_start3A_14, %dma_start3A_15] : memref<32x80x128xi32, #tpu.memory_space<hbm>> -> memref<1x80x128xi32, #tpu.memory_space<hbm>>
    %dma_start3A_17 = tpu.memref_squeeze %dma_start3A_16 : memref<1x80x128xi32, #tpu.memory_space<hbm>> -> memref<80x128xi32, #tpu.memory_space<hbm>>
    tpu.enqueue_dma source(%dma_start3A_17 : memref<80x128xi32, #tpu.memory_space<hbm>>) target(%arg7 : memref<80x128xi32, #tpu.memory_space<vmem>>) target_semaphore(%arg12 : memref<!tpu.dma_semaphore, #tpu.memory_space<semaphore_mem>>)
    %scan3A = arith.constant 0 : i32
    %scan3A_18 = arith.constant 0 : i32
    %scan3A_19 = arith.constant 128 : i32
    %scan3A_20 = arith.addi %scan3A_18, %scan3A_19 : i32
    %scan3A_21 = arith.constant 1 : i32
    scf.for %scan3A_62 = %scan3A_18 to %scan3A_20 step %scan3A_21  : i32 {
      %broadcast_in_dim3A = arith.constant 0.000000e+00 : f32
      %broadcast_in_dim3A_63 = vector.broadcast %broadcast_in_dim3A : f32 to vector<16xf32>
      %swap3A = arith.index_cast %scan3A_62 : i32 to index
      %swap3A_64 = arith.constant 0 : index
      %swap3A_65 = tpu.vector_load %arg8[%swap3A, %swap3A_64] {strides = array<i32>} : memref<256x64xf32, #tpu.memory_space<vmem>>, vector<1x16xf32>,
      %swap3A_66 = vector.shape_cast %swap3A_65 : vector<1x16xf32> to vector<16xf32>
      %swap3A_67 = vector.shape_cast %broadcast_in_dim3A_63 : vector<16xf32> to vector<1x16xf32>
      tpu.vector_store %arg8[%swap3A, %swap3A_64], %swap3A_67 {strides = array<i32>} : memref<256x64xf32, #tpu.memory_space<vmem>>, vector<1x16xf32>,
      %broadcast_in_dim3A_68 = arith.constant 0.000000e+00 : f32
      %broadcast_in_dim3A_69 = vector.broadcast %broadcast_in_dim3A_68 : f32 to vector<16xf32>
      %swap3A_70 = arith.index_cast %scan3A_62 : i32 to index
      %swap3A_71 = arith.constant 16 : index
      %swap3A_72 = tpu.vector_load %arg8[%swap3A_70, %swap3A_71] {strides = array<i32>} : memref<256x64xf32, #tpu.memory_space<vmem>>, vector<1x16xf32>,
      %swap3A_73 = vector.shape_cast %swap3A_72 : vector<1x16xf32> to vector<16xf32>
      %swap3A_74 = vector.shape_cast %broadcast_in_dim3A_69 : vector<16xf32> to vector<1x16xf32>
      tpu.vector_store %arg8[%swap3A_70, %swap3A_71], %swap3A_74 {strides = array<i32>} : memref<256x64xf32, #tpu.memory_space<vmem>>, vector<1x16xf32>,
      %broadcast_in_dim3A_75 = arith.constant 0.000000e+00 : f32
      %broadcast_in_dim3A_76 = vector.broadcast %broadcast_in_dim3A_75 : f32 to vector<16xf32>
      %swap3A_77 = arith.index_cast %scan3A_62 : i32 to index
      %swap3A_78 = arith.constant 32 : index
      %swap3A_79 = tpu.vector_load %arg8[%swap3A_77, %swap3A_78] {strides = array<i32>} : memref<256x64xf32, #tpu.memory_space<vmem>>, vector<1x16xf32>,
      %swap3A_80 = vector.shape_cast %swap3A_79 : vector<1x16xf32> to vector<16xf32>
      %swap3A_81 = vector.shape_cast %broadcast_in_dim3A_76 : vector<16xf32> to vector<1x16xf32>
      tpu.vector_store %arg8[%swap3A_77, %swap3A_78], %swap3A_81 {strides = array<i32>} : memref<256x64xf32, #tpu.memory_space<vmem>>, vector<1x16xf32>,
      %broadcast_in_dim3A_82 = arith.constant 0.000000e+00 : f32
      %broadcast_in_dim3A_83 = vector.broadcast %broadcast_in_dim3A_82 : f32 to vector<16xf32>
      %swap3A_84 = arith.index_cast %scan3A_62 : i32 to index
      %swap3A_85 = arith.constant 48 : index
      %swap3A_86 = tpu.vector_load %arg8[%swap3A_84, %swap3A_85] {strides = array<i32>} : memref<256x64xf32, #tpu.memory_space<vmem>>, vector<1x16xf32>,
      %swap3A_87 = vector.shape_cast %swap3A_86 : vector<1x16xf32> to vector<16xf32>
      %swap3A_88 = vector.shape_cast %broadcast_in_dim3A_83 : vector<16xf32> to vector<1x16xf32>
      tpu.vector_store %arg8[%swap3A_84, %swap3A_85], %swap3A_88 {strides = array<i32>} : memref<256x64xf32, #tpu.memory_space<vmem>>, vector<1x16xf32>,
    }
    %scan3A_22 = arith.constant 128 : i32
    %mul3A_23 = arith.constant 640 : i32
    %mul3A_24 = arith.muli %arg1, %mul3A_23 : i32
    %add3A_25 = arith.constant 0 : i32
    %add3A_26 = arith.addi %mul3A_24, %add3A_25 : i32
    "tpu.region"() ({
      %run_scoped3A = tpu.sem_alloc : memref<!tpu.dma_semaphore, #tpu.memory_space<semaphore_mem>>
      %dma_start3A_62 = arith.constant 0 : i32
      %dma_start3A_63 = arith.constant 0 : i32
      %dma_start3A_64 = tpu.memref_slice %arg8[%dma_start3A_62, %dma_start3A_63] : memref<256x64xf32, #tpu.memory_space<vmem>> -> memref<128x64xf32, #tpu.memory_space<vmem>>
      %dma_start3A_65 = arith.constant 0 : i32
      %dma_start3A_66 = tpu.memref_slice %arg9[%add3A_26, %dma_start3A_65] : memref<10240x64xf32, #tpu.memory_space<vmem_shared>> -> memref<128x64xf32, #tpu.memory_space<vmem_shared>>
      %dma_start3A_67 = arith.constant 0 : i32
      %dma_start3A_68 = tpu.memref_slice %arg9[%add3A_26, %dma_start3A_67] : memref<10240x64xf32, #tpu.memory_space<vmem_shared>> -> memref<128x64xf32, #tpu.memory_space<vmem_shared>>
      %dma_start3A_69 = arith.constant 0 : i32
      %dma_start3A_70 = arith.constant 0 : i32
      %dma_start3A_71 = tpu.memref_slice %arg8[%dma_start3A_69, %dma_start3A_70] : memref<256x64xf32, #tpu.memory_space<vmem>> -> memref<128x64xf32, #tpu.memory_space<vmem>>
      tpu.enqueue_dma source(%dma_start3A_71 : memref<128x64xf32, #tpu.memory_space<vmem>>) target(%dma_start3A_68 : memref<128x64xf32, #tpu.memory_space<vmem_shared>>) target_semaphore(%run_scoped3A : memref<!tpu.dma_semaphore, #tpu.memory_space<semaphore_mem>>)
      %dma_wait3A_72 = arith.constant 0 : i32
      %dma_wait3A_73 = arith.constant 0 : i32
      %dma_wait3A_74 = tpu.memref_slice %arg8[%dma_wait3A_72, %dma_wait3A_73] : memref<256x64xf32, #tpu.memory_space<vmem>> -> memref<128x64xf32, #tpu.memory_space<vmem>>
      %dma_wait3A_75 = arith.constant 0 : i32
      %dma_wait3A_76 = tpu.memref_slice %arg9[%add3A_26, %dma_wait3A_75] : memref<10240x64xf32, #tpu.memory_space<vmem_shared>> -> memref<128x64xf32, #tpu.memory_space<vmem_shared>>
      %dma_wait3A_77 = arith.constant 0 : i32
      %dma_wait3A_78 = tpu.memref_slice %arg9[%add3A_26, %dma_wait3A_77] : memref<10240x64xf32, #tpu.memory_space<vmem_shared>> -> memref<128x64xf32, #tpu.memory_space<vmem_shared>>
      %dma_wait3A_79 = arith.constant 0 : i32
      %dma_wait3A_80 = arith.constant 0 : i32
      %dma_wait3A_81 = tpu.memref_slice %arg8[%dma_wait3A_79, %dma_wait3A_80] : memref<256x64xf32, #tpu.memory_space<vmem>> -> memref<128x64xf32, #tpu.memory_space<vmem>>
      tpu.wait_dma2 semaphore(%run_scoped3A : memref<!tpu.dma_semaphore, #tpu.memory_space<semaphore_mem>>) src(%dma_wait3A_81 : memref<128x64xf32, #tpu.memory_space<vmem>>) dst(%dma_wait3A_78 : memref<128x64xf32, #tpu.memory_space<vmem_shared>>)
      tpu.yield
    }) : () -> ()
    %add3A_27 = arith.constant 128 : i32
    %add3A_28 = arith.addi %mul3A_24, %add3A_27 : i32
    "tpu.region"() ({
      %run_scoped3A = tpu.sem_alloc : memref<!tpu.dma_semaphore, #tpu.memory_space<semaphore_mem>>
      %dma_start3A_62 = arith.constant 0 : i32
      %dma_start3A_63 = arith.constant 0 : i32
      %dma_start3A_64 = tpu.memref_slice %arg8[%dma_start3A_62, %dma_start3A_63] : memref<256x64xf32, #tpu.memory_space<vmem>> -> memref<128x64xf32, #tpu.memory_space<vmem>>
      %dma_start3A_65 = arith.constant 0 : i32
      %dma_start3A_66 = tpu.memref_slice %arg9[%add3A_28, %dma_start3A_65] : memref<10240x64xf32, #tpu.memory_space<vmem_shared>> -> memref<128x64xf32, #tpu.memory_space<vmem_shared>>
      %dma_start3A_67 = arith.constant 0 : i32
      %dma_start3A_68 = tpu.memref_slice %arg9[%add3A_28, %dma_start3A_67] : memref<10240x64xf32, #tpu.memory_space<vmem_shared>> -> memref<128x64xf32, #tpu.memory_space<vmem_shared>>
      %dma_start3A_69 = arith.constant 0 : i32
      %dma_start3A_70 = arith.constant 0 : i32
      %dma_start3A_71 = tpu.memref_slice %arg8[%dma_start3A_69, %dma_start3A_70] : memref<256x64xf32, #tpu.memory_space<vmem>> -> memref<128x64xf32, #tpu.memory_space<vmem>>
      tpu.enqueue_dma source(%dma_start3A_71 : memref<128x64xf32, #tpu.memory_space<vmem>>) target(%dma_start3A_68 : memref<128x64xf32, #tpu.memory_space<vmem_shared>>) target_semaphore(%run_scoped3A : memref<!tpu.dma_semaphore, #tpu.memory_space<semaphore_mem>>)
      %dma_wait3A_72 = arith.constant 0 : i32
      %dma_wait3A_73 = arith.constant 0 : i32
      %dma_wait3A_74 = tpu.memref_slice %arg8[%dma_wait3A_72, %dma_wait3A_73] : memref<256x64xf32, #tpu.memory_space<vmem>> -> memref<128x64xf32, #tpu.memory_space<vmem>>
      %dma_wait3A_75 = arith.constant 0 : i32
      %dma_wait3A_76 = tpu.memref_slice %arg9[%add3A_28, %dma_wait3A_75] : memref<10240x64xf32, #tpu.memory_space<vmem_shared>> -> memref<128x64xf32, #tpu.memory_space<vmem_shared>>
      %dma_wait3A_77 = arith.constant 0 : i32
      %dma_wait3A_78 = tpu.memref_slice %arg9[%add3A_28, %dma_wait3A_77] : memref<10240x64xf32, #tpu.memory_space<vmem_shared>> -> memref<128x64xf32, #tpu.memory_space<vmem_shared>>
      %dma_wait3A_79 = arith.constant 0 : i32
      %dma_wait3A_80 = arith.constant 0 : i32
      %dma_wait3A_81 = tpu.memref_slice %arg8[%dma_wait3A_79, %dma_wait3A_80] : memref<256x64xf32, #tpu.memory_space<vmem>> -> memref<128x64xf32, #tpu.memory_space<vmem>>
      tpu.wait_dma2 semaphore(%run_scoped3A : memref<!tpu.dma_semaphore, #tpu.memory_space<semaphore_mem>>) src(%dma_wait3A_81 : memref<128x64xf32, #tpu.memory_space<vmem>>) dst(%dma_wait3A_78 : memref<128x64xf32, #tpu.memory_space<vmem_shared>>)
      tpu.yield
    }) : () -> ()
    %add3A_29 = arith.constant 256 : i32
    %add3A_30 = arith.addi %mul3A_24, %add3A_29 : i32
    "tpu.region"() ({
      %run_scoped3A = tpu.sem_alloc : memref<!tpu.dma_semaphore, #tpu.memory_space<semaphore_mem>>
      %dma_start3A_62 = arith.constant 0 : i32
      %dma_start3A_63 = arith.constant 0 : i32
      %dma_start3A_64 = tpu.memref_slice %arg8[%dma_start3A_62, %dma_start3A_63] : memref<256x64xf32, #tpu.memory_space<vmem>> -> memref<128x64xf32, #tpu.memory_space<vmem>>
      %dma_start3A_65 = arith.constant 0 : i32
      %dma_start3A_66 = tpu.memref_slice %arg9[%add3A_30, %dma_start3A_65] : memref<10240x64xf32, #tpu.memory_space<vmem_shared>> -> memref<128x64xf32, #tpu.memory_space<vmem_shared>>
      %dma_start3A_67 = arith.constant 0 : i32
      %dma_start3A_68 = tpu.memref_slice %arg9[%add3A_30, %dma_start3A_67] : memref<10240x64xf32, #tpu.memory_space<vmem_shared>> -> memref<128x64xf32, #tpu.memory_space<vmem_shared>>
      %dma_start3A_69 = arith.constant 0 : i32
      %dma_start3A_70 = arith.constant 0 : i32
      %dma_start3A_71 = tpu.memref_slice %arg8[%dma_start3A_69, %dma_start3A_70] : memref<256x64xf32, #tpu.memory_space<vmem>> -> memref<128x64xf32, #tpu.memory_space<vmem>>
      tpu.enqueue_dma source(%dma_start3A_71 : memref<128x64xf32, #tpu.memory_space<vmem>>) target(%dma_start3A_68 : memref<128x64xf32, #tpu.memory_space<vmem_shared>>) target_semaphore(%run_scoped3A : memref<!tpu.dma_semaphore, #tpu.memory_space<semaphore_mem>>)
      %dma_wait3A_72 = arith.constant 0 : i32
      %dma_wait3A_73 = arith.constant 0 : i32
      %dma_wait3A_74 = tpu.memref_slice %arg8[%dma_wait3A_72, %dma_wait3A_73] : memref<256x64xf32, #tpu.memory_space<vmem>> -> memref<128x64xf32, #tpu.memory_space<vmem>>
      %dma_wait3A_75 = arith.constant 0 : i32
      %dma_wait3A_76 = tpu.memref_slice %arg9[%add3A_30, %dma_wait3A_75] : memref<10240x64xf32, #tpu.memory_space<vmem_shared>> -> memref<128x64xf32, #tpu.memory_space<vmem_shared>>
      %dma_wait3A_77 = arith.constant 0 : i32
      %dma_wait3A_78 = tpu.memref_slice %arg9[%add3A_30, %dma_wait3A_77] : memref<10240x64xf32, #tpu.memory_space<vmem_shared>> -> memref<128x64xf32, #tpu.memory_space<vmem_shared>>
      %dma_wait3A_79 = arith.constant 0 : i32
      %dma_wait3A_80 = arith.constant 0 : i32
      %dma_wait3A_81 = tpu.memref_slice %arg8[%dma_wait3A_79, %dma_wait3A_80] : memref<256x64xf32, #tpu.memory_space<vmem>> -> memref<128x64xf32, #tpu.memory_space<vmem>>
      tpu.wait_dma2 semaphore(%run_scoped3A : memref<!tpu.dma_semaphore, #tpu.memory_space<semaphore_mem>>) src(%dma_wait3A_81 : memref<128x64xf32, #tpu.memory_space<vmem>>) dst(%dma_wait3A_78 : memref<128x64xf32, #tpu.memory_space<vmem_shared>>)
      tpu.yield
    }) : () -> ()
    %add3A_31 = arith.constant 384 : i32
    %add3A_32 = arith.addi %mul3A_24, %add3A_31 : i32
    "tpu.region"() ({
      %run_scoped3A = tpu.sem_alloc : memref<!tpu.dma_semaphore, #tpu.memory_space<semaphore_mem>>
      %dma_start3A_62 = arith.constant 0 : i32
      %dma_start3A_63 = arith.constant 0 : i32
      %dma_start3A_64 = tpu.memref_slice %arg8[%dma_start3A_62, %dma_start3A_63] : memref<256x64xf32, #tpu.memory_space<vmem>> -> memref<128x64xf32, #tpu.memory_space<vmem>>
      %dma_start3A_65 = arith.constant 0 : i32
      %dma_start3A_66 = tpu.memref_slice %arg9[%add3A_32, %dma_start3A_65] : memref<10240x64xf32, #tpu.memory_space<vmem_shared>> -> memref<128x64xf32, #tpu.memory_space<vmem_shared>>
      %dma_start3A_67 = arith.constant 0 : i32
      %dma_start3A_68 = tpu.memref_slice %arg9[%add3A_32, %dma_start3A_67] : memref<10240x64xf32, #tpu.memory_space<vmem_shared>> -> memref<128x64xf32, #tpu.memory_space<vmem_shared>>
      %dma_start3A_69 = arith.constant 0 : i32
      %dma_start3A_70 = arith.constant 0 : i32
      %dma_start3A_71 = tpu.memref_slice %arg8[%dma_start3A_69, %dma_start3A_70] : memref<256x64xf32, #tpu.memory_space<vmem>> -> memref<128x64xf32, #tpu.memory_space<vmem>>
      tpu.enqueue_dma source(%dma_start3A_71 : memref<128x64xf32, #tpu.memory_space<vmem>>) target(%dma_start3A_68 : memref<128x64xf32, #tpu.memory_space<vmem_shared>>) target_semaphore(%run_scoped3A : memref<!tpu.dma_semaphore, #tpu.memory_space<semaphore_mem>>)
      %dma_wait3A_72 = arith.constant 0 : i32
      %dma_wait3A_73 = arith.constant 0 : i32
      %dma_wait3A_74 = tpu.memref_slice %arg8[%dma_wait3A_72, %dma_wait3A_73] : memref<256x64xf32, #tpu.memory_space<vmem>> -> memref<128x64xf32, #tpu.memory_space<vmem>>
      %dma_wait3A_75 = arith.constant 0 : i32
      %dma_wait3A_76 = tpu.memref_slice %arg9[%add3A_32, %dma_wait3A_75] : memref<10240x64xf32, #tpu.memory_space<vmem_shared>> -> memref<128x64xf32, #tpu.memory_space<vmem_shared>>
      %dma_wait3A_77 = arith.constant 0 : i32
      %dma_wait3A_78 = tpu.memref_slice %arg9[%add3A_32, %dma_wait3A_77] : memref<10240x64xf32, #tpu.memory_space<vmem_shared>> -> memref<128x64xf32, #tpu.memory_space<vmem_shared>>
      %dma_wait3A_79 = arith.constant 0 : i32
      %dma_wait3A_80 = arith.constant 0 : i32
      %dma_wait3A_81 = tpu.memref_slice %arg8[%dma_wait3A_79, %dma_wait3A_80] : memref<256x64xf32, #tpu.memory_space<vmem>> -> memref<128x64xf32, #tpu.memory_space<vmem>>
      tpu.wait_dma2 semaphore(%run_scoped3A : memref<!tpu.dma_semaphore, #tpu.memory_space<semaphore_mem>>) src(%dma_wait3A_81 : memref<128x64xf32, #tpu.memory_space<vmem>>) dst(%dma_wait3A_78 : memref<128x64xf32, #tpu.memory_space<vmem_shared>>)
      tpu.yield
    }) : () -> ()
    %add3A_33 = arith.constant 512 : i32
    %add3A_34 = arith.addi %mul3A_24, %add3A_33 : i32
    "tpu.region"() ({
      %run_scoped3A = tpu.sem_alloc : memref<!tpu.dma_semaphore, #tpu.memory_space<semaphore_mem>>
      %dma_start3A_62 = arith.constant 0 : i32
      %dma_start3A_63 = arith.constant 0 : i32
      %dma_start3A_64 = tpu.memref_slice %arg8[%dma_start3A_62, %dma_start3A_63] : memref<256x64xf32, #tpu.memory_space<vmem>> -> memref<128x64xf32, #tpu.memory_space<vmem>>
      %dma_start3A_65 = arith.constant 0 : i32
      %dma_start3A_66 = tpu.memref_slice %arg9[%add3A_34, %dma_start3A_65] : memref<10240x64xf32, #tpu.memory_space<vmem_shared>> -> memref<128x64xf32, #tpu.memory_space<vmem_shared>>
      %dma_start3A_67 = arith.constant 0 : i32
      %dma_start3A_68 = tpu.memref_slice %arg9[%add3A_34, %dma_start3A_67] : memref<10240x64xf32, #tpu.memory_space<vmem_shared>> -> memref<128x64xf32, #tpu.memory_space<vmem_shared>>
      %dma_start3A_69 = arith.constant 0 : i32
      %dma_start3A_70 = arith.constant 0 : i32
      %dma_start3A_71 = tpu.memref_slice %arg8[%dma_start3A_69, %dma_start3A_70] : memref<256x64xf32, #tpu.memory_space<vmem>> -> memref<128x64xf32, #tpu.memory_space<vmem>>
      tpu.enqueue_dma source(%dma_start3A_71 : memref<128x64xf32, #tpu.memory_space<vmem>>) target(%dma_start3A_68 : memref<128x64xf32, #tpu.memory_space<vmem_shared>>) target_semaphore(%run_scoped3A : memref<!tpu.dma_semaphore, #tpu.memory_space<semaphore_mem>>)
      %dma_wait3A_72 = arith.constant 0 : i32
      %dma_wait3A_73 = arith.constant 0 : i32
      %dma_wait3A_74 = tpu.memref_slice %arg8[%dma_wait3A_72, %dma_wait3A_73] : memref<256x64xf32, #tpu.memory_space<vmem>> -> memref<128x64xf32, #tpu.memory_space<vmem>>
      %dma_wait3A_75 = arith.constant 0 : i32
      %dma_wait3A_76 = tpu.memref_slice %arg9[%add3A_34, %dma_wait3A_75] : memref<10240x64xf32, #tpu.memory_space<vmem_shared>> -> memref<128x64xf32, #tpu.memory_space<vmem_shared>>
      %dma_wait3A_77 = arith.constant 0 : i32
      %dma_wait3A_78 = tpu.memref_slice %arg9[%add3A_34, %dma_wait3A_77] : memref<10240x64xf32, #tpu.memory_space<vmem_shared>> -> memref<128x64xf32, #tpu.memory_space<vmem_shared>>
      %dma_wait3A_79 = arith.constant 0 : i32
      %dma_wait3A_80 = arith.constant 0 : i32
      %dma_wait3A_81 = tpu.memref_slice %arg8[%dma_wait3A_79, %dma_wait3A_80] : memref<256x64xf32, #tpu.memory_space<vmem>> -> memref<128x64xf32, #tpu.memory_space<vmem>>
      tpu.wait_dma2 semaphore(%run_scoped3A : memref<!tpu.dma_semaphore, #tpu.memory_space<semaphore_mem>>) src(%dma_wait3A_81 : memref<128x64xf32, #tpu.memory_space<vmem>>) dst(%dma_wait3A_78 : memref<128x64xf32, #tpu.memory_space<vmem_shared>>)
      tpu.yield
    }) : () -> ()
    %dma_wait3A = arith.constant 0 : i32
    %dma_wait3A_35 = arith.constant 0 : i32
    %dma_wait3A_36 = tpu.memref_slice %arg3[%add3A, %dma_wait3A, %dma_wait3A_35] : memref<32x80x128xi32, #tpu.memory_space<hbm>> -> memref<1x80x128xi32, #tpu.memory_space<hbm>>
    %dma_wait3A_37 = tpu.memref_squeeze %dma_wait3A_36 : memref<1x80x128xi32, #tpu.memory_space<hbm>> -> memref<80x128xi32, #tpu.memory_space<hbm>>
    %dma_wait3A_38 = arith.constant 0 : i32
    %dma_wait3A_39 = arith.constant 0 : i32
    %dma_wait3A_40 = tpu.memref_slice %arg3[%add3A, %dma_wait3A_38, %dma_wait3A_39] : memref<32x80x128xi32, #tpu.memory_space<hbm>> -> memref<1x80x128xi32, #tpu.memory_space<hbm>>
    %dma_wait3A_41 = tpu.memref_squeeze %dma_wait3A_40 : memref<1x80x128xi32, #tpu.memory_space<hbm>> -> memref<80x128xi32, #tpu.memory_space<hbm>>
    tpu.wait_dma2 semaphore(%arg11 : memref<!tpu.dma_semaphore, #tpu.memory_space<semaphore_mem>>) src(%dma_wait3A_41 : memref<80x128xi32, #tpu.memory_space<hbm>>) dst(%arg6 : memref<80x128xi32, #tpu.memory_space<vmem>>)
    %dma_wait3A_42 = arith.constant 0 : i32
    %dma_wait3A_43 = arith.constant 0 : i32
    %dma_wait3A_44 = tpu.memref_slice %arg4[%add3A, %dma_wait3A_42, %dma_wait3A_43] : memref<32x80x128xi32, #tpu.memory_space<hbm>> -> memref<1x80x128xi32, #tpu.memory_space<hbm>>
    %dma_wait3A_45 = tpu.memref_squeeze %dma_wait3A_44 : memref<1x80x128xi32, #tpu.memory_space<hbm>> -> memref<80x128xi32, #tpu.memory_space<hbm>>
    %dma_wait3A_46 = arith.constant 0 : i32
    %dma_wait3A_47 = arith.constant 0 : i32
    %dma_wait3A_48 = tpu.memref_slice %arg4[%add3A, %dma_wait3A_46, %dma_wait3A_47] : memref<32x80x128xi32, #tpu.memory_space<hbm>> -> memref<1x80x128xi32, #tpu.memory_space<hbm>>
    %dma_wait3A_49 = tpu.memref_squeeze %dma_wait3A_48 : memref<1x80x128xi32, #tpu.memory_space<hbm>> -> memref<80x128xi32, #tpu.memory_space<hbm>>
    tpu.wait_dma2 semaphore(%arg12 : memref<!tpu.dma_semaphore, #tpu.memory_space<semaphore_mem>>) src(%dma_wait3A_49 : memref<80x128xi32, #tpu.memory_space<hbm>>) dst(%arg7 : memref<80x128xi32, #tpu.memory_space<vmem>>)
    %barrier3A = arith.constant 0 : index
    tpu.barrier barrier_id(%barrier3A)
    %add3A_50 = arith.constant 1 : i32
    %add3A_51 = arith.addi %select_n3A, %add3A_50 : i32
    %while3A = arith.constant 0 : i32
    %while3A_52 = arith.constant 0 : i32
    %while3A_53 = arith.subi %add3A_51, %while3A_52 : i32
    %while3A_54 = arith.addi %while3A_52, %while3A_53 : i32
    %while3A_55 = arith.constant 1 : i32
    %while3A_56 = arith.divsi %while3A_53, %while3A_55 : i32
    %while3A_57 = arith.muli %while3A_56, %while3A_55 : i32
    %while3A_58 = arith.addi %while3A_52, %while3A_57 : i32
    %while3A_59 = arith.constant 1 : i32
    scf.for %while3A_62 = %while3A_52 to %while3A_58 step %while3A_59  : i32 {
      %rem3A = arith.constant 2 : i32
      %rem3A_63 = arith.remsi %while3A_62, %rem3A : i32
      %mul3A_64 = arith.constant 128 : i32
      %mul3A_65 = arith.muli %rem3A_63, %mul3A_64 : i32
      %sub3A = arith.constant 1 : i32
      %sub3A_66 = arith.subi %while3A_62, %sub3A : i32
      %max3A = arith.constant 0 : i32
      %max3A_67 = arith.maxsi %sub3A_66, %max3A : i32
      %rem3A_68 = arith.constant 2 : i32
      %rem3A_69 = arith.remsi %max3A_67, %rem3A_68 : i32
      %mul3A_70 = arith.constant 128 : i32
      %mul3A_71 = arith.muli %rem3A_69, %mul3A_70 : i32
      %lt3A = arith.cmpi slt, %while3A_62, %select_n3A : i32
      %convert_element_type3A = arith.extui %lt3A : i1 to i32
      %cond3A = arith.constant 0 : i32
      %cond3A_72 = arith.cmpi ne, %convert_element_type3A, %cond3A : i32
      scf.if %cond3A_72 {
        %dma_start3A_77 = arith.constant 0 : i32
        %dma_start3A_78 = tpu.memref_slice %arg8[%mul3A_65, %dma_start3A_77] : memref<256x64xf32, #tpu.memory_space<vmem>> -> memref<128x64xf32, #tpu.memory_space<vmem>>
        %dma_start3A_79 = arith.constant 0 : i32
        %dma_start3A_80 = tpu.memref_slice %arg6[%while3A_62, %dma_start3A_79] : memref<80x128xi32, #tpu.memory_space<vmem>> -> memref<1x128xi32, #tpu.memory_space<vmem>>
        %dma_start3A_81 = tpu.memref_squeeze %dma_start3A_80 : memref<1x128xi32, #tpu.memory_space<vmem>> -> memref<128xi32, #tpu.memory_space<vmem>>
        %dma_start3A_82 = arith.constant 0 : i32
        %dma_start3A_83 = arith.constant 0 : i32
        %dma_start3A_84 = tpu.memref_slice %arg2[%dma_start3A_82, %dma_start3A_83] : memref<10000x64xf32, #tpu.memory_space<hbm>> -> memref<10000x64xf32, #tpu.memory_space<hbm>>
        tpu.enqueue_indirect_dma source(%dma_start3A_84 : memref<10000x64xf32, #tpu.memory_space<hbm>>) target(%dma_start3A_78 : memref<128x64xf32, #tpu.memory_space<vmem>>) offsets(%dma_start3A_81 : memref<128xi32, #tpu.memory_space<vmem>>) semaphore(%arg10 : memref<!tpu.dma_semaphore, #tpu.memory_space<semaphore_mem>>)
      } else {
      }
      %gt3A = arith.constant 0 : i32
      %gt3A_73 = arith.cmpi sgt, %while3A_62, %gt3A : i32
      %convert_element_type3A_74 = arith.extui %gt3A_73 : i1 to i32
      %cond3A_75 = arith.constant 0 : i32
      %cond3A_76 = arith.cmpi ne, %convert_element_type3A_74, %cond3A_75 : i32
      scf.if %cond3A_76 {
        %dma_wait3A_77 = arith.constant 0 : i32
        %dma_wait3A_78 = tpu.memref_slice %arg8[%mul3A_71, %dma_wait3A_77] : memref<256x64xf32, #tpu.memory_space<vmem>> -> memref<128x64xf32, #tpu.memory_space<vmem>>
        %dma_wait3A_79 = arith.constant 0 : i32
        %dma_wait3A_80 = tpu.memref_slice %arg6[%max3A_67, %dma_wait3A_79] : memref<80x128xi32, #tpu.memory_space<vmem>> -> memref<1x128xi32, #tpu.memory_space<vmem>>
        %dma_wait3A_81 = tpu.memref_squeeze %dma_wait3A_80 : memref<1x128xi32, #tpu.memory_space<vmem>> -> memref<128xi32, #tpu.memory_space<vmem>>
        %dma_wait3A_82 = arith.constant 0 : i32
        %dma_wait3A_83 = arith.constant 0 : i32
        %dma_wait3A_84 = tpu.memref_slice %arg2[%dma_wait3A_82, %dma_wait3A_83] : memref<10000x64xf32, #tpu.memory_space<hbm>> -> memref<10000x64xf32, #tpu.memory_space<hbm>>
        tpu.wait_indirect_dma semaphore(%arg10 : memref<!tpu.dma_semaphore, #tpu.memory_space<semaphore_mem>>) src(%dma_wait3A_84 : memref<10000x64xf32, #tpu.memory_space<hbm>>) dst(%dma_wait3A_78 : memref<128x64xf32, #tpu.memory_space<vmem>>)
        "tpu.region"() ({
          %run_scoped3A = tpu.sem_alloc : memref<!tpu.dma_semaphore, #tpu.memory_space<semaphore_mem>>
          %dma_start3A_85 = arith.constant 0 : i32
          %dma_start3A_86 = tpu.memref_slice %arg8[%mul3A_71, %dma_start3A_85] : memref<256x64xf32, #tpu.memory_space<vmem>> -> memref<128x64xf32, #tpu.memory_space<vmem>>
          %dma_start3A_87 = arith.constant 0 : i32
          %dma_start3A_88 = tpu.memref_slice %arg7[%max3A_67, %dma_start3A_87] : memref<80x128xi32, #tpu.memory_space<vmem>> -> memref<1x128xi32, #tpu.memory_space<vmem>>
          %dma_start3A_89 = tpu.memref_squeeze %dma_start3A_88 : memref<1x128xi32, #tpu.memory_space<vmem>> -> memref<128xi32, #tpu.memory_space<vmem>>
          %dma_start3A_90 = arith.constant 0 : i32
          %dma_start3A_91 = arith.constant 0 : i32
          %dma_start3A_92 = tpu.memref_slice %arg9[%dma_start3A_90, %dma_start3A_91] : memref<10240x64xf32, #tpu.memory_space<vmem_shared>> -> memref<10240x64xf32, #tpu.memory_space<vmem_shared>>
          tpu.enqueue_indirect_dma source(%dma_start3A_86 : memref<128x64xf32, #tpu.memory_space<vmem>>) target(%dma_start3A_92 : memref<10240x64xf32, #tpu.memory_space<vmem_shared>>) offsets(%dma_start3A_89 : memref<128xi32, #tpu.memory_space<vmem>>) semaphore(%run_scoped3A : memref<!tpu.dma_semaphore, #tpu.memory_space<semaphore_mem>>) {add = true}
          %dma_wait3A_93 = arith.constant 0 : i32
          %dma_wait3A_94 = tpu.memref_slice %arg8[%mul3A_71, %dma_wait3A_93] : memref<256x64xf32, #tpu.memory_space<vmem>> -> memref<128x64xf32, #tpu.memory_space<vmem>>
          %dma_wait3A_95 = arith.constant 0 : i32
          %dma_wait3A_96 = tpu.memref_slice %arg7[%max3A_67, %dma_wait3A_95] : memref<80x128xi32, #tpu.memory_space<vmem>> -> memref<1x128xi32, #tpu.memory_space<vmem>>
          %dma_wait3A_97 = tpu.memref_squeeze %dma_wait3A_96 : memref<1x128xi32, #tpu.memory_space<vmem>> -> memref<128xi32, #tpu.memory_space<vmem>>
          %dma_wait3A_98 = arith.constant 0 : i32
          %dma_wait3A_99 = arith.constant 0 : i32
          %dma_wait3A_100 = tpu.memref_slice %arg9[%dma_wait3A_98, %dma_wait3A_99] : memref<10240x64xf32, #tpu.memory_space<vmem_shared>> -> memref<10240x64xf32, #tpu.memory_space<vmem_shared>>
          tpu.wait_indirect_dma semaphore(%run_scoped3A : memref<!tpu.dma_semaphore, #tpu.memory_space<semaphore_mem>>) src(%dma_wait3A_94 : memref<128x64xf32, #tpu.memory_space<vmem>>) dst(%dma_wait3A_100 : memref<10240x64xf32, #tpu.memory_space<vmem_shared>>)
          tpu.yield
        }) : () -> ()
      } else {
      }
    }
    %while3A_60 = arith.constant 1 : i32
    scf.for %while3A_62 = %while3A_58 to %while3A_54 step %while3A_60  : i32 {
      %rem3A = arith.constant 2 : i32
      %rem3A_63 = arith.remsi %while3A_62, %rem3A : i32
      %mul3A_64 = arith.constant 128 : i32
      %mul3A_65 = arith.muli %rem3A_63, %mul3A_64 : i32
      %sub3A = arith.constant 1 : i32
      %sub3A_66 = arith.subi %while3A_62, %sub3A : i32
      %max3A = arith.constant 0 : i32
      %max3A_67 = arith.maxsi %sub3A_66, %max3A : i32
      %rem3A_68 = arith.constant 2 : i32
      %rem3A_69 = arith.remsi %max3A_67, %rem3A_68 : i32
      %mul3A_70 = arith.constant 128 : i32
      %mul3A_71 = arith.muli %rem3A_69, %mul3A_70 : i32
      %lt3A = arith.cmpi slt, %while3A_62, %select_n3A : i32
      %convert_element_type3A = arith.extui %lt3A : i1 to i32
      %cond3A = arith.constant 0 : i32
      %cond3A_72 = arith.cmpi ne, %convert_element_type3A, %cond3A : i32
      scf.if %cond3A_72 {
        %dma_start3A_77 = arith.constant 0 : i32
        %dma_start3A_78 = tpu.memref_slice %arg8[%mul3A_65, %dma_start3A_77] : memref<256x64xf32, #tpu.memory_space<vmem>> -> memref<128x64xf32, #tpu.memory_space<vmem>>
        %dma_start3A_79 = arith.constant 0 : i32
        %dma_start3A_80 = tpu.memref_slice %arg6[%while3A_62, %dma_start3A_79] : memref<80x128xi32, #tpu.memory_space<vmem>> -> memref<1x128xi32, #tpu.memory_space<vmem>>
        %dma_start3A_81 = tpu.memref_squeeze %dma_start3A_80 : memref<1x128xi32, #tpu.memory_space<vmem>> -> memref<128xi32, #tpu.memory_space<vmem>>
        %dma_start3A_82 = arith.constant 0 : i32
        %dma_start3A_83 = arith.constant 0 : i32
        %dma_start3A_84 = tpu.memref_slice %arg2[%dma_start3A_82, %dma_start3A_83] : memref<10000x64xf32, #tpu.memory_space<hbm>> -> memref<10000x64xf32, #tpu.memory_space<hbm>>
        tpu.enqueue_indirect_dma source(%dma_start3A_84 : memref<10000x64xf32, #tpu.memory_space<hbm>>) target(%dma_start3A_78 : memref<128x64xf32, #tpu.memory_space<vmem>>) offsets(%dma_start3A_81 : memref<128xi32, #tpu.memory_space<vmem>>) semaphore(%arg10 : memref<!tpu.dma_semaphore, #tpu.memory_space<semaphore_mem>>)
      } else {
      }
      %gt3A = arith.constant 0 : i32
      %gt3A_73 = arith.cmpi sgt, %while3A_62, %gt3A : i32
      %convert_element_type3A_74 = arith.extui %gt3A_73 : i1 to i32
      %cond3A_75 = arith.constant 0 : i32
      %cond3A_76 = arith.cmpi ne, %convert_element_type3A_74, %cond3A_75 : i32
      scf.if %cond3A_76 {
        %dma_wait3A_77 = arith.constant 0 : i32
        %dma_wait3A_78 = tpu.memref_slice %arg8[%mul3A_71, %dma_wait3A_77] : memref<256x64xf32, #tpu.memory_space<vmem>> -> memref<128x64xf32, #tpu.memory_space<vmem>>
        %dma_wait3A_79 = arith.constant 0 : i32
        %dma_wait3A_80 = tpu.memref_slice %arg6[%max3A_67, %dma_wait3A_79] : memref<80x128xi32, #tpu.memory_space<vmem>> -> memref<1x128xi32, #tpu.memory_space<vmem>>
        %dma_wait3A_81 = tpu.memref_squeeze %dma_wait3A_80 : memref<1x128xi32, #tpu.memory_space<vmem>> -> memref<128xi32, #tpu.memory_space<vmem>>
        %dma_wait3A_82 = arith.constant 0 : i32
        %dma_wait3A_83 = arith.constant 0 : i32
        %dma_wait3A_84 = tpu.memref_slice %arg2[%dma_wait3A_82, %dma_wait3A_83] : memref<10000x64xf32, #tpu.memory_space<hbm>> -> memref<10000x64xf32, #tpu.memory_space<hbm>>
        tpu.wait_indirect_dma semaphore(%arg10 : memref<!tpu.dma_semaphore, #tpu.memory_space<semaphore_mem>>) src(%dma_wait3A_84 : memref<10000x64xf32, #tpu.memory_space<hbm>>) dst(%dma_wait3A_78 : memref<128x64xf32, #tpu.memory_space<vmem>>)
        "tpu.region"() ({
          %run_scoped3A = tpu.sem_alloc : memref<!tpu.dma_semaphore, #tpu.memory_space<semaphore_mem>>
          %dma_start3A_85 = arith.constant 0 : i32
          %dma_start3A_86 = tpu.memref_slice %arg8[%mul3A_71, %dma_start3A_85] : memref<256x64xf32, #tpu.memory_space<vmem>> -> memref<128x64xf32, #tpu.memory_space<vmem>>
          %dma_start3A_87 = arith.constant 0 : i32
          %dma_start3A_88 = tpu.memref_slice %arg7[%max3A_67, %dma_start3A_87] : memref<80x128xi32, #tpu.memory_space<vmem>> -> memref<1x128xi32, #tpu.memory_space<vmem>>
          %dma_start3A_89 = tpu.memref_squeeze %dma_start3A_88 : memref<1x128xi32, #tpu.memory_space<vmem>> -> memref<128xi32, #tpu.memory_space<vmem>>
          %dma_start3A_90 = arith.constant 0 : i32
          %dma_start3A_91 = arith.constant 0 : i32
          %dma_start3A_92 = tpu.memref_slice %arg9[%dma_start3A_90, %dma_start3A_91] : memref<10240x64xf32, #tpu.memory_space<vmem_shared>> -> memref<10240x64xf32, #tpu.memory_space<vmem_shared>>
          tpu.enqueue_indirect_dma source(%dma_start3A_86 : memref<128x64xf32, #tpu.memory_space<vmem>>) target(%dma_start3A_92 : memref<10240x64xf32, #tpu.memory_space<vmem_shared>>) offsets(%dma_start3A_89 : memref<128xi32, #tpu.memory_space<vmem>>) semaphore(%run_scoped3A : memref<!tpu.dma_semaphore, #tpu.memory_space<semaphore_mem>>) {add = true}
          %dma_wait3A_93 = arith.constant 0 : i32
          %dma_wait3A_94 = tpu.memref_slice %arg8[%mul3A_71, %dma_wait3A_93] : memref<256x64xf32, #tpu.memory_space<vmem>> -> memref<128x64xf32, #tpu.memory_space<vmem>>
          %dma_wait3A_95 = arith.constant 0 : i32
          %dma_wait3A_96 = tpu.memref_slice %arg7[%max3A_67, %dma_wait3A_95] : memref<80x128xi32, #tpu.memory_space<vmem>> -> memref<1x128xi32, #tpu.memory_space<vmem>>
          %dma_wait3A_97 = tpu.memref_squeeze %dma_wait3A_96 : memref<1x128xi32, #tpu.memory_space<vmem>> -> memref<128xi32, #tpu.memory_space<vmem>>
          %dma_wait3A_98 = arith.constant 0 : i32
          %dma_wait3A_99 = arith.constant 0 : i32
          %dma_wait3A_100 = tpu.memref_slice %arg9[%dma_wait3A_98, %dma_wait3A_99] : memref<10240x64xf32, #tpu.memory_space<vmem_shared>> -> memref<10240x64xf32, #tpu.memory_space<vmem_shared>>
          tpu.wait_indirect_dma semaphore(%run_scoped3A : memref<!tpu.dma_semaphore, #tpu.memory_space<semaphore_mem>>) src(%dma_wait3A_94 : memref<128x64xf32, #tpu.memory_space<vmem>>) dst(%dma_wait3A_100 : memref<10240x64xf32, #tpu.memory_space<vmem_shared>>)
          tpu.yield
        }) : () -> ()
      } else {
      }
    }
    %barrier3A_61 = arith.constant 0 : index
    tpu.barrier barrier_id(%barrier3A_61)
    "tpu.region"() ({
      %run_scoped3A = tpu.sem_alloc : memref<!tpu.dma_semaphore, #tpu.memory_space<semaphore_mem>>
      %dma_start3A_62 = arith.constant 0 : i32
      %dma_start3A_63 = tpu.memref_slice %arg5[%arg0, %mul3A_24, %dma_start3A_62] : memref<2x10240x64xf32, #tpu.memory_space<hbm>> -> memref<1x640x64xf32, #tpu.memory_space<hbm>>
      %dma_start3A_64 = tpu.memref_squeeze %dma_start3A_63 : memref<1x640x64xf32, #tpu.memory_space<hbm>> -> memref<640x64xf32, #tpu.memory_space<hbm>>
      %dma_start3A_65 = arith.constant 0 : i32
      %dma_start3A_66 = tpu.memref_slice %arg9[%mul3A_24, %dma_start3A_65] : memref<10240x64xf32, #tpu.memory_space<vmem_shared>> -> memref<640x64xf32, #tpu.memory_space<vmem_shared>>
      tpu.enqueue_dma source(%dma_start3A_66 : memref<640x64xf32, #tpu.memory_space<vmem_shared>>) target(%dma_start3A_64 : memref<640x64xf32, #tpu.memory_space<hbm>>) target_semaphore(%run_scoped3A : memref<!tpu.dma_semaphore, #tpu.memory_space<semaphore_mem>>)
      %dma_wait3A_67 = arith.constant 0 : i32
      %dma_wait3A_68 = tpu.memref_slice %arg5[%arg0, %mul3A_24, %dma_wait3A_67] : memref<2x10240x64xf32, #tpu.memory_space<hbm>> -> memref<1x640x64xf32, #tpu.memory_space<hbm>>
      %dma_wait3A_69 = tpu.memref_squeeze %dma_wait3A_68 : memref<1x640x64xf32, #tpu.memory_space<hbm>> -> memref<640x64xf32, #tpu.memory_space<hbm>>
      %dma_wait3A_70 = arith.constant 0 : i32
      %dma_wait3A_71 = tpu.memref_slice %arg9[%mul3A_24, %dma_wait3A_70] : memref<10240x64xf32, #tpu.memory_space<vmem_shared>> -> memref<640x64xf32, #tpu.memory_space<vmem_shared>>
      tpu.wait_dma2 semaphore(%run_scoped3A : memref<!tpu.dma_semaphore, #tpu.memory_space<semaphore_mem>>) src(%dma_wait3A_71 : memref<640x64xf32, #tpu.memory_space<vmem_shared>>) dst(%dma_wait3A_69 : memref<640x64xf32, #tpu.memory_space<hbm>>)
      tpu.yield
    }) : () -> ()
    return
  }
}

#map = affine_map<(d0, d1) -> (0, 0)>
#map1 = affine_map<(d0, d1) -> (0, 0, 0)>
module attributes {stable_mosaic.version = 14 : i64} {
  func.func @_agg_body(%arg0: i32, %arg1: i32, %arg2: memref<10000x64xf32, #tpu.memory_space<hbm>>, %arg3: memref<32x80x128xi32, #tpu.memory_space<hbm>>, %arg4: memref<32x80x128xi32, #tpu.memory_space<hbm>>, %arg5: memref<2x10240x64xf32, #tpu.memory_space<hbm>>, %arg6: memref<80x128xi32, #tpu.memory_space<vmem>>, %arg7: memref<80x128xi32, #tpu.memory_space<vmem>>, %arg8: memref<256x64xf32, #tpu.memory_space<vmem>>, %arg9: memref<10240x64xf32, #tpu.memory_space<vmem_shared>>, %arg10: memref<!tpu.dma_semaphore, #tpu.memory_space<semaphore_mem>>, %arg11: memref<!tpu.dma_semaphore, #tpu.memory_space<semaphore_mem>>, %arg12: memref<!tpu.dma_semaphore, #tpu.memory_space<semaphore_mem>>) attributes {dimension_semantics = [#tpu.dimension_semantics<core_parallel>, #tpu.dimension_semantics<subcore_parallel>], iteration_bounds = array<i64: 2, 16>, scalar_prefetch = 0 : i64, scratch_operands = 7 : i64, tpu.core_type = #tpu.core_type<sc_vector_subcore>, window_params = [{transform_indices = #map}, {transform_indices = #map1}, {transform_indices = #map1}, {transform_indices = #map1}]} {
    %mul3A = arith.constant 16 : i32
    %mul3A_0 = arith.muli %arg0, %mul3A : i32
    %add3A = arith.addi %mul3A_0, %arg1 : i32
    %eq3A = arith.constant 0 : i32
    %eq3A_1 = arith.cmpi eq, %arg0, %eq3A : i32
    %jit3A = arith.constant 80 : i32
    %jit3A_2 = arith.constant 80 : i32
    %select_n3A = arith.select %eq3A_1, %jit3A, %jit3A_2 : i32
    %dma_start3A = arith.constant 0 : i32
    %dma_start3A_3 = arith.constant 0 : i32
    %dma_start3A_4 = tpu.memref_slice %arg3[%add3A, %dma_start3A, %dma_start3A_3] : memref<32x80x128xi32, #tpu.memory_space<hbm>> -> memref<1x80x128xi32, #tpu.memory_space<hbm>>
    %dma_start3A_5 = tpu.memref_squeeze %dma_start3A_4 : memref<1x80x128xi32, #tpu.memory_space<hbm>> -> memref<80x128xi32, #tpu.memory_space<hbm>>
    %dma_start3A_6 = arith.constant 0 : i32
    %dma_start3A_7 = arith.constant 0 : i32
    %dma_start3A_8 = tpu.memref_slice %arg3[%add3A, %dma_start3A_6, %dma_start3A_7] : memref<32x80x128xi32, #tpu.memory_space<hbm>> -> memref<1x80x128xi32, #tpu.memory_space<hbm>>
    %dma_start3A_9 = tpu.memref_squeeze %dma_start3A_8 : memref<1x80x128xi32, #tpu.memory_space<hbm>> -> memref<80x128xi32, #tpu.memory_space<hbm>>
    tpu.enqueue_dma source(%dma_start3A_9 : memref<80x128xi32, #tpu.memory_space<hbm>>) target(%arg6 : memref<80x128xi32, #tpu.memory_space<vmem>>) target_semaphore(%arg11 : memref<!tpu.dma_semaphore, #tpu.memory_space<semaphore_mem>>)
    %dma_start3A_10 = arith.constant 0 : i32
    %dma_start3A_11 = arith.constant 0 : i32
    %dma_start3A_12 = tpu.memref_slice %arg4[%add3A, %dma_start3A_10, %dma_start3A_11] : memref<32x80x128xi32, #tpu.memory_space<hbm>> -> memref<1x80x128xi32, #tpu.memory_space<hbm>>
    %dma_start3A_13 = tpu.memref_squeeze %dma_start3A_12 : memref<1x80x128xi32, #tpu.memory_space<hbm>> -> memref<80x128xi32, #tpu.memory_space<hbm>>
    %dma_start3A_14 = arith.constant 0 : i32
    %dma_start3A_15 = arith.constant 0 : i32
    %dma_start3A_16 = tpu.memref_slice %arg4[%add3A, %dma_start3A_14, %dma_start3A_15] : memref<32x80x128xi32, #tpu.memory_space<hbm>> -> memref<1x80x128xi32, #tpu.memory_space<hbm>>
    %dma_start3A_17 = tpu.memref_squeeze %dma_start3A_16 : memref<1x80x128xi32, #tpu.memory_space<hbm>> -> memref<80x128xi32, #tpu.memory_space<hbm>>
    tpu.enqueue_dma source(%dma_start3A_17 : memref<80x128xi32, #tpu.memory_space<hbm>>) target(%arg7 : memref<80x128xi32, #tpu.memory_space<vmem>>) target_semaphore(%arg12 : memref<!tpu.dma_semaphore, #tpu.memory_space<semaphore_mem>>)
    %scan3A = arith.constant 0 : i32
    %scan3A_18 = arith.constant 0 : i32
    %scan3A_19 = arith.constant 128 : i32
    %scan3A_20 = arith.addi %scan3A_18, %scan3A_19 : i32
    %scan3A_21 = arith.constant 1 : i32
    scf.for %scan3A_62 = %scan3A_18 to %scan3A_20 step %scan3A_21  : i32 {
      %broadcast_in_dim3A = arith.constant 0.000000e+00 : f32
      %broadcast_in_dim3A_63 = vector.broadcast %broadcast_in_dim3A : f32 to vector<16xf32>
      %swap3A = arith.index_cast %scan3A_62 : i32 to index
      %swap3A_64 = arith.constant 0 : index
      %swap3A_65 = tpu.vector_load %arg8[%swap3A, %swap3A_64] {strides = array<i32>} : memref<256x64xf32, #tpu.memory_space<vmem>>, vector<1x16xf32>,
      %swap3A_66 = vector.shape_cast %swap3A_65 : vector<1x16xf32> to vector<16xf32>
      %swap3A_67 = vector.shape_cast %broadcast_in_dim3A_63 : vector<16xf32> to vector<1x16xf32>
      tpu.vector_store %arg8[%swap3A, %swap3A_64], %swap3A_67 {strides = array<i32>} : memref<256x64xf32, #tpu.memory_space<vmem>>, vector<1x16xf32>,
      %broadcast_in_dim3A_68 = arith.constant 0.000000e+00 : f32
      %broadcast_in_dim3A_69 = vector.broadcast %broadcast_in_dim3A_68 : f32 to vector<16xf32>
      %swap3A_70 = arith.index_cast %scan3A_62 : i32 to index
      %swap3A_71 = arith.constant 16 : index
      %swap3A_72 = tpu.vector_load %arg8[%swap3A_70, %swap3A_71] {strides = array<i32>} : memref<256x64xf32, #tpu.memory_space<vmem>>, vector<1x16xf32>,
      %swap3A_73 = vector.shape_cast %swap3A_72 : vector<1x16xf32> to vector<16xf32>
      %swap3A_74 = vector.shape_cast %broadcast_in_dim3A_69 : vector<16xf32> to vector<1x16xf32>
      tpu.vector_store %arg8[%swap3A_70, %swap3A_71], %swap3A_74 {strides = array<i32>} : memref<256x64xf32, #tpu.memory_space<vmem>>, vector<1x16xf32>,
      %broadcast_in_dim3A_75 = arith.constant 0.000000e+00 : f32
      %broadcast_in_dim3A_76 = vector.broadcast %broadcast_in_dim3A_75 : f32 to vector<16xf32>
      %swap3A_77 = arith.index_cast %scan3A_62 : i32 to index
      %swap3A_78 = arith.constant 32 : index
      %swap3A_79 = tpu.vector_load %arg8[%swap3A_77, %swap3A_78] {strides = array<i32>} : memref<256x64xf32, #tpu.memory_space<vmem>>, vector<1x16xf32>,
      %swap3A_80 = vector.shape_cast %swap3A_79 : vector<1x16xf32> to vector<16xf32>
      %swap3A_81 = vector.shape_cast %broadcast_in_dim3A_76 : vector<16xf32> to vector<1x16xf32>
      tpu.vector_store %arg8[%swap3A_77, %swap3A_78], %swap3A_81 {strides = array<i32>} : memref<256x64xf32, #tpu.memory_space<vmem>>, vector<1x16xf32>,
      %broadcast_in_dim3A_82 = arith.constant 0.000000e+00 : f32
      %broadcast_in_dim3A_83 = vector.broadcast %broadcast_in_dim3A_82 : f32 to vector<16xf32>
      %swap3A_84 = arith.index_cast %scan3A_62 : i32 to index
      %swap3A_85 = arith.constant 48 : index
      %swap3A_86 = tpu.vector_load %arg8[%swap3A_84, %swap3A_85] {strides = array<i32>} : memref<256x64xf32, #tpu.memory_space<vmem>>, vector<1x16xf32>,
      %swap3A_87 = vector.shape_cast %swap3A_86 : vector<1x16xf32> to vector<16xf32>
      %swap3A_88 = vector.shape_cast %broadcast_in_dim3A_83 : vector<16xf32> to vector<1x16xf32>
      tpu.vector_store %arg8[%swap3A_84, %swap3A_85], %swap3A_88 {strides = array<i32>} : memref<256x64xf32, #tpu.memory_space<vmem>>, vector<1x16xf32>,
    }
    %scan3A_22 = arith.constant 128 : i32
    %mul3A_23 = arith.constant 640 : i32
    %mul3A_24 = arith.muli %arg1, %mul3A_23 : i32
    %add3A_25 = arith.constant 0 : i32
    %add3A_26 = arith.addi %mul3A_24, %add3A_25 : i32
    "tpu.region"() ({
      %run_scoped3A = tpu.sem_alloc : memref<!tpu.dma_semaphore, #tpu.memory_space<semaphore_mem>>
      %dma_start3A_62 = arith.constant 0 : i32
      %dma_start3A_63 = arith.constant 0 : i32
      %dma_start3A_64 = tpu.memref_slice %arg8[%dma_start3A_62, %dma_start3A_63] : memref<256x64xf32, #tpu.memory_space<vmem>> -> memref<128x64xf32, #tpu.memory_space<vmem>>
      %dma_start3A_65 = arith.constant 0 : i32
      %dma_start3A_66 = tpu.memref_slice %arg9[%add3A_26, %dma_start3A_65] : memref<10240x64xf32, #tpu.memory_space<vmem_shared>> -> memref<128x64xf32, #tpu.memory_space<vmem_shared>>
      %dma_start3A_67 = arith.constant 0 : i32
      %dma_start3A_68 = tpu.memref_slice %arg9[%add3A_26, %dma_start3A_67] : memref<10240x64xf32, #tpu.memory_space<vmem_shared>> -> memref<128x64xf32, #tpu.memory_space<vmem_shared>>
      %dma_start3A_69 = arith.constant 0 : i32
      %dma_start3A_70 = arith.constant 0 : i32
      %dma_start3A_71 = tpu.memref_slice %arg8[%dma_start3A_69, %dma_start3A_70] : memref<256x64xf32, #tpu.memory_space<vmem>> -> memref<128x64xf32, #tpu.memory_space<vmem>>
      tpu.enqueue_dma source(%dma_start3A_71 : memref<128x64xf32, #tpu.memory_space<vmem>>) target(%dma_start3A_68 : memref<128x64xf32, #tpu.memory_space<vmem_shared>>) target_semaphore(%run_scoped3A : memref<!tpu.dma_semaphore, #tpu.memory_space<semaphore_mem>>)
      %dma_wait3A_72 = arith.constant 0 : i32
      %dma_wait3A_73 = arith.constant 0 : i32
      %dma_wait3A_74 = tpu.memref_slice %arg8[%dma_wait3A_72, %dma_wait3A_73] : memref<256x64xf32, #tpu.memory_space<vmem>> -> memref<128x64xf32, #tpu.memory_space<vmem>>
      %dma_wait3A_75 = arith.constant 0 : i32
      %dma_wait3A_76 = tpu.memref_slice %arg9[%add3A_26, %dma_wait3A_75] : memref<10240x64xf32, #tpu.memory_space<vmem_shared>> -> memref<128x64xf32, #tpu.memory_space<vmem_shared>>
      %dma_wait3A_77 = arith.constant 0 : i32
      %dma_wait3A_78 = tpu.memref_slice %arg9[%add3A_26, %dma_wait3A_77] : memref<10240x64xf32, #tpu.memory_space<vmem_shared>> -> memref<128x64xf32, #tpu.memory_space<vmem_shared>>
      %dma_wait3A_79 = arith.constant 0 : i32
      %dma_wait3A_80 = arith.constant 0 : i32
      %dma_wait3A_81 = tpu.memref_slice %arg8[%dma_wait3A_79, %dma_wait3A_80] : memref<256x64xf32, #tpu.memory_space<vmem>> -> memref<128x64xf32, #tpu.memory_space<vmem>>
      tpu.wait_dma2 semaphore(%run_scoped3A : memref<!tpu.dma_semaphore, #tpu.memory_space<semaphore_mem>>) src(%dma_wait3A_81 : memref<128x64xf32, #tpu.memory_space<vmem>>) dst(%dma_wait3A_78 : memref<128x64xf32, #tpu.memory_space<vmem_shared>>)
      tpu.yield
    }) : () -> ()
    %add3A_27 = arith.constant 128 : i32
    %add3A_28 = arith.addi %mul3A_24, %add3A_27 : i32
    "tpu.region"() ({
      %run_scoped3A = tpu.sem_alloc : memref<!tpu.dma_semaphore, #tpu.memory_space<semaphore_mem>>
      %dma_start3A_62 = arith.constant 0 : i32
      %dma_start3A_63 = arith.constant 0 : i32
      %dma_start3A_64 = tpu.memref_slice %arg8[%dma_start3A_62, %dma_start3A_63] : memref<256x64xf32, #tpu.memory_space<vmem>> -> memref<128x64xf32, #tpu.memory_space<vmem>>
      %dma_start3A_65 = arith.constant 0 : i32
      %dma_start3A_66 = tpu.memref_slice %arg9[%add3A_28, %dma_start3A_65] : memref<10240x64xf32, #tpu.memory_space<vmem_shared>> -> memref<128x64xf32, #tpu.memory_space<vmem_shared>>
      %dma_start3A_67 = arith.constant 0 : i32
      %dma_start3A_68 = tpu.memref_slice %arg9[%add3A_28, %dma_start3A_67] : memref<10240x64xf32, #tpu.memory_space<vmem_shared>> -> memref<128x64xf32, #tpu.memory_space<vmem_shared>>
      %dma_start3A_69 = arith.constant 0 : i32
      %dma_start3A_70 = arith.constant 0 : i32
      %dma_start3A_71 = tpu.memref_slice %arg8[%dma_start3A_69, %dma_start3A_70] : memref<256x64xf32, #tpu.memory_space<vmem>> -> memref<128x64xf32, #tpu.memory_space<vmem>>
      tpu.enqueue_dma source(%dma_start3A_71 : memref<128x64xf32, #tpu.memory_space<vmem>>) target(%dma_start3A_68 : memref<128x64xf32, #tpu.memory_space<vmem_shared>>) target_semaphore(%run_scoped3A : memref<!tpu.dma_semaphore, #tpu.memory_space<semaphore_mem>>)
      %dma_wait3A_72 = arith.constant 0 : i32
      %dma_wait3A_73 = arith.constant 0 : i32
      %dma_wait3A_74 = tpu.memref_slice %arg8[%dma_wait3A_72, %dma_wait3A_73] : memref<256x64xf32, #tpu.memory_space<vmem>> -> memref<128x64xf32, #tpu.memory_space<vmem>>
      %dma_wait3A_75 = arith.constant 0 : i32
      %dma_wait3A_76 = tpu.memref_slice %arg9[%add3A_28, %dma_wait3A_75] : memref<10240x64xf32, #tpu.memory_space<vmem_shared>> -> memref<128x64xf32, #tpu.memory_space<vmem_shared>>
      %dma_wait3A_77 = arith.constant 0 : i32
      %dma_wait3A_78 = tpu.memref_slice %arg9[%add3A_28, %dma_wait3A_77] : memref<10240x64xf32, #tpu.memory_space<vmem_shared>> -> memref<128x64xf32, #tpu.memory_space<vmem_shared>>
      %dma_wait3A_79 = arith.constant 0 : i32
      %dma_wait3A_80 = arith.constant 0 : i32
      %dma_wait3A_81 = tpu.memref_slice %arg8[%dma_wait3A_79, %dma_wait3A_80] : memref<256x64xf32, #tpu.memory_space<vmem>> -> memref<128x64xf32, #tpu.memory_space<vmem>>
      tpu.wait_dma2 semaphore(%run_scoped3A : memref<!tpu.dma_semaphore, #tpu.memory_space<semaphore_mem>>) src(%dma_wait3A_81 : memref<128x64xf32, #tpu.memory_space<vmem>>) dst(%dma_wait3A_78 : memref<128x64xf32, #tpu.memory_space<vmem_shared>>)
      tpu.yield
    }) : () -> ()
    %add3A_29 = arith.constant 256 : i32
    %add3A_30 = arith.addi %mul3A_24, %add3A_29 : i32
    "tpu.region"() ({
      %run_scoped3A = tpu.sem_alloc : memref<!tpu.dma_semaphore, #tpu.memory_space<semaphore_mem>>
      %dma_start3A_62 = arith.constant 0 : i32
      %dma_start3A_63 = arith.constant 0 : i32
      %dma_start3A_64 = tpu.memref_slice %arg8[%dma_start3A_62, %dma_start3A_63] : memref<256x64xf32, #tpu.memory_space<vmem>> -> memref<128x64xf32, #tpu.memory_space<vmem>>
      %dma_start3A_65 = arith.constant 0 : i32
      %dma_start3A_66 = tpu.memref_slice %arg9[%add3A_30, %dma_start3A_65] : memref<10240x64xf32, #tpu.memory_space<vmem_shared>> -> memref<128x64xf32, #tpu.memory_space<vmem_shared>>
      %dma_start3A_67 = arith.constant 0 : i32
      %dma_start3A_68 = tpu.memref_slice %arg9[%add3A_30, %dma_start3A_67] : memref<10240x64xf32, #tpu.memory_space<vmem_shared>> -> memref<128x64xf32, #tpu.memory_space<vmem_shared>>
      %dma_start3A_69 = arith.constant 0 : i32
      %dma_start3A_70 = arith.constant 0 : i32
      %dma_start3A_71 = tpu.memref_slice %arg8[%dma_start3A_69, %dma_start3A_70] : memref<256x64xf32, #tpu.memory_space<vmem>> -> memref<128x64xf32, #tpu.memory_space<vmem>>
      tpu.enqueue_dma source(%dma_start3A_71 : memref<128x64xf32, #tpu.memory_space<vmem>>) target(%dma_start3A_68 : memref<128x64xf32, #tpu.memory_space<vmem_shared>>) target_semaphore(%run_scoped3A : memref<!tpu.dma_semaphore, #tpu.memory_space<semaphore_mem>>)
      %dma_wait3A_72 = arith.constant 0 : i32
      %dma_wait3A_73 = arith.constant 0 : i32
      %dma_wait3A_74 = tpu.memref_slice %arg8[%dma_wait3A_72, %dma_wait3A_73] : memref<256x64xf32, #tpu.memory_space<vmem>> -> memref<128x64xf32, #tpu.memory_space<vmem>>
      %dma_wait3A_75 = arith.constant 0 : i32
      %dma_wait3A_76 = tpu.memref_slice %arg9[%add3A_30, %dma_wait3A_75] : memref<10240x64xf32, #tpu.memory_space<vmem_shared>> -> memref<128x64xf32, #tpu.memory_space<vmem_shared>>
      %dma_wait3A_77 = arith.constant 0 : i32
      %dma_wait3A_78 = tpu.memref_slice %arg9[%add3A_30, %dma_wait3A_77] : memref<10240x64xf32, #tpu.memory_space<vmem_shared>> -> memref<128x64xf32, #tpu.memory_space<vmem_shared>>
      %dma_wait3A_79 = arith.constant 0 : i32
      %dma_wait3A_80 = arith.constant 0 : i32
      %dma_wait3A_81 = tpu.memref_slice %arg8[%dma_wait3A_79, %dma_wait3A_80] : memref<256x64xf32, #tpu.memory_space<vmem>> -> memref<128x64xf32, #tpu.memory_space<vmem>>
      tpu.wait_dma2 semaphore(%run_scoped3A : memref<!tpu.dma_semaphore, #tpu.memory_space<semaphore_mem>>) src(%dma_wait3A_81 : memref<128x64xf32, #tpu.memory_space<vmem>>) dst(%dma_wait3A_78 : memref<128x64xf32, #tpu.memory_space<vmem_shared>>)
      tpu.yield
    }) : () -> ()
    %add3A_31 = arith.constant 384 : i32
    %add3A_32 = arith.addi %mul3A_24, %add3A_31 : i32
    "tpu.region"() ({
      %run_scoped3A = tpu.sem_alloc : memref<!tpu.dma_semaphore, #tpu.memory_space<semaphore_mem>>
      %dma_start3A_62 = arith.constant 0 : i32
      %dma_start3A_63 = arith.constant 0 : i32
      %dma_start3A_64 = tpu.memref_slice %arg8[%dma_start3A_62, %dma_start3A_63] : memref<256x64xf32, #tpu.memory_space<vmem>> -> memref<128x64xf32, #tpu.memory_space<vmem>>
      %dma_start3A_65 = arith.constant 0 : i32
      %dma_start3A_66 = tpu.memref_slice %arg9[%add3A_32, %dma_start3A_65] : memref<10240x64xf32, #tpu.memory_space<vmem_shared>> -> memref<128x64xf32, #tpu.memory_space<vmem_shared>>
      %dma_start3A_67 = arith.constant 0 : i32
      %dma_start3A_68 = tpu.memref_slice %arg9[%add3A_32, %dma_start3A_67] : memref<10240x64xf32, #tpu.memory_space<vmem_shared>> -> memref<128x64xf32, #tpu.memory_space<vmem_shared>>
      %dma_start3A_69 = arith.constant 0 : i32
      %dma_start3A_70 = arith.constant 0 : i32
      %dma_start3A_71 = tpu.memref_slice %arg8[%dma_start3A_69, %dma_start3A_70] : memref<256x64xf32, #tpu.memory_space<vmem>> -> memref<128x64xf32, #tpu.memory_space<vmem>>
      tpu.enqueue_dma source(%dma_start3A_71 : memref<128x64xf32, #tpu.memory_space<vmem>>) target(%dma_start3A_68 : memref<128x64xf32, #tpu.memory_space<vmem_shared>>) target_semaphore(%run_scoped3A : memref<!tpu.dma_semaphore, #tpu.memory_space<semaphore_mem>>)
      %dma_wait3A_72 = arith.constant 0 : i32
      %dma_wait3A_73 = arith.constant 0 : i32
      %dma_wait3A_74 = tpu.memref_slice %arg8[%dma_wait3A_72, %dma_wait3A_73] : memref<256x64xf32, #tpu.memory_space<vmem>> -> memref<128x64xf32, #tpu.memory_space<vmem>>
      %dma_wait3A_75 = arith.constant 0 : i32
      %dma_wait3A_76 = tpu.memref_slice %arg9[%add3A_32, %dma_wait3A_75] : memref<10240x64xf32, #tpu.memory_space<vmem_shared>> -> memref<128x64xf32, #tpu.memory_space<vmem_shared>>
      %dma_wait3A_77 = arith.constant 0 : i32
      %dma_wait3A_78 = tpu.memref_slice %arg9[%add3A_32, %dma_wait3A_77] : memref<10240x64xf32, #tpu.memory_space<vmem_shared>> -> memref<128x64xf32, #tpu.memory_space<vmem_shared>>
      %dma_wait3A_79 = arith.constant 0 : i32
      %dma_wait3A_80 = arith.constant 0 : i32
      %dma_wait3A_81 = tpu.memref_slice %arg8[%dma_wait3A_79, %dma_wait3A_80] : memref<256x64xf32, #tpu.memory_space<vmem>> -> memref<128x64xf32, #tpu.memory_space<vmem>>
      tpu.wait_dma2 semaphore(%run_scoped3A : memref<!tpu.dma_semaphore, #tpu.memory_space<semaphore_mem>>) src(%dma_wait3A_81 : memref<128x64xf32, #tpu.memory_space<vmem>>) dst(%dma_wait3A_78 : memref<128x64xf32, #tpu.memory_space<vmem_shared>>)
      tpu.yield
    }) : () -> ()
    %add3A_33 = arith.constant 512 : i32
    %add3A_34 = arith.addi %mul3A_24, %add3A_33 : i32
    "tpu.region"() ({
      %run_scoped3A = tpu.sem_alloc : memref<!tpu.dma_semaphore, #tpu.memory_space<semaphore_mem>>
      %dma_start3A_62 = arith.constant 0 : i32
      %dma_start3A_63 = arith.constant 0 : i32
      %dma_start3A_64 = tpu.memref_slice %arg8[%dma_start3A_62, %dma_start3A_63] : memref<256x64xf32, #tpu.memory_space<vmem>> -> memref<128x64xf32, #tpu.memory_space<vmem>>
      %dma_start3A_65 = arith.constant 0 : i32
      %dma_start3A_66 = tpu.memref_slice %arg9[%add3A_34, %dma_start3A_65] : memref<10240x64xf32, #tpu.memory_space<vmem_shared>> -> memref<128x64xf32, #tpu.memory_space<vmem_shared>>
      %dma_start3A_67 = arith.constant 0 : i32
      %dma_start3A_68 = tpu.memref_slice %arg9[%add3A_34, %dma_start3A_67] : memref<10240x64xf32, #tpu.memory_space<vmem_shared>> -> memref<128x64xf32, #tpu.memory_space<vmem_shared>>
      %dma_start3A_69 = arith.constant 0 : i32
      %dma_start3A_70 = arith.constant 0 : i32
      %dma_start3A_71 = tpu.memref_slice %arg8[%dma_start3A_69, %dma_start3A_70] : memref<256x64xf32, #tpu.memory_space<vmem>> -> memref<128x64xf32, #tpu.memory_space<vmem>>
      tpu.enqueue_dma source(%dma_start3A_71 : memref<128x64xf32, #tpu.memory_space<vmem>>) target(%dma_start3A_68 : memref<128x64xf32, #tpu.memory_space<vmem_shared>>) target_semaphore(%run_scoped3A : memref<!tpu.dma_semaphore, #tpu.memory_space<semaphore_mem>>)
      %dma_wait3A_72 = arith.constant 0 : i32
      %dma_wait3A_73 = arith.constant 0 : i32
      %dma_wait3A_74 = tpu.memref_slice %arg8[%dma_wait3A_72, %dma_wait3A_73] : memref<256x64xf32, #tpu.memory_space<vmem>> -> memref<128x64xf32, #tpu.memory_space<vmem>>
      %dma_wait3A_75 = arith.constant 0 : i32
      %dma_wait3A_76 = tpu.memref_slice %arg9[%add3A_34, %dma_wait3A_75] : memref<10240x64xf32, #tpu.memory_space<vmem_shared>> -> memref<128x64xf32, #tpu.memory_space<vmem_shared>>
      %dma_wait3A_77 = arith.constant 0 : i32
      %dma_wait3A_78 = tpu.memref_slice %arg9[%add3A_34, %dma_wait3A_77] : memref<10240x64xf32, #tpu.memory_space<vmem_shared>> -> memref<128x64xf32, #tpu.memory_space<vmem_shared>>
      %dma_wait3A_79 = arith.constant 0 : i32
      %dma_wait3A_80 = arith.constant 0 : i32
      %dma_wait3A_81 = tpu.memref_slice %arg8[%dma_wait3A_79, %dma_wait3A_80] : memref<256x64xf32, #tpu.memory_space<vmem>> -> memref<128x64xf32, #tpu.memory_space<vmem>>
      tpu.wait_dma2 semaphore(%run_scoped3A : memref<!tpu.dma_semaphore, #tpu.memory_space<semaphore_mem>>) src(%dma_wait3A_81 : memref<128x64xf32, #tpu.memory_space<vmem>>) dst(%dma_wait3A_78 : memref<128x64xf32, #tpu.memory_space<vmem_shared>>)
      tpu.yield
    }) : () -> ()
    %dma_wait3A = arith.constant 0 : i32
    %dma_wait3A_35 = arith.constant 0 : i32
    %dma_wait3A_36 = tpu.memref_slice %arg3[%add3A, %dma_wait3A, %dma_wait3A_35] : memref<32x80x128xi32, #tpu.memory_space<hbm>> -> memref<1x80x128xi32, #tpu.memory_space<hbm>>
    %dma_wait3A_37 = tpu.memref_squeeze %dma_wait3A_36 : memref<1x80x128xi32, #tpu.memory_space<hbm>> -> memref<80x128xi32, #tpu.memory_space<hbm>>
    %dma_wait3A_38 = arith.constant 0 : i32
    %dma_wait3A_39 = arith.constant 0 : i32
    %dma_wait3A_40 = tpu.memref_slice %arg3[%add3A, %dma_wait3A_38, %dma_wait3A_39] : memref<32x80x128xi32, #tpu.memory_space<hbm>> -> memref<1x80x128xi32, #tpu.memory_space<hbm>>
    %dma_wait3A_41 = tpu.memref_squeeze %dma_wait3A_40 : memref<1x80x128xi32, #tpu.memory_space<hbm>> -> memref<80x128xi32, #tpu.memory_space<hbm>>
    tpu.wait_dma2 semaphore(%arg11 : memref<!tpu.dma_semaphore, #tpu.memory_space<semaphore_mem>>) src(%dma_wait3A_41 : memref<80x128xi32, #tpu.memory_space<hbm>>) dst(%arg6 : memref<80x128xi32, #tpu.memory_space<vmem>>)
    %dma_wait3A_42 = arith.constant 0 : i32
    %dma_wait3A_43 = arith.constant 0 : i32
    %dma_wait3A_44 = tpu.memref_slice %arg4[%add3A, %dma_wait3A_42, %dma_wait3A_43] : memref<32x80x128xi32, #tpu.memory_space<hbm>> -> memref<1x80x128xi32, #tpu.memory_space<hbm>>
    %dma_wait3A_45 = tpu.memref_squeeze %dma_wait3A_44 : memref<1x80x128xi32, #tpu.memory_space<hbm>> -> memref<80x128xi32, #tpu.memory_space<hbm>>
    %dma_wait3A_46 = arith.constant 0 : i32
    %dma_wait3A_47 = arith.constant 0 : i32
    %dma_wait3A_48 = tpu.memref_slice %arg4[%add3A, %dma_wait3A_46, %dma_wait3A_47] : memref<32x80x128xi32, #tpu.memory_space<hbm>> -> memref<1x80x128xi32, #tpu.memory_space<hbm>>
    %dma_wait3A_49 = tpu.memref_squeeze %dma_wait3A_48 : memref<1x80x128xi32, #tpu.memory_space<hbm>> -> memref<80x128xi32, #tpu.memory_space<hbm>>
    tpu.wait_dma2 semaphore(%arg12 : memref<!tpu.dma_semaphore, #tpu.memory_space<semaphore_mem>>) src(%dma_wait3A_49 : memref<80x128xi32, #tpu.memory_space<hbm>>) dst(%arg7 : memref<80x128xi32, #tpu.memory_space<vmem>>)
    %barrier3A = arith.constant 0 : index
    tpu.barrier barrier_id(%barrier3A)
    %add3A_50 = arith.constant 1 : i32
    %add3A_51 = arith.addi %select_n3A, %add3A_50 : i32
    %while3A = arith.constant 0 : i32
    %while3A_52 = arith.constant 0 : i32
    %while3A_53 = arith.subi %add3A_51, %while3A_52 : i32
    %while3A_54 = arith.addi %while3A_52, %while3A_53 : i32
    %while3A_55 = arith.constant 1 : i32
    %while3A_56 = arith.divsi %while3A_53, %while3A_55 : i32
    %while3A_57 = arith.muli %while3A_56, %while3A_55 : i32
    %while3A_58 = arith.addi %while3A_52, %while3A_57 : i32
    %while3A_59 = arith.constant 1 : i32
    scf.for %while3A_62 = %while3A_52 to %while3A_58 step %while3A_59  : i32 {
      %rem3A = arith.constant 2 : i32
      %rem3A_63 = arith.remsi %while3A_62, %rem3A : i32
      %mul3A_64 = arith.constant 128 : i32
      %mul3A_65 = arith.muli %rem3A_63, %mul3A_64 : i32
      %sub3A = arith.constant 1 : i32
      %sub3A_66 = arith.subi %while3A_62, %sub3A : i32
      %max3A = arith.constant 0 : i32
      %max3A_67 = arith.maxsi %sub3A_66, %max3A : i32
      %rem3A_68 = arith.constant 2 : i32
      %rem3A_69 = arith.remsi %max3A_67, %rem3A_68 : i32
      %mul3A_70 = arith.constant 128 : i32
      %mul3A_71 = arith.muli %rem3A_69, %mul3A_70 : i32
      %lt3A = arith.cmpi slt, %while3A_62, %select_n3A : i32
      %convert_element_type3A = arith.extui %lt3A : i1 to i32
      %cond3A = arith.constant 0 : i32
      %cond3A_72 = arith.cmpi ne, %convert_element_type3A, %cond3A : i32
      scf.if %cond3A_72 {
        %dma_start3A_77 = arith.constant 0 : i32
        %dma_start3A_78 = tpu.memref_slice %arg8[%mul3A_65, %dma_start3A_77] : memref<256x64xf32, #tpu.memory_space<vmem>> -> memref<128x64xf32, #tpu.memory_space<vmem>>
        %dma_start3A_79 = arith.constant 0 : i32
        %dma_start3A_80 = tpu.memref_slice %arg6[%while3A_62, %dma_start3A_79] : memref<80x128xi32, #tpu.memory_space<vmem>> -> memref<1x128xi32, #tpu.memory_space<vmem>>
        %dma_start3A_81 = tpu.memref_squeeze %dma_start3A_80 : memref<1x128xi32, #tpu.memory_space<vmem>> -> memref<128xi32, #tpu.memory_space<vmem>>
        %dma_start3A_82 = arith.constant 0 : i32
        %dma_start3A_83 = arith.constant 0 : i32
        %dma_start3A_84 = tpu.memref_slice %arg2[%dma_start3A_82, %dma_start3A_83] : memref<10000x64xf32, #tpu.memory_space<hbm>> -> memref<10000x64xf32, #tpu.memory_space<hbm>>
        tpu.enqueue_indirect_dma source(%dma_start3A_84 : memref<10000x64xf32, #tpu.memory_space<hbm>>) target(%dma_start3A_78 : memref<128x64xf32, #tpu.memory_space<vmem>>) offsets(%dma_start3A_81 : memref<128xi32, #tpu.memory_space<vmem>>) semaphore(%arg10 : memref<!tpu.dma_semaphore, #tpu.memory_space<semaphore_mem>>)
      } else {
      }
      %gt3A = arith.constant 0 : i32
      %gt3A_73 = arith.cmpi sgt, %while3A_62, %gt3A : i32
      %convert_element_type3A_74 = arith.extui %gt3A_73 : i1 to i32
      %cond3A_75 = arith.constant 0 : i32
      %cond3A_76 = arith.cmpi ne, %convert_element_type3A_74, %cond3A_75 : i32
      scf.if %cond3A_76 {
        %dma_wait3A_77 = arith.constant 0 : i32
        %dma_wait3A_78 = tpu.memref_slice %arg8[%mul3A_71, %dma_wait3A_77] : memref<256x64xf32, #tpu.memory_space<vmem>> -> memref<128x64xf32, #tpu.memory_space<vmem>>
        %dma_wait3A_79 = arith.constant 0 : i32
        %dma_wait3A_80 = tpu.memref_slice %arg6[%max3A_67, %dma_wait3A_79] : memref<80x128xi32, #tpu.memory_space<vmem>> -> memref<1x128xi32, #tpu.memory_space<vmem>>
        %dma_wait3A_81 = tpu.memref_squeeze %dma_wait3A_80 : memref<1x128xi32, #tpu.memory_space<vmem>> -> memref<128xi32, #tpu.memory_space<vmem>>
        %dma_wait3A_82 = arith.constant 0 : i32
        %dma_wait3A_83 = arith.constant 0 : i32
        %dma_wait3A_84 = tpu.memref_slice %arg2[%dma_wait3A_82, %dma_wait3A_83] : memref<10000x64xf32, #tpu.memory_space<hbm>> -> memref<10000x64xf32, #tpu.memory_space<hbm>>
        tpu.wait_indirect_dma semaphore(%arg10 : memref<!tpu.dma_semaphore, #tpu.memory_space<semaphore_mem>>) src(%dma_wait3A_84 : memref<10000x64xf32, #tpu.memory_space<hbm>>) dst(%dma_wait3A_78 : memref<128x64xf32, #tpu.memory_space<vmem>>)
        "tpu.region"() ({
          %run_scoped3A = tpu.sem_alloc : memref<!tpu.dma_semaphore, #tpu.memory_space<semaphore_mem>>
          %dma_start3A_85 = arith.constant 0 : i32
          %dma_start3A_86 = tpu.memref_slice %arg8[%mul3A_71, %dma_start3A_85] : memref<256x64xf32, #tpu.memory_space<vmem>> -> memref<128x64xf32, #tpu.memory_space<vmem>>
          %dma_start3A_87 = arith.constant 0 : i32
          %dma_start3A_88 = tpu.memref_slice %arg7[%max3A_67, %dma_start3A_87] : memref<80x128xi32, #tpu.memory_space<vmem>> -> memref<1x128xi32, #tpu.memory_space<vmem>>
          %dma_start3A_89 = tpu.memref_squeeze %dma_start3A_88 : memref<1x128xi32, #tpu.memory_space<vmem>> -> memref<128xi32, #tpu.memory_space<vmem>>
          %dma_start3A_90 = arith.constant 0 : i32
          %dma_start3A_91 = arith.constant 0 : i32
          %dma_start3A_92 = tpu.memref_slice %arg9[%dma_start3A_90, %dma_start3A_91] : memref<10240x64xf32, #tpu.memory_space<vmem_shared>> -> memref<10240x64xf32, #tpu.memory_space<vmem_shared>>
          tpu.enqueue_indirect_dma source(%dma_start3A_86 : memref<128x64xf32, #tpu.memory_space<vmem>>) target(%dma_start3A_92 : memref<10240x64xf32, #tpu.memory_space<vmem_shared>>) offsets(%dma_start3A_89 : memref<128xi32, #tpu.memory_space<vmem>>) semaphore(%run_scoped3A : memref<!tpu.dma_semaphore, #tpu.memory_space<semaphore_mem>>) {add = true}
          %dma_wait3A_93 = arith.constant 0 : i32
          %dma_wait3A_94 = tpu.memref_slice %arg8[%mul3A_71, %dma_wait3A_93] : memref<256x64xf32, #tpu.memory_space<vmem>> -> memref<128x64xf32, #tpu.memory_space<vmem>>
          %dma_wait3A_95 = arith.constant 0 : i32
          %dma_wait3A_96 = tpu.memref_slice %arg7[%max3A_67, %dma_wait3A_95] : memref<80x128xi32, #tpu.memory_space<vmem>> -> memref<1x128xi32, #tpu.memory_space<vmem>>
          %dma_wait3A_97 = tpu.memref_squeeze %dma_wait3A_96 : memref<1x128xi32, #tpu.memory_space<vmem>> -> memref<128xi32, #tpu.memory_space<vmem>>
          %dma_wait3A_98 = arith.constant 0 : i32
          %dma_wait3A_99 = arith.constant 0 : i32
          %dma_wait3A_100 = tpu.memref_slice %arg9[%dma_wait3A_98, %dma_wait3A_99] : memref<10240x64xf32, #tpu.memory_space<vmem_shared>> -> memref<10240x64xf32, #tpu.memory_space<vmem_shared>>
          tpu.wait_indirect_dma semaphore(%run_scoped3A : memref<!tpu.dma_semaphore, #tpu.memory_space<semaphore_mem>>) src(%dma_wait3A_94 : memref<128x64xf32, #tpu.memory_space<vmem>>) dst(%dma_wait3A_100 : memref<10240x64xf32, #tpu.memory_space<vmem_shared>>)
          tpu.yield
        }) : () -> ()
      } else {
      }
    }
    %while3A_60 = arith.constant 1 : i32
    scf.for %while3A_62 = %while3A_58 to %while3A_54 step %while3A_60  : i32 {
      %rem3A = arith.constant 2 : i32
      %rem3A_63 = arith.remsi %while3A_62, %rem3A : i32
      %mul3A_64 = arith.constant 128 : i32
      %mul3A_65 = arith.muli %rem3A_63, %mul3A_64 : i32
      %sub3A = arith.constant 1 : i32
      %sub3A_66 = arith.subi %while3A_62, %sub3A : i32
      %max3A = arith.constant 0 : i32
      %max3A_67 = arith.maxsi %sub3A_66, %max3A : i32
      %rem3A_68 = arith.constant 2 : i32
      %rem3A_69 = arith.remsi %max3A_67, %rem3A_68 : i32
      %mul3A_70 = arith.constant 128 : i32
      %mul3A_71 = arith.muli %rem3A_69, %mul3A_70 : i32
      %lt3A = arith.cmpi slt, %while3A_62, %select_n3A : i32
      %convert_element_type3A = arith.extui %lt3A : i1 to i32
      %cond3A = arith.constant 0 : i32
      %cond3A_72 = arith.cmpi ne, %convert_element_type3A, %cond3A : i32
      scf.if %cond3A_72 {
        %dma_start3A_77 = arith.constant 0 : i32
        %dma_start3A_78 = tpu.memref_slice %arg8[%mul3A_65, %dma_start3A_77] : memref<256x64xf32, #tpu.memory_space<vmem>> -> memref<128x64xf32, #tpu.memory_space<vmem>>
        %dma_start3A_79 = arith.constant 0 : i32
        %dma_start3A_80 = tpu.memref_slice %arg6[%while3A_62, %dma_start3A_79] : memref<80x128xi32, #tpu.memory_space<vmem>> -> memref<1x128xi32, #tpu.memory_space<vmem>>
        %dma_start3A_81 = tpu.memref_squeeze %dma_start3A_80 : memref<1x128xi32, #tpu.memory_space<vmem>> -> memref<128xi32, #tpu.memory_space<vmem>>
        %dma_start3A_82 = arith.constant 0 : i32
        %dma_start3A_83 = arith.constant 0 : i32
        %dma_start3A_84 = tpu.memref_slice %arg2[%dma_start3A_82, %dma_start3A_83] : memref<10000x64xf32, #tpu.memory_space<hbm>> -> memref<10000x64xf32, #tpu.memory_space<hbm>>
        tpu.enqueue_indirect_dma source(%dma_start3A_84 : memref<10000x64xf32, #tpu.memory_space<hbm>>) target(%dma_start3A_78 : memref<128x64xf32, #tpu.memory_space<vmem>>) offsets(%dma_start3A_81 : memref<128xi32, #tpu.memory_space<vmem>>) semaphore(%arg10 : memref<!tpu.dma_semaphore, #tpu.memory_space<semaphore_mem>>)
      } else {
      }
      %gt3A = arith.constant 0 : i32
      %gt3A_73 = arith.cmpi sgt, %while3A_62, %gt3A : i32
      %convert_element_type3A_74 = arith.extui %gt3A_73 : i1 to i32
      %cond3A_75 = arith.constant 0 : i32
      %cond3A_76 = arith.cmpi ne, %convert_element_type3A_74, %cond3A_75 : i32
      scf.if %cond3A_76 {
        %dma_wait3A_77 = arith.constant 0 : i32
        %dma_wait3A_78 = tpu.memref_slice %arg8[%mul3A_71, %dma_wait3A_77] : memref<256x64xf32, #tpu.memory_space<vmem>> -> memref<128x64xf32, #tpu.memory_space<vmem>>
        %dma_wait3A_79 = arith.constant 0 : i32
        %dma_wait3A_80 = tpu.memref_slice %arg6[%max3A_67, %dma_wait3A_79] : memref<80x128xi32, #tpu.memory_space<vmem>> -> memref<1x128xi32, #tpu.memory_space<vmem>>
        %dma_wait3A_81 = tpu.memref_squeeze %dma_wait3A_80 : memref<1x128xi32, #tpu.memory_space<vmem>> -> memref<128xi32, #tpu.memory_space<vmem>>
        %dma_wait3A_82 = arith.constant 0 : i32
        %dma_wait3A_83 = arith.constant 0 : i32
        %dma_wait3A_84 = tpu.memref_slice %arg2[%dma_wait3A_82, %dma_wait3A_83] : memref<10000x64xf32, #tpu.memory_space<hbm>> -> memref<10000x64xf32, #tpu.memory_space<hbm>>
        tpu.wait_indirect_dma semaphore(%arg10 : memref<!tpu.dma_semaphore, #tpu.memory_space<semaphore_mem>>) src(%dma_wait3A_84 : memref<10000x64xf32, #tpu.memory_space<hbm>>) dst(%dma_wait3A_78 : memref<128x64xf32, #tpu.memory_space<vmem>>)
        "tpu.region"() ({
          %run_scoped3A = tpu.sem_alloc : memref<!tpu.dma_semaphore, #tpu.memory_space<semaphore_mem>>
          %dma_start3A_85 = arith.constant 0 : i32
          %dma_start3A_86 = tpu.memref_slice %arg8[%mul3A_71, %dma_start3A_85] : memref<256x64xf32, #tpu.memory_space<vmem>> -> memref<128x64xf32, #tpu.memory_space<vmem>>
          %dma_start3A_87 = arith.constant 0 : i32
          %dma_start3A_88 = tpu.memref_slice %arg7[%max3A_67, %dma_start3A_87] : memref<80x128xi32, #tpu.memory_space<vmem>> -> memref<1x128xi32, #tpu.memory_space<vmem>>
          %dma_start3A_89 = tpu.memref_squeeze %dma_start3A_88 : memref<1x128xi32, #tpu.memory_space<vmem>> -> memref<128xi32, #tpu.memory_space<vmem>>
          %dma_start3A_90 = arith.constant 0 : i32
          %dma_start3A_91 = arith.constant 0 : i32
          %dma_start3A_92 = tpu.memref_slice %arg9[%dma_start3A_90, %dma_start3A_91] : memref<10240x64xf32, #tpu.memory_space<vmem_shared>> -> memref<10240x64xf32, #tpu.memory_space<vmem_shared>>
          tpu.enqueue_indirect_dma source(%dma_start3A_86 : memref<128x64xf32, #tpu.memory_space<vmem>>) target(%dma_start3A_92 : memref<10240x64xf32, #tpu.memory_space<vmem_shared>>) offsets(%dma_start3A_89 : memref<128xi32, #tpu.memory_space<vmem>>) semaphore(%run_scoped3A : memref<!tpu.dma_semaphore, #tpu.memory_space<semaphore_mem>>) {add = true}
          %dma_wait3A_93 = arith.constant 0 : i32
          %dma_wait3A_94 = tpu.memref_slice %arg8[%mul3A_71, %dma_wait3A_93] : memref<256x64xf32, #tpu.memory_space<vmem>> -> memref<128x64xf32, #tpu.memory_space<vmem>>
          %dma_wait3A_95 = arith.constant 0 : i32
          %dma_wait3A_96 = tpu.memref_slice %arg7[%max3A_67, %dma_wait3A_95] : memref<80x128xi32, #tpu.memory_space<vmem>> -> memref<1x128xi32, #tpu.memory_space<vmem>>
          %dma_wait3A_97 = tpu.memref_squeeze %dma_wait3A_96 : memref<1x128xi32, #tpu.memory_space<vmem>> -> memref<128xi32, #tpu.memory_space<vmem>>
          %dma_wait3A_98 = arith.constant 0 : i32
          %dma_wait3A_99 = arith.constant 0 : i32
          %dma_wait3A_100 = tpu.memref_slice %arg9[%dma_wait3A_98, %dma_wait3A_99] : memref<10240x64xf32, #tpu.memory_space<vmem_shared>> -> memref<10240x64xf32, #tpu.memory_space<vmem_shared>>
          tpu.wait_indirect_dma semaphore(%run_scoped3A : memref<!tpu.dma_semaphore, #tpu.memory_space<semaphore_mem>>) src(%dma_wait3A_94 : memref<128x64xf32, #tpu.memory_space<vmem>>) dst(%dma_wait3A_100 : memref<10240x64xf32, #tpu.memory_space<vmem_shared>>)
          tpu.yield
        }) : () -> ()
      } else {
      }
    }
    %barrier3A_61 = arith.constant 0 : index
    tpu.barrier barrier_id(%barrier3A_61)
    "tpu.region"() ({
      %run_scoped3A = tpu.sem_alloc : memref<!tpu.dma_semaphore, #tpu.memory_space<semaphore_mem>>
      %dma_start3A_62 = arith.constant 0 : i32
      %dma_start3A_63 = tpu.memref_slice %arg5[%arg0, %mul3A_24, %dma_start3A_62] : memref<2x10240x64xf32, #tpu.memory_space<hbm>> -> memref<1x640x64xf32, #tpu.memory_space<hbm>>
      %dma_start3A_64 = tpu.memref_squeeze %dma_start3A_63 : memref<1x640x64xf32, #tpu.memory_space<hbm>> -> memref<640x64xf32, #tpu.memory_space<hbm>>
      %dma_start3A_65 = arith.constant 0 : i32
      %dma_start3A_66 = tpu.memref_slice %arg9[%mul3A_24, %dma_start3A_65] : memref<10240x64xf32, #tpu.memory_space<vmem_shared>> -> memref<640x64xf32, #tpu.memory_space<vmem_shared>>
      tpu.enqueue_dma source(%dma_start3A_66 : memref<640x64xf32, #tpu.memory_space<vmem_shared>>) target(%dma_start3A_64 : memref<640x64xf32, #tpu.memory_space<hbm>>) target_semaphore(%run_scoped3A : memref<!tpu.dma_semaphore, #tpu.memory_space<semaphore_mem>>)
      %dma_wait3A_67 = arith.constant 0 : i32
      %dma_wait3A_68 = tpu.memref_slice %arg5[%arg0, %mul3A_24, %dma_wait3A_67] : memref<2x10240x64xf32, #tpu.memory_space<hbm>> -> memref<1x640x64xf32, #tpu.memory_space<hbm>>
      %dma_wait3A_69 = tpu.memref_squeeze %dma_wait3A_68 : memref<1x640x64xf32, #tpu.memory_space<hbm>> -> memref<640x64xf32, #tpu.memory_space<hbm>>
      %dma_wait3A_70 = arith.constant 0 : i32
      %dma_wait3A_71 = tpu.memref_slice %arg9[%mul3A_24, %dma_wait3A_70] : memref<10240x64xf32, #tpu.memory_space<vmem_shared>> -> memref<640x64xf32, #tpu.memory_space<vmem_shared>>
      tpu.wait_dma2 semaphore(%run_scoped3A : memref<!tpu.dma_semaphore, #tpu.memory_space<semaphore_mem>>) src(%dma_wait3A_71 : memref<640x64xf32, #tpu.memory_space<vmem_shared>>) dst(%dma_wait3A_69 : memref<640x64xf32, #tpu.memory_space<hbm>>)
      tpu.yield
    }) : () -> ()
    return
  }
}

#map = affine_map<(d0, d1) -> (0, 0)>
#map1 = affine_map<(d0, d1) -> (0, 0, 0)>
module attributes {stable_mosaic.version = 14 : i64} {
  func.func @_agg_body(%arg0: i32, %arg1: i32, %arg2: memref<10000x64xf32, #tpu.memory_space<hbm>>, %arg3: memref<32x80x128xi32, #tpu.memory_space<hbm>>, %arg4: memref<32x80x128xi32, #tpu.memory_space<hbm>>, %arg5: memref<2x10240x64xf32, #tpu.memory_space<hbm>>, %arg6: memref<80x128xi32, #tpu.memory_space<vmem>>, %arg7: memref<80x128xi32, #tpu.memory_space<vmem>>, %arg8: memref<256x64xf32, #tpu.memory_space<vmem>>, %arg9: memref<10240x64xf32, #tpu.memory_space<vmem_shared>>, %arg10: memref<!tpu.dma_semaphore, #tpu.memory_space<semaphore_mem>>, %arg11: memref<!tpu.dma_semaphore, #tpu.memory_space<semaphore_mem>>, %arg12: memref<!tpu.dma_semaphore, #tpu.memory_space<semaphore_mem>>) attributes {dimension_semantics = [#tpu.dimension_semantics<core_parallel>, #tpu.dimension_semantics<subcore_parallel>], iteration_bounds = array<i64: 2, 16>, scalar_prefetch = 0 : i64, scratch_operands = 7 : i64, tpu.core_type = #tpu.core_type<sc_vector_subcore>, window_params = [{transform_indices = #map}, {transform_indices = #map1}, {transform_indices = #map1}, {transform_indices = #map1}]} {
    %mul3A = arith.constant 16 : i32
    %mul3A_0 = arith.muli %arg0, %mul3A : i32
    %add3A = arith.addi %mul3A_0, %arg1 : i32
    %eq3A = arith.constant 0 : i32
    %eq3A_1 = arith.cmpi eq, %arg0, %eq3A : i32
    %jit3A = arith.constant 80 : i32
    %jit3A_2 = arith.constant 80 : i32
    %select_n3A = arith.select %eq3A_1, %jit3A, %jit3A_2 : i32
    %dma_start3A = arith.constant 0 : i32
    %dma_start3A_3 = arith.constant 0 : i32
    %dma_start3A_4 = tpu.memref_slice %arg3[%add3A, %dma_start3A, %dma_start3A_3] : memref<32x80x128xi32, #tpu.memory_space<hbm>> -> memref<1x80x128xi32, #tpu.memory_space<hbm>>
    %dma_start3A_5 = tpu.memref_squeeze %dma_start3A_4 : memref<1x80x128xi32, #tpu.memory_space<hbm>> -> memref<80x128xi32, #tpu.memory_space<hbm>>
    %dma_start3A_6 = arith.constant 0 : i32
    %dma_start3A_7 = arith.constant 0 : i32
    %dma_start3A_8 = tpu.memref_slice %arg3[%add3A, %dma_start3A_6, %dma_start3A_7] : memref<32x80x128xi32, #tpu.memory_space<hbm>> -> memref<1x80x128xi32, #tpu.memory_space<hbm>>
    %dma_start3A_9 = tpu.memref_squeeze %dma_start3A_8 : memref<1x80x128xi32, #tpu.memory_space<hbm>> -> memref<80x128xi32, #tpu.memory_space<hbm>>
    tpu.enqueue_dma source(%dma_start3A_9 : memref<80x128xi32, #tpu.memory_space<hbm>>) target(%arg6 : memref<80x128xi32, #tpu.memory_space<vmem>>) target_semaphore(%arg11 : memref<!tpu.dma_semaphore, #tpu.memory_space<semaphore_mem>>)
    %dma_start3A_10 = arith.constant 0 : i32
    %dma_start3A_11 = arith.constant 0 : i32
    %dma_start3A_12 = tpu.memref_slice %arg4[%add3A, %dma_start3A_10, %dma_start3A_11] : memref<32x80x128xi32, #tpu.memory_space<hbm>> -> memref<1x80x128xi32, #tpu.memory_space<hbm>>
    %dma_start3A_13 = tpu.memref_squeeze %dma_start3A_12 : memref<1x80x128xi32, #tpu.memory_space<hbm>> -> memref<80x128xi32, #tpu.memory_space<hbm>>
    %dma_start3A_14 = arith.constant 0 : i32
    %dma_start3A_15 = arith.constant 0 : i32
    %dma_start3A_16 = tpu.memref_slice %arg4[%add3A, %dma_start3A_14, %dma_start3A_15] : memref<32x80x128xi32, #tpu.memory_space<hbm>> -> memref<1x80x128xi32, #tpu.memory_space<hbm>>
    %dma_start3A_17 = tpu.memref_squeeze %dma_start3A_16 : memref<1x80x128xi32, #tpu.memory_space<hbm>> -> memref<80x128xi32, #tpu.memory_space<hbm>>
    tpu.enqueue_dma source(%dma_start3A_17 : memref<80x128xi32, #tpu.memory_space<hbm>>) target(%arg7 : memref<80x128xi32, #tpu.memory_space<vmem>>) target_semaphore(%arg12 : memref<!tpu.dma_semaphore, #tpu.memory_space<semaphore_mem>>)
    %scan3A = arith.constant 0 : i32
    %scan3A_18 = arith.constant 0 : i32
    %scan3A_19 = arith.constant 128 : i32
    %scan3A_20 = arith.addi %scan3A_18, %scan3A_19 : i32
    %scan3A_21 = arith.constant 1 : i32
    scf.for %scan3A_62 = %scan3A_18 to %scan3A_20 step %scan3A_21  : i32 {
      %broadcast_in_dim3A = arith.constant 0.000000e+00 : f32
      %broadcast_in_dim3A_63 = vector.broadcast %broadcast_in_dim3A : f32 to vector<16xf32>
      %swap3A = arith.index_cast %scan3A_62 : i32 to index
      %swap3A_64 = arith.constant 0 : index
      %swap3A_65 = tpu.vector_load %arg8[%swap3A, %swap3A_64] {strides = array<i32>} : memref<256x64xf32, #tpu.memory_space<vmem>>, vector<1x16xf32>,
      %swap3A_66 = vector.shape_cast %swap3A_65 : vector<1x16xf32> to vector<16xf32>
      %swap3A_67 = vector.shape_cast %broadcast_in_dim3A_63 : vector<16xf32> to vector<1x16xf32>
      tpu.vector_store %arg8[%swap3A, %swap3A_64], %swap3A_67 {strides = array<i32>} : memref<256x64xf32, #tpu.memory_space<vmem>>, vector<1x16xf32>,
      %broadcast_in_dim3A_68 = arith.constant 0.000000e+00 : f32
      %broadcast_in_dim3A_69 = vector.broadcast %broadcast_in_dim3A_68 : f32 to vector<16xf32>
      %swap3A_70 = arith.index_cast %scan3A_62 : i32 to index
      %swap3A_71 = arith.constant 16 : index
      %swap3A_72 = tpu.vector_load %arg8[%swap3A_70, %swap3A_71] {strides = array<i32>} : memref<256x64xf32, #tpu.memory_space<vmem>>, vector<1x16xf32>,
      %swap3A_73 = vector.shape_cast %swap3A_72 : vector<1x16xf32> to vector<16xf32>
      %swap3A_74 = vector.shape_cast %broadcast_in_dim3A_69 : vector<16xf32> to vector<1x16xf32>
      tpu.vector_store %arg8[%swap3A_70, %swap3A_71], %swap3A_74 {strides = array<i32>} : memref<256x64xf32, #tpu.memory_space<vmem>>, vector<1x16xf32>,
      %broadcast_in_dim3A_75 = arith.constant 0.000000e+00 : f32
      %broadcast_in_dim3A_76 = vector.broadcast %broadcast_in_dim3A_75 : f32 to vector<16xf32>
      %swap3A_77 = arith.index_cast %scan3A_62 : i32 to index
      %swap3A_78 = arith.constant 32 : index
      %swap3A_79 = tpu.vector_load %arg8[%swap3A_77, %swap3A_78] {strides = array<i32>} : memref<256x64xf32, #tpu.memory_space<vmem>>, vector<1x16xf32>,
      %swap3A_80 = vector.shape_cast %swap3A_79 : vector<1x16xf32> to vector<16xf32>
      %swap3A_81 = vector.shape_cast %broadcast_in_dim3A_76 : vector<16xf32> to vector<1x16xf32>
      tpu.vector_store %arg8[%swap3A_77, %swap3A_78], %swap3A_81 {strides = array<i32>} : memref<256x64xf32, #tpu.memory_space<vmem>>, vector<1x16xf32>,
      %broadcast_in_dim3A_82 = arith.constant 0.000000e+00 : f32
      %broadcast_in_dim3A_83 = vector.broadcast %broadcast_in_dim3A_82 : f32 to vector<16xf32>
      %swap3A_84 = arith.index_cast %scan3A_62 : i32 to index
      %swap3A_85 = arith.constant 48 : index
      %swap3A_86 = tpu.vector_load %arg8[%swap3A_84, %swap3A_85] {strides = array<i32>} : memref<256x64xf32, #tpu.memory_space<vmem>>, vector<1x16xf32>,
      %swap3A_87 = vector.shape_cast %swap3A_86 : vector<1x16xf32> to vector<16xf32>
      %swap3A_88 = vector.shape_cast %broadcast_in_dim3A_83 : vector<16xf32> to vector<1x16xf32>
      tpu.vector_store %arg8[%swap3A_84, %swap3A_85], %swap3A_88 {strides = array<i32>} : memref<256x64xf32, #tpu.memory_space<vmem>>, vector<1x16xf32>,
    }
    %scan3A_22 = arith.constant 128 : i32
    %mul3A_23 = arith.constant 640 : i32
    %mul3A_24 = arith.muli %arg1, %mul3A_23 : i32
    %add3A_25 = arith.constant 0 : i32
    %add3A_26 = arith.addi %mul3A_24, %add3A_25 : i32
    "tpu.region"() ({
      %run_scoped3A = tpu.sem_alloc : memref<!tpu.dma_semaphore, #tpu.memory_space<semaphore_mem>>
      %dma_start3A_62 = arith.constant 0 : i32
      %dma_start3A_63 = arith.constant 0 : i32
      %dma_start3A_64 = tpu.memref_slice %arg8[%dma_start3A_62, %dma_start3A_63] : memref<256x64xf32, #tpu.memory_space<vmem>> -> memref<128x64xf32, #tpu.memory_space<vmem>>
      %dma_start3A_65 = arith.constant 0 : i32
      %dma_start3A_66 = tpu.memref_slice %arg9[%add3A_26, %dma_start3A_65] : memref<10240x64xf32, #tpu.memory_space<vmem_shared>> -> memref<128x64xf32, #tpu.memory_space<vmem_shared>>
      %dma_start3A_67 = arith.constant 0 : i32
      %dma_start3A_68 = tpu.memref_slice %arg9[%add3A_26, %dma_start3A_67] : memref<10240x64xf32, #tpu.memory_space<vmem_shared>> -> memref<128x64xf32, #tpu.memory_space<vmem_shared>>
      %dma_start3A_69 = arith.constant 0 : i32
      %dma_start3A_70 = arith.constant 0 : i32
      %dma_start3A_71 = tpu.memref_slice %arg8[%dma_start3A_69, %dma_start3A_70] : memref<256x64xf32, #tpu.memory_space<vmem>> -> memref<128x64xf32, #tpu.memory_space<vmem>>
      tpu.enqueue_dma source(%dma_start3A_71 : memref<128x64xf32, #tpu.memory_space<vmem>>) target(%dma_start3A_68 : memref<128x64xf32, #tpu.memory_space<vmem_shared>>) target_semaphore(%run_scoped3A : memref<!tpu.dma_semaphore, #tpu.memory_space<semaphore_mem>>)
      %dma_wait3A_72 = arith.constant 0 : i32
      %dma_wait3A_73 = arith.constant 0 : i32
      %dma_wait3A_74 = tpu.memref_slice %arg8[%dma_wait3A_72, %dma_wait3A_73] : memref<256x64xf32, #tpu.memory_space<vmem>> -> memref<128x64xf32, #tpu.memory_space<vmem>>
      %dma_wait3A_75 = arith.constant 0 : i32
      %dma_wait3A_76 = tpu.memref_slice %arg9[%add3A_26, %dma_wait3A_75] : memref<10240x64xf32, #tpu.memory_space<vmem_shared>> -> memref<128x64xf32, #tpu.memory_space<vmem_shared>>
      %dma_wait3A_77 = arith.constant 0 : i32
      %dma_wait3A_78 = tpu.memref_slice %arg9[%add3A_26, %dma_wait3A_77] : memref<10240x64xf32, #tpu.memory_space<vmem_shared>> -> memref<128x64xf32, #tpu.memory_space<vmem_shared>>
      %dma_wait3A_79 = arith.constant 0 : i32
      %dma_wait3A_80 = arith.constant 0 : i32
      %dma_wait3A_81 = tpu.memref_slice %arg8[%dma_wait3A_79, %dma_wait3A_80] : memref<256x64xf32, #tpu.memory_space<vmem>> -> memref<128x64xf32, #tpu.memory_space<vmem>>
      tpu.wait_dma2 semaphore(%run_scoped3A : memref<!tpu.dma_semaphore, #tpu.memory_space<semaphore_mem>>) src(%dma_wait3A_81 : memref<128x64xf32, #tpu.memory_space<vmem>>) dst(%dma_wait3A_78 : memref<128x64xf32, #tpu.memory_space<vmem_shared>>)
      tpu.yield
    }) : () -> ()
    %add3A_27 = arith.constant 128 : i32
    %add3A_28 = arith.addi %mul3A_24, %add3A_27 : i32
    "tpu.region"() ({
      %run_scoped3A = tpu.sem_alloc : memref<!tpu.dma_semaphore, #tpu.memory_space<semaphore_mem>>
      %dma_start3A_62 = arith.constant 0 : i32
      %dma_start3A_63 = arith.constant 0 : i32
      %dma_start3A_64 = tpu.memref_slice %arg8[%dma_start3A_62, %dma_start3A_63] : memref<256x64xf32, #tpu.memory_space<vmem>> -> memref<128x64xf32, #tpu.memory_space<vmem>>
      %dma_start3A_65 = arith.constant 0 : i32
      %dma_start3A_66 = tpu.memref_slice %arg9[%add3A_28, %dma_start3A_65] : memref<10240x64xf32, #tpu.memory_space<vmem_shared>> -> memref<128x64xf32, #tpu.memory_space<vmem_shared>>
      %dma_start3A_67 = arith.constant 0 : i32
      %dma_start3A_68 = tpu.memref_slice %arg9[%add3A_28, %dma_start3A_67] : memref<10240x64xf32, #tpu.memory_space<vmem_shared>> -> memref<128x64xf32, #tpu.memory_space<vmem_shared>>
      %dma_start3A_69 = arith.constant 0 : i32
      %dma_start3A_70 = arith.constant 0 : i32
      %dma_start3A_71 = tpu.memref_slice %arg8[%dma_start3A_69, %dma_start3A_70] : memref<256x64xf32, #tpu.memory_space<vmem>> -> memref<128x64xf32, #tpu.memory_space<vmem>>
      tpu.enqueue_dma source(%dma_start3A_71 : memref<128x64xf32, #tpu.memory_space<vmem>>) target(%dma_start3A_68 : memref<128x64xf32, #tpu.memory_space<vmem_shared>>) target_semaphore(%run_scoped3A : memref<!tpu.dma_semaphore, #tpu.memory_space<semaphore_mem>>)
      %dma_wait3A_72 = arith.constant 0 : i32
      %dma_wait3A_73 = arith.constant 0 : i32
      %dma_wait3A_74 = tpu.memref_slice %arg8[%dma_wait3A_72, %dma_wait3A_73] : memref<256x64xf32, #tpu.memory_space<vmem>> -> memref<128x64xf32, #tpu.memory_space<vmem>>
      %dma_wait3A_75 = arith.constant 0 : i32
      %dma_wait3A_76 = tpu.memref_slice %arg9[%add3A_28, %dma_wait3A_75] : memref<10240x64xf32, #tpu.memory_space<vmem_shared>> -> memref<128x64xf32, #tpu.memory_space<vmem_shared>>
      %dma_wait3A_77 = arith.constant 0 : i32
      %dma_wait3A_78 = tpu.memref_slice %arg9[%add3A_28, %dma_wait3A_77] : memref<10240x64xf32, #tpu.memory_space<vmem_shared>> -> memref<128x64xf32, #tpu.memory_space<vmem_shared>>
      %dma_wait3A_79 = arith.constant 0 : i32
      %dma_wait3A_80 = arith.constant 0 : i32
      %dma_wait3A_81 = tpu.memref_slice %arg8[%dma_wait3A_79, %dma_wait3A_80] : memref<256x64xf32, #tpu.memory_space<vmem>> -> memref<128x64xf32, #tpu.memory_space<vmem>>
      tpu.wait_dma2 semaphore(%run_scoped3A : memref<!tpu.dma_semaphore, #tpu.memory_space<semaphore_mem>>) src(%dma_wait3A_81 : memref<128x64xf32, #tpu.memory_space<vmem>>) dst(%dma_wait3A_78 : memref<128x64xf32, #tpu.memory_space<vmem_shared>>)
      tpu.yield
    }) : () -> ()
    %add3A_29 = arith.constant 256 : i32
    %add3A_30 = arith.addi %mul3A_24, %add3A_29 : i32
    "tpu.region"() ({
      %run_scoped3A = tpu.sem_alloc : memref<!tpu.dma_semaphore, #tpu.memory_space<semaphore_mem>>
      %dma_start3A_62 = arith.constant 0 : i32
      %dma_start3A_63 = arith.constant 0 : i32
      %dma_start3A_64 = tpu.memref_slice %arg8[%dma_start3A_62, %dma_start3A_63] : memref<256x64xf32, #tpu.memory_space<vmem>> -> memref<128x64xf32, #tpu.memory_space<vmem>>
      %dma_start3A_65 = arith.constant 0 : i32
      %dma_start3A_66 = tpu.memref_slice %arg9[%add3A_30, %dma_start3A_65] : memref<10240x64xf32, #tpu.memory_space<vmem_shared>> -> memref<128x64xf32, #tpu.memory_space<vmem_shared>>
      %dma_start3A_67 = arith.constant 0 : i32
      %dma_start3A_68 = tpu.memref_slice %arg9[%add3A_30, %dma_start3A_67] : memref<10240x64xf32, #tpu.memory_space<vmem_shared>> -> memref<128x64xf32, #tpu.memory_space<vmem_shared>>
      %dma_start3A_69 = arith.constant 0 : i32
      %dma_start3A_70 = arith.constant 0 : i32
      %dma_start3A_71 = tpu.memref_slice %arg8[%dma_start3A_69, %dma_start3A_70] : memref<256x64xf32, #tpu.memory_space<vmem>> -> memref<128x64xf32, #tpu.memory_space<vmem>>
      tpu.enqueue_dma source(%dma_start3A_71 : memref<128x64xf32, #tpu.memory_space<vmem>>) target(%dma_start3A_68 : memref<128x64xf32, #tpu.memory_space<vmem_shared>>) target_semaphore(%run_scoped3A : memref<!tpu.dma_semaphore, #tpu.memory_space<semaphore_mem>>)
      %dma_wait3A_72 = arith.constant 0 : i32
      %dma_wait3A_73 = arith.constant 0 : i32
      %dma_wait3A_74 = tpu.memref_slice %arg8[%dma_wait3A_72, %dma_wait3A_73] : memref<256x64xf32, #tpu.memory_space<vmem>> -> memref<128x64xf32, #tpu.memory_space<vmem>>
      %dma_wait3A_75 = arith.constant 0 : i32
      %dma_wait3A_76 = tpu.memref_slice %arg9[%add3A_30, %dma_wait3A_75] : memref<10240x64xf32, #tpu.memory_space<vmem_shared>> -> memref<128x64xf32, #tpu.memory_space<vmem_shared>>
      %dma_wait3A_77 = arith.constant 0 : i32
      %dma_wait3A_78 = tpu.memref_slice %arg9[%add3A_30, %dma_wait3A_77] : memref<10240x64xf32, #tpu.memory_space<vmem_shared>> -> memref<128x64xf32, #tpu.memory_space<vmem_shared>>
      %dma_wait3A_79 = arith.constant 0 : i32
      %dma_wait3A_80 = arith.constant 0 : i32
      %dma_wait3A_81 = tpu.memref_slice %arg8[%dma_wait3A_79, %dma_wait3A_80] : memref<256x64xf32, #tpu.memory_space<vmem>> -> memref<128x64xf32, #tpu.memory_space<vmem>>
      tpu.wait_dma2 semaphore(%run_scoped3A : memref<!tpu.dma_semaphore, #tpu.memory_space<semaphore_mem>>) src(%dma_wait3A_81 : memref<128x64xf32, #tpu.memory_space<vmem>>) dst(%dma_wait3A_78 : memref<128x64xf32, #tpu.memory_space<vmem_shared>>)
      tpu.yield
    }) : () -> ()
    %add3A_31 = arith.constant 384 : i32
    %add3A_32 = arith.addi %mul3A_24, %add3A_31 : i32
    "tpu.region"() ({
      %run_scoped3A = tpu.sem_alloc : memref<!tpu.dma_semaphore, #tpu.memory_space<semaphore_mem>>
      %dma_start3A_62 = arith.constant 0 : i32
      %dma_start3A_63 = arith.constant 0 : i32
      %dma_start3A_64 = tpu.memref_slice %arg8[%dma_start3A_62, %dma_start3A_63] : memref<256x64xf32, #tpu.memory_space<vmem>> -> memref<128x64xf32, #tpu.memory_space<vmem>>
      %dma_start3A_65 = arith.constant 0 : i32
      %dma_start3A_66 = tpu.memref_slice %arg9[%add3A_32, %dma_start3A_65] : memref<10240x64xf32, #tpu.memory_space<vmem_shared>> -> memref<128x64xf32, #tpu.memory_space<vmem_shared>>
      %dma_start3A_67 = arith.constant 0 : i32
      %dma_start3A_68 = tpu.memref_slice %arg9[%add3A_32, %dma_start3A_67] : memref<10240x64xf32, #tpu.memory_space<vmem_shared>> -> memref<128x64xf32, #tpu.memory_space<vmem_shared>>
      %dma_start3A_69 = arith.constant 0 : i32
      %dma_start3A_70 = arith.constant 0 : i32
      %dma_start3A_71 = tpu.memref_slice %arg8[%dma_start3A_69, %dma_start3A_70] : memref<256x64xf32, #tpu.memory_space<vmem>> -> memref<128x64xf32, #tpu.memory_space<vmem>>
      tpu.enqueue_dma source(%dma_start3A_71 : memref<128x64xf32, #tpu.memory_space<vmem>>) target(%dma_start3A_68 : memref<128x64xf32, #tpu.memory_space<vmem_shared>>) target_semaphore(%run_scoped3A : memref<!tpu.dma_semaphore, #tpu.memory_space<semaphore_mem>>)
      %dma_wait3A_72 = arith.constant 0 : i32
      %dma_wait3A_73 = arith.constant 0 : i32
      %dma_wait3A_74 = tpu.memref_slice %arg8[%dma_wait3A_72, %dma_wait3A_73] : memref<256x64xf32, #tpu.memory_space<vmem>> -> memref<128x64xf32, #tpu.memory_space<vmem>>
      %dma_wait3A_75 = arith.constant 0 : i32
      %dma_wait3A_76 = tpu.memref_slice %arg9[%add3A_32, %dma_wait3A_75] : memref<10240x64xf32, #tpu.memory_space<vmem_shared>> -> memref<128x64xf32, #tpu.memory_space<vmem_shared>>
      %dma_wait3A_77 = arith.constant 0 : i32
      %dma_wait3A_78 = tpu.memref_slice %arg9[%add3A_32, %dma_wait3A_77] : memref<10240x64xf32, #tpu.memory_space<vmem_shared>> -> memref<128x64xf32, #tpu.memory_space<vmem_shared>>
      %dma_wait3A_79 = arith.constant 0 : i32
      %dma_wait3A_80 = arith.constant 0 : i32
      %dma_wait3A_81 = tpu.memref_slice %arg8[%dma_wait3A_79, %dma_wait3A_80] : memref<256x64xf32, #tpu.memory_space<vmem>> -> memref<128x64xf32, #tpu.memory_space<vmem>>
      tpu.wait_dma2 semaphore(%run_scoped3A : memref<!tpu.dma_semaphore, #tpu.memory_space<semaphore_mem>>) src(%dma_wait3A_81 : memref<128x64xf32, #tpu.memory_space<vmem>>) dst(%dma_wait3A_78 : memref<128x64xf32, #tpu.memory_space<vmem_shared>>)
      tpu.yield
    }) : () -> ()
    %add3A_33 = arith.constant 512 : i32
    %add3A_34 = arith.addi %mul3A_24, %add3A_33 : i32
    "tpu.region"() ({
      %run_scoped3A = tpu.sem_alloc : memref<!tpu.dma_semaphore, #tpu.memory_space<semaphore_mem>>
      %dma_start3A_62 = arith.constant 0 : i32
      %dma_start3A_63 = arith.constant 0 : i32
      %dma_start3A_64 = tpu.memref_slice %arg8[%dma_start3A_62, %dma_start3A_63] : memref<256x64xf32, #tpu.memory_space<vmem>> -> memref<128x64xf32, #tpu.memory_space<vmem>>
      %dma_start3A_65 = arith.constant 0 : i32
      %dma_start3A_66 = tpu.memref_slice %arg9[%add3A_34, %dma_start3A_65] : memref<10240x64xf32, #tpu.memory_space<vmem_shared>> -> memref<128x64xf32, #tpu.memory_space<vmem_shared>>
      %dma_start3A_67 = arith.constant 0 : i32
      %dma_start3A_68 = tpu.memref_slice %arg9[%add3A_34, %dma_start3A_67] : memref<10240x64xf32, #tpu.memory_space<vmem_shared>> -> memref<128x64xf32, #tpu.memory_space<vmem_shared>>
      %dma_start3A_69 = arith.constant 0 : i32
      %dma_start3A_70 = arith.constant 0 : i32
      %dma_start3A_71 = tpu.memref_slice %arg8[%dma_start3A_69, %dma_start3A_70] : memref<256x64xf32, #tpu.memory_space<vmem>> -> memref<128x64xf32, #tpu.memory_space<vmem>>
      tpu.enqueue_dma source(%dma_start3A_71 : memref<128x64xf32, #tpu.memory_space<vmem>>) target(%dma_start3A_68 : memref<128x64xf32, #tpu.memory_space<vmem_shared>>) target_semaphore(%run_scoped3A : memref<!tpu.dma_semaphore, #tpu.memory_space<semaphore_mem>>)
      %dma_wait3A_72 = arith.constant 0 : i32
      %dma_wait3A_73 = arith.constant 0 : i32
      %dma_wait3A_74 = tpu.memref_slice %arg8[%dma_wait3A_72, %dma_wait3A_73] : memref<256x64xf32, #tpu.memory_space<vmem>> -> memref<128x64xf32, #tpu.memory_space<vmem>>
      %dma_wait3A_75 = arith.constant 0 : i32
      %dma_wait3A_76 = tpu.memref_slice %arg9[%add3A_34, %dma_wait3A_75] : memref<10240x64xf32, #tpu.memory_space<vmem_shared>> -> memref<128x64xf32, #tpu.memory_space<vmem_shared>>
      %dma_wait3A_77 = arith.constant 0 : i32
      %dma_wait3A_78 = tpu.memref_slice %arg9[%add3A_34, %dma_wait3A_77] : memref<10240x64xf32, #tpu.memory_space<vmem_shared>> -> memref<128x64xf32, #tpu.memory_space<vmem_shared>>
      %dma_wait3A_79 = arith.constant 0 : i32
      %dma_wait3A_80 = arith.constant 0 : i32
      %dma_wait3A_81 = tpu.memref_slice %arg8[%dma_wait3A_79, %dma_wait3A_80] : memref<256x64xf32, #tpu.memory_space<vmem>> -> memref<128x64xf32, #tpu.memory_space<vmem>>
      tpu.wait_dma2 semaphore(%run_scoped3A : memref<!tpu.dma_semaphore, #tpu.memory_space<semaphore_mem>>) src(%dma_wait3A_81 : memref<128x64xf32, #tpu.memory_space<vmem>>) dst(%dma_wait3A_78 : memref<128x64xf32, #tpu.memory_space<vmem_shared>>)
      tpu.yield
    }) : () -> ()
    %dma_wait3A = arith.constant 0 : i32
    %dma_wait3A_35 = arith.constant 0 : i32
    %dma_wait3A_36 = tpu.memref_slice %arg3[%add3A, %dma_wait3A, %dma_wait3A_35] : memref<32x80x128xi32, #tpu.memory_space<hbm>> -> memref<1x80x128xi32, #tpu.memory_space<hbm>>
    %dma_wait3A_37 = tpu.memref_squeeze %dma_wait3A_36 : memref<1x80x128xi32, #tpu.memory_space<hbm>> -> memref<80x128xi32, #tpu.memory_space<hbm>>
    %dma_wait3A_38 = arith.constant 0 : i32
    %dma_wait3A_39 = arith.constant 0 : i32
    %dma_wait3A_40 = tpu.memref_slice %arg3[%add3A, %dma_wait3A_38, %dma_wait3A_39] : memref<32x80x128xi32, #tpu.memory_space<hbm>> -> memref<1x80x128xi32, #tpu.memory_space<hbm>>
    %dma_wait3A_41 = tpu.memref_squeeze %dma_wait3A_40 : memref<1x80x128xi32, #tpu.memory_space<hbm>> -> memref<80x128xi32, #tpu.memory_space<hbm>>
    tpu.wait_dma2 semaphore(%arg11 : memref<!tpu.dma_semaphore, #tpu.memory_space<semaphore_mem>>) src(%dma_wait3A_41 : memref<80x128xi32, #tpu.memory_space<hbm>>) dst(%arg6 : memref<80x128xi32, #tpu.memory_space<vmem>>)
    %dma_wait3A_42 = arith.constant 0 : i32
    %dma_wait3A_43 = arith.constant 0 : i32
    %dma_wait3A_44 = tpu.memref_slice %arg4[%add3A, %dma_wait3A_42, %dma_wait3A_43] : memref<32x80x128xi32, #tpu.memory_space<hbm>> -> memref<1x80x128xi32, #tpu.memory_space<hbm>>
    %dma_wait3A_45 = tpu.memref_squeeze %dma_wait3A_44 : memref<1x80x128xi32, #tpu.memory_space<hbm>> -> memref<80x128xi32, #tpu.memory_space<hbm>>
    %dma_wait3A_46 = arith.constant 0 : i32
    %dma_wait3A_47 = arith.constant 0 : i32
    %dma_wait3A_48 = tpu.memref_slice %arg4[%add3A, %dma_wait3A_46, %dma_wait3A_47] : memref<32x80x128xi32, #tpu.memory_space<hbm>> -> memref<1x80x128xi32, #tpu.memory_space<hbm>>
    %dma_wait3A_49 = tpu.memref_squeeze %dma_wait3A_48 : memref<1x80x128xi32, #tpu.memory_space<hbm>> -> memref<80x128xi32, #tpu.memory_space<hbm>>
    tpu.wait_dma2 semaphore(%arg12 : memref<!tpu.dma_semaphore, #tpu.memory_space<semaphore_mem>>) src(%dma_wait3A_49 : memref<80x128xi32, #tpu.memory_space<hbm>>) dst(%arg7 : memref<80x128xi32, #tpu.memory_space<vmem>>)
    %barrier3A = arith.constant 0 : index
    tpu.barrier barrier_id(%barrier3A)
    %add3A_50 = arith.constant 1 : i32
    %add3A_51 = arith.addi %select_n3A, %add3A_50 : i32
    %while3A = arith.constant 0 : i32
    %while3A_52 = arith.constant 0 : i32
    %while3A_53 = arith.subi %add3A_51, %while3A_52 : i32
    %while3A_54 = arith.addi %while3A_52, %while3A_53 : i32
    %while3A_55 = arith.constant 1 : i32
    %while3A_56 = arith.divsi %while3A_53, %while3A_55 : i32
    %while3A_57 = arith.muli %while3A_56, %while3A_55 : i32
    %while3A_58 = arith.addi %while3A_52, %while3A_57 : i32
    %while3A_59 = arith.constant 1 : i32
    scf.for %while3A_62 = %while3A_52 to %while3A_58 step %while3A_59  : i32 {
      %rem3A = arith.constant 2 : i32
      %rem3A_63 = arith.remsi %while3A_62, %rem3A : i32
      %mul3A_64 = arith.constant 128 : i32
      %mul3A_65 = arith.muli %rem3A_63, %mul3A_64 : i32
      %sub3A = arith.constant 1 : i32
      %sub3A_66 = arith.subi %while3A_62, %sub3A : i32
      %max3A = arith.constant 0 : i32
      %max3A_67 = arith.maxsi %sub3A_66, %max3A : i32
      %rem3A_68 = arith.constant 2 : i32
      %rem3A_69 = arith.remsi %max3A_67, %rem3A_68 : i32
      %mul3A_70 = arith.constant 128 : i32
      %mul3A_71 = arith.muli %rem3A_69, %mul3A_70 : i32
      %lt3A = arith.cmpi slt, %while3A_62, %select_n3A : i32
      %convert_element_type3A = arith.extui %lt3A : i1 to i32
      %cond3A = arith.constant 0 : i32
      %cond3A_72 = arith.cmpi ne, %convert_element_type3A, %cond3A : i32
      scf.if %cond3A_72 {
        %dma_start3A_77 = arith.constant 0 : i32
        %dma_start3A_78 = tpu.memref_slice %arg8[%mul3A_65, %dma_start3A_77] : memref<256x64xf32, #tpu.memory_space<vmem>> -> memref<128x64xf32, #tpu.memory_space<vmem>>
        %dma_start3A_79 = arith.constant 0 : i32
        %dma_start3A_80 = tpu.memref_slice %arg6[%while3A_62, %dma_start3A_79] : memref<80x128xi32, #tpu.memory_space<vmem>> -> memref<1x128xi32, #tpu.memory_space<vmem>>
        %dma_start3A_81 = tpu.memref_squeeze %dma_start3A_80 : memref<1x128xi32, #tpu.memory_space<vmem>> -> memref<128xi32, #tpu.memory_space<vmem>>
        %dma_start3A_82 = arith.constant 0 : i32
        %dma_start3A_83 = arith.constant 0 : i32
        %dma_start3A_84 = tpu.memref_slice %arg2[%dma_start3A_82, %dma_start3A_83] : memref<10000x64xf32, #tpu.memory_space<hbm>> -> memref<10000x64xf32, #tpu.memory_space<hbm>>
        tpu.enqueue_indirect_dma source(%dma_start3A_84 : memref<10000x64xf32, #tpu.memory_space<hbm>>) target(%dma_start3A_78 : memref<128x64xf32, #tpu.memory_space<vmem>>) offsets(%dma_start3A_81 : memref<128xi32, #tpu.memory_space<vmem>>) semaphore(%arg10 : memref<!tpu.dma_semaphore, #tpu.memory_space<semaphore_mem>>)
      } else {
      }
      %gt3A = arith.constant 0 : i32
      %gt3A_73 = arith.cmpi sgt, %while3A_62, %gt3A : i32
      %convert_element_type3A_74 = arith.extui %gt3A_73 : i1 to i32
      %cond3A_75 = arith.constant 0 : i32
      %cond3A_76 = arith.cmpi ne, %convert_element_type3A_74, %cond3A_75 : i32
      scf.if %cond3A_76 {
        %dma_wait3A_77 = arith.constant 0 : i32
        %dma_wait3A_78 = tpu.memref_slice %arg8[%mul3A_71, %dma_wait3A_77] : memref<256x64xf32, #tpu.memory_space<vmem>> -> memref<128x64xf32, #tpu.memory_space<vmem>>
        %dma_wait3A_79 = arith.constant 0 : i32
        %dma_wait3A_80 = tpu.memref_slice %arg6[%max3A_67, %dma_wait3A_79] : memref<80x128xi32, #tpu.memory_space<vmem>> -> memref<1x128xi32, #tpu.memory_space<vmem>>
        %dma_wait3A_81 = tpu.memref_squeeze %dma_wait3A_80 : memref<1x128xi32, #tpu.memory_space<vmem>> -> memref<128xi32, #tpu.memory_space<vmem>>
        %dma_wait3A_82 = arith.constant 0 : i32
        %dma_wait3A_83 = arith.constant 0 : i32
        %dma_wait3A_84 = tpu.memref_slice %arg2[%dma_wait3A_82, %dma_wait3A_83] : memref<10000x64xf32, #tpu.memory_space<hbm>> -> memref<10000x64xf32, #tpu.memory_space<hbm>>
        tpu.wait_indirect_dma semaphore(%arg10 : memref<!tpu.dma_semaphore, #tpu.memory_space<semaphore_mem>>) src(%dma_wait3A_84 : memref<10000x64xf32, #tpu.memory_space<hbm>>) dst(%dma_wait3A_78 : memref<128x64xf32, #tpu.memory_space<vmem>>)
        "tpu.region"() ({
          %run_scoped3A = tpu.sem_alloc : memref<!tpu.dma_semaphore, #tpu.memory_space<semaphore_mem>>
          %dma_start3A_85 = arith.constant 0 : i32
          %dma_start3A_86 = tpu.memref_slice %arg8[%mul3A_71, %dma_start3A_85] : memref<256x64xf32, #tpu.memory_space<vmem>> -> memref<128x64xf32, #tpu.memory_space<vmem>>
          %dma_start3A_87 = arith.constant 0 : i32
          %dma_start3A_88 = tpu.memref_slice %arg7[%max3A_67, %dma_start3A_87] : memref<80x128xi32, #tpu.memory_space<vmem>> -> memref<1x128xi32, #tpu.memory_space<vmem>>
          %dma_start3A_89 = tpu.memref_squeeze %dma_start3A_88 : memref<1x128xi32, #tpu.memory_space<vmem>> -> memref<128xi32, #tpu.memory_space<vmem>>
          %dma_start3A_90 = arith.constant 0 : i32
          %dma_start3A_91 = arith.constant 0 : i32
          %dma_start3A_92 = tpu.memref_slice %arg9[%dma_start3A_90, %dma_start3A_91] : memref<10240x64xf32, #tpu.memory_space<vmem_shared>> -> memref<10240x64xf32, #tpu.memory_space<vmem_shared>>
          tpu.enqueue_indirect_dma source(%dma_start3A_86 : memref<128x64xf32, #tpu.memory_space<vmem>>) target(%dma_start3A_92 : memref<10240x64xf32, #tpu.memory_space<vmem_shared>>) offsets(%dma_start3A_89 : memref<128xi32, #tpu.memory_space<vmem>>) semaphore(%run_scoped3A : memref<!tpu.dma_semaphore, #tpu.memory_space<semaphore_mem>>) {add = true}
          %dma_wait3A_93 = arith.constant 0 : i32
          %dma_wait3A_94 = tpu.memref_slice %arg8[%mul3A_71, %dma_wait3A_93] : memref<256x64xf32, #tpu.memory_space<vmem>> -> memref<128x64xf32, #tpu.memory_space<vmem>>
          %dma_wait3A_95 = arith.constant 0 : i32
          %dma_wait3A_96 = tpu.memref_slice %arg7[%max3A_67, %dma_wait3A_95] : memref<80x128xi32, #tpu.memory_space<vmem>> -> memref<1x128xi32, #tpu.memory_space<vmem>>
          %dma_wait3A_97 = tpu.memref_squeeze %dma_wait3A_96 : memref<1x128xi32, #tpu.memory_space<vmem>> -> memref<128xi32, #tpu.memory_space<vmem>>
          %dma_wait3A_98 = arith.constant 0 : i32
          %dma_wait3A_99 = arith.constant 0 : i32
          %dma_wait3A_100 = tpu.memref_slice %arg9[%dma_wait3A_98, %dma_wait3A_99] : memref<10240x64xf32, #tpu.memory_space<vmem_shared>> -> memref<10240x64xf32, #tpu.memory_space<vmem_shared>>
          tpu.wait_indirect_dma semaphore(%run_scoped3A : memref<!tpu.dma_semaphore, #tpu.memory_space<semaphore_mem>>) src(%dma_wait3A_94 : memref<128x64xf32, #tpu.memory_space<vmem>>) dst(%dma_wait3A_100 : memref<10240x64xf32, #tpu.memory_space<vmem_shared>>)
          tpu.yield
        }) : () -> ()
      } else {
      }
    }
    %while3A_60 = arith.constant 1 : i32
    scf.for %while3A_62 = %while3A_58 to %while3A_54 step %while3A_60  : i32 {
      %rem3A = arith.constant 2 : i32
      %rem3A_63 = arith.remsi %while3A_62, %rem3A : i32
      %mul3A_64 = arith.constant 128 : i32
      %mul3A_65 = arith.muli %rem3A_63, %mul3A_64 : i32
      %sub3A = arith.constant 1 : i32
      %sub3A_66 = arith.subi %while3A_62, %sub3A : i32
      %max3A = arith.constant 0 : i32
      %max3A_67 = arith.maxsi %sub3A_66, %max3A : i32
      %rem3A_68 = arith.constant 2 : i32
      %rem3A_69 = arith.remsi %max3A_67, %rem3A_68 : i32
      %mul3A_70 = arith.constant 128 : i32
      %mul3A_71 = arith.muli %rem3A_69, %mul3A_70 : i32
      %lt3A = arith.cmpi slt, %while3A_62, %select_n3A : i32
      %convert_element_type3A = arith.extui %lt3A : i1 to i32
      %cond3A = arith.constant 0 : i32
      %cond3A_72 = arith.cmpi ne, %convert_element_type3A, %cond3A : i32
      scf.if %cond3A_72 {
        %dma_start3A_77 = arith.constant 0 : i32
        %dma_start3A_78 = tpu.memref_slice %arg8[%mul3A_65, %dma_start3A_77] : memref<256x64xf32, #tpu.memory_space<vmem>> -> memref<128x64xf32, #tpu.memory_space<vmem>>
        %dma_start3A_79 = arith.constant 0 : i32
        %dma_start3A_80 = tpu.memref_slice %arg6[%while3A_62, %dma_start3A_79] : memref<80x128xi32, #tpu.memory_space<vmem>> -> memref<1x128xi32, #tpu.memory_space<vmem>>
        %dma_start3A_81 = tpu.memref_squeeze %dma_start3A_80 : memref<1x128xi32, #tpu.memory_space<vmem>> -> memref<128xi32, #tpu.memory_space<vmem>>
        %dma_start3A_82 = arith.constant 0 : i32
        %dma_start3A_83 = arith.constant 0 : i32
        %dma_start3A_84 = tpu.memref_slice %arg2[%dma_start3A_82, %dma_start3A_83] : memref<10000x64xf32, #tpu.memory_space<hbm>> -> memref<10000x64xf32, #tpu.memory_space<hbm>>
        tpu.enqueue_indirect_dma source(%dma_start3A_84 : memref<10000x64xf32, #tpu.memory_space<hbm>>) target(%dma_start3A_78 : memref<128x64xf32, #tpu.memory_space<vmem>>) offsets(%dma_start3A_81 : memref<128xi32, #tpu.memory_space<vmem>>) semaphore(%arg10 : memref<!tpu.dma_semaphore, #tpu.memory_space<semaphore_mem>>)
      } else {
      }
      %gt3A = arith.constant 0 : i32
      %gt3A_73 = arith.cmpi sgt, %while3A_62, %gt3A : i32
      %convert_element_type3A_74 = arith.extui %gt3A_73 : i1 to i32
      %cond3A_75 = arith.constant 0 : i32
      %cond3A_76 = arith.cmpi ne, %convert_element_type3A_74, %cond3A_75 : i32
      scf.if %cond3A_76 {
        %dma_wait3A_77 = arith.constant 0 : i32
        %dma_wait3A_78 = tpu.memref_slice %arg8[%mul3A_71, %dma_wait3A_77] : memref<256x64xf32, #tpu.memory_space<vmem>> -> memref<128x64xf32, #tpu.memory_space<vmem>>
        %dma_wait3A_79 = arith.constant 0 : i32
        %dma_wait3A_80 = tpu.memref_slice %arg6[%max3A_67, %dma_wait3A_79] : memref<80x128xi32, #tpu.memory_space<vmem>> -> memref<1x128xi32, #tpu.memory_space<vmem>>
        %dma_wait3A_81 = tpu.memref_squeeze %dma_wait3A_80 : memref<1x128xi32, #tpu.memory_space<vmem>> -> memref<128xi32, #tpu.memory_space<vmem>>
        %dma_wait3A_82 = arith.constant 0 : i32
        %dma_wait3A_83 = arith.constant 0 : i32
        %dma_wait3A_84 = tpu.memref_slice %arg2[%dma_wait3A_82, %dma_wait3A_83] : memref<10000x64xf32, #tpu.memory_space<hbm>> -> memref<10000x64xf32, #tpu.memory_space<hbm>>
        tpu.wait_indirect_dma semaphore(%arg10 : memref<!tpu.dma_semaphore, #tpu.memory_space<semaphore_mem>>) src(%dma_wait3A_84 : memref<10000x64xf32, #tpu.memory_space<hbm>>) dst(%dma_wait3A_78 : memref<128x64xf32, #tpu.memory_space<vmem>>)
        "tpu.region"() ({
          %run_scoped3A = tpu.sem_alloc : memref<!tpu.dma_semaphore, #tpu.memory_space<semaphore_mem>>
          %dma_start3A_85 = arith.constant 0 : i32
          %dma_start3A_86 = tpu.memref_slice %arg8[%mul3A_71, %dma_start3A_85] : memref<256x64xf32, #tpu.memory_space<vmem>> -> memref<128x64xf32, #tpu.memory_space<vmem>>
          %dma_start3A_87 = arith.constant 0 : i32
          %dma_start3A_88 = tpu.memref_slice %arg7[%max3A_67, %dma_start3A_87] : memref<80x128xi32, #tpu.memory_space<vmem>> -> memref<1x128xi32, #tpu.memory_space<vmem>>
          %dma_start3A_89 = tpu.memref_squeeze %dma_start3A_88 : memref<1x128xi32, #tpu.memory_space<vmem>> -> memref<128xi32, #tpu.memory_space<vmem>>
          %dma_start3A_90 = arith.constant 0 : i32
          %dma_start3A_91 = arith.constant 0 : i32
          %dma_start3A_92 = tpu.memref_slice %arg9[%dma_start3A_90, %dma_start3A_91] : memref<10240x64xf32, #tpu.memory_space<vmem_shared>> -> memref<10240x64xf32, #tpu.memory_space<vmem_shared>>
          tpu.enqueue_indirect_dma source(%dma_start3A_86 : memref<128x64xf32, #tpu.memory_space<vmem>>) target(%dma_start3A_92 : memref<10240x64xf32, #tpu.memory_space<vmem_shared>>) offsets(%dma_start3A_89 : memref<128xi32, #tpu.memory_space<vmem>>) semaphore(%run_scoped3A : memref<!tpu.dma_semaphore, #tpu.memory_space<semaphore_mem>>) {add = true}
          %dma_wait3A_93 = arith.constant 0 : i32
          %dma_wait3A_94 = tpu.memref_slice %arg8[%mul3A_71, %dma_wait3A_93] : memref<256x64xf32, #tpu.memory_space<vmem>> -> memref<128x64xf32, #tpu.memory_space<vmem>>
          %dma_wait3A_95 = arith.constant 0 : i32
          %dma_wait3A_96 = tpu.memref_slice %arg7[%max3A_67, %dma_wait3A_95] : memref<80x128xi32, #tpu.memory_space<vmem>> -> memref<1x128xi32, #tpu.memory_space<vmem>>
          %dma_wait3A_97 = tpu.memref_squeeze %dma_wait3A_96 : memref<1x128xi32, #tpu.memory_space<vmem>> -> memref<128xi32, #tpu.memory_space<vmem>>
          %dma_wait3A_98 = arith.constant 0 : i32
          %dma_wait3A_99 = arith.constant 0 : i32
          %dma_wait3A_100 = tpu.memref_slice %arg9[%dma_wait3A_98, %dma_wait3A_99] : memref<10240x64xf32, #tpu.memory_space<vmem_shared>> -> memref<10240x64xf32, #tpu.memory_space<vmem_shared>>
          tpu.wait_indirect_dma semaphore(%run_scoped3A : memref<!tpu.dma_semaphore, #tpu.memory_space<semaphore_mem>>) src(%dma_wait3A_94 : memref<128x64xf32, #tpu.memory_space<vmem>>) dst(%dma_wait3A_100 : memref<10240x64xf32, #tpu.memory_space<vmem_shared>>)
          tpu.yield
        }) : () -> ()
      } else {
      }
    }
    %barrier3A_61 = arith.constant 0 : index
    tpu.barrier barrier_id(%barrier3A_61)
    "tpu.region"() ({
      %run_scoped3A = tpu.sem_alloc : memref<!tpu.dma_semaphore, #tpu.memory_space<semaphore_mem>>
      %dma_start3A_62 = arith.constant 0 : i32
      %dma_start3A_63 = tpu.memref_slice %arg5[%arg0, %mul3A_24, %dma_start3A_62] : memref<2x10240x64xf32, #tpu.memory_space<hbm>> -> memref<1x640x64xf32, #tpu.memory_space<hbm>>
      %dma_start3A_64 = tpu.memref_squeeze %dma_start3A_63 : memref<1x640x64xf32, #tpu.memory_space<hbm>> -> memref<640x64xf32, #tpu.memory_space<hbm>>
      %dma_start3A_65 = arith.constant 0 : i32
      %dma_start3A_66 = tpu.memref_slice %arg9[%mul3A_24, %dma_start3A_65] : memref<10240x64xf32, #tpu.memory_space<vmem_shared>> -> memref<640x64xf32, #tpu.memory_space<vmem_shared>>
      tpu.enqueue_dma source(%dma_start3A_66 : memref<640x64xf32, #tpu.memory_space<vmem_shared>>) target(%dma_start3A_64 : memref<640x64xf32, #tpu.memory_space<hbm>>) target_semaphore(%run_scoped3A : memref<!tpu.dma_semaphore, #tpu.memory_space<semaphore_mem>>)
      %dma_wait3A_67 = arith.constant 0 : i32
      %dma_wait3A_68 = tpu.memref_slice %arg5[%arg0, %mul3A_24, %dma_wait3A_67] : memref<2x10240x64xf32, #tpu.memory_space<hbm>> -> memref<1x640x64xf32, #tpu.memory_space<hbm>>
      %dma_wait3A_69 = tpu.memref_squeeze %dma_wait3A_68 : memref<1x640x64xf32, #tpu.memory_space<hbm>> -> memref<640x64xf32, #tpu.memory_space<hbm>>
      %dma_wait3A_70 = arith.constant 0 : i32
      %dma_wait3A_71 = tpu.memref_slice %arg9[%mul3A_24, %dma_wait3A_70] : memref<10240x64xf32, #tpu.memory_space<vmem_shared>> -> memref<640x64xf32, #tpu.memory_space<vmem_shared>>
      tpu.wait_dma2 semaphore(%run_scoped3A : memref<!tpu.dma_semaphore, #tpu.memory_space<semaphore_mem>>) src(%dma_wait3A_71 : memref<640x64xf32, #tpu.memory_space<vmem_shared>>) dst(%dma_wait3A_69 : memref<640x64xf32, #tpu.memory_space<hbm>>)
      tpu.yield
    }) : () -> ()
    return
  }
}

module attributes {stable_mosaic.version = 14 : i64} {
  func.func @_mm_body(%arg0: i32, %arg1: memref<1000x128xf32, #tpu.memory_space<vmem>>, %arg2: memref<128x64xf32, #tpu.memory_space<vmem>>, %arg3: memref<1000x64xf32, #tpu.memory_space<vmem>>) attributes {dimension_semantics = [#tpu.dimension_semantics<arbitrary>], iteration_bounds = array<i64: 10>, scalar_prefetch = 0 : i64, scratch_operands = 0 : i64, tpu.core_type = #tpu.core_type<tc>, window_params = [{transform_indices = @transform_0, window_bounds = array<i64: 1000, 128>}, {pipeline_mode = #tpu.pipeline_mode<synchronous>, transform_indices = @transform_1, window_bounds = array<i64: 128, 64>}, {transform_indices = @transform_2, window_bounds = array<i64: 1000, 64>}]} {
    %get3A = arith.constant 0 : index
    %get3A_0 = arith.constant 0 : index
    %get3A_1 = vector.load %arg1[%get3A, %get3A_0] : memref<1000x128xf32, #tpu.memory_space<vmem>>, vector<1000x128xf32>
    %get3A_2 = arith.constant 0 : index
    %get3A_3 = arith.constant 0 : index
    %get3A_4 = vector.load %arg2[%get3A_2, %get3A_3] : memref<128x64xf32, #tpu.memory_space<vmem>>, vector<128x64xf32>
    %dot_general3A = arith.constant dense<0.000000e+00> : vector<1000x64xf32>
    %dot_general3A_5 = tpu.matmul %get3A_1, %get3A_4, %dot_general3A {dimension_numbers = #tpu.dot_dimension_numbers<[1], [0], [0], [1], [0, 0, 1, 1], [], []>, transpose_lhs_hint = false} : vector<1000x128xf32>, vector<128x64xf32>, vector<1000x64xf32> -> vector<1000x64xf32>
    %swap3A = arith.constant 0 : index
    %swap3A_6 = arith.constant 0 : index
    %swap3A_7 = vector.load %arg3[%swap3A, %swap3A_6] : memref<1000x64xf32, #tpu.memory_space<vmem>>, vector<1000x64xf32>
    tpu.vector_store %arg3[%swap3A, %swap3A_6], %dot_general3A_5 {strides = array<i32>} : memref<1000x64xf32, #tpu.memory_space<vmem>>, vector<1000x64xf32>,
    return
  }
  func.func @transform_0(%arg0: i32) -> (i32, i32) {
    %c0_i32 = arith.constant 0 : i32
    %c0_i32_0 = arith.constant 0 : i32
    return %arg0, %c0_i32 : i32, i32
  }
  func.func @transform_1(%arg0: i32) -> (i32, i32) {
    %c0_i32 = arith.constant 0 : i32
    %c0_i32_0 = arith.constant 0 : i32
    %c0_i32_1 = arith.constant 0 : i32
    return %c0_i32, %c0_i32_0 : i32, i32
  }
  func.func @transform_2(%arg0: i32) -> (i32, i32) {
    %c0_i32 = arith.constant 0 : i32
    %c0_i32_0 = arith.constant 0 : i32
    return %arg0, %c0_i32 : i32, i32
  }
}

module attributes {stable_mosaic.version = 14 : i64} {
  func.func @_scale0_body(%arg0: i32, %arg1: memref<1000x64xf32, #tpu.memory_space<vmem>>, %arg2: memref<1000x1xf32, #tpu.memory_space<vmem>>, %arg3: memref<1000x1xf32, #tpu.memory_space<vmem>>, %arg4: memref<1000x64xf32, #tpu.memory_space<vmem>>, %arg5: memref<1000x1xf32, #tpu.memory_space<vmem>>) attributes {dimension_semantics = [#tpu.dimension_semantics<arbitrary>], iteration_bounds = array<i64: 10>, scalar_prefetch = 0 : i64, scratch_operands = 0 : i64, tpu.core_type = #tpu.core_type<tc>, window_params = [{transform_indices = @transform_0, window_bounds = array<i64: 1000, 64>}, {transform_indices = @transform_1, window_bounds = array<i64: 1000, 1>}, {transform_indices = @transform_2, window_bounds = array<i64: 1000, 1>}, {transform_indices = @transform_3, window_bounds = array<i64: 1000, 64>}, {transform_indices = @transform_4, window_bounds = array<i64: 1000, 1>}]} {
    %get3A = arith.constant 0 : index
    %get3A_0 = arith.constant 0 : index
    %get3A_1 = vector.load %arg2[%get3A, %get3A_0] : memref<1000x1xf32, #tpu.memory_space<vmem>>, vector<1000x1xf32>
    %get3A_2 = arith.constant 0 : index
    %get3A_3 = arith.constant 0 : index
    %get3A_4 = vector.load %arg3[%get3A_2, %get3A_3] : memref<1000x1xf32, #tpu.memory_space<vmem>>, vector<1000x1xf32>
    %add3A = arith.addf %get3A_1, %get3A_4 : vector<1000x1xf32>
    %add3A_5 = arith.constant 1.000000e+00 : f32
    %add3A_6 = vector.broadcast %add3A_5 : f32 to vector<1000x1xf32>
    %add3A_7 = arith.addf %add3A, %add3A_6 : vector<1000x1xf32>
    %rsqrt3A = math.rsqrt %add3A_7 : vector<1000x1xf32>
    %swap3A = arith.constant 0 : index
    %swap3A_8 = arith.constant 0 : index
    %swap3A_9 = vector.load %arg5[%swap3A, %swap3A_8] : memref<1000x1xf32, #tpu.memory_space<vmem>>, vector<1000x1xf32>
    tpu.vector_store %arg5[%swap3A, %swap3A_8], %rsqrt3A {strides = array<i32>} : memref<1000x1xf32, #tpu.memory_space<vmem>>, vector<1000x1xf32>,
    %get3A_10 = arith.constant 0 : index
    %get3A_11 = arith.constant 0 : index
    %get3A_12 = vector.load %arg1[%get3A_10, %get3A_11] : memref<1000x64xf32, #tpu.memory_space<vmem>>, vector<1000x64xf32>
    %mul3A = vector.broadcast %rsqrt3A : vector<1000x1xf32> to vector<1000x64xf32>
    %mul3A_13 = arith.mulf %get3A_12, %mul3A : vector<1000x64xf32>
    %swap3A_14 = arith.constant 0 : index
    %swap3A_15 = arith.constant 0 : index
    %swap3A_16 = vector.load %arg4[%swap3A_14, %swap3A_15] : memref<1000x64xf32, #tpu.memory_space<vmem>>, vector<1000x64xf32>
    tpu.vector_store %arg4[%swap3A_14, %swap3A_15], %mul3A_13 {strides = array<i32>} : memref<1000x64xf32, #tpu.memory_space<vmem>>, vector<1000x64xf32>,
    return
  }
  func.func @transform_0(%arg0: i32) -> (i32, i32) {
    %c0_i32 = arith.constant 0 : i32
    %c0_i32_0 = arith.constant 0 : i32
    return %arg0, %c0_i32 : i32, i32
  }
  func.func @transform_1(%arg0: i32) -> (i32, i32) {
    %c0_i32 = arith.constant 0 : i32
    %c0_i32_0 = arith.constant 0 : i32
    return %arg0, %c0_i32 : i32, i32
  }
  func.func @transform_2(%arg0: i32) -> (i32, i32) {
    %c0_i32 = arith.constant 0 : i32
    %c0_i32_0 = arith.constant 0 : i32
    return %arg0, %c0_i32 : i32, i32
  }
  func.func @transform_3(%arg0: i32) -> (i32, i32) {
    %c0_i32 = arith.constant 0 : i32
    %c0_i32_0 = arith.constant 0 : i32
    return %arg0, %c0_i32 : i32, i32
  }
  func.func @transform_4(%arg0: i32) -> (i32, i32) {
    %c0_i32 = arith.constant 0 : i32
    %c0_i32_0 = arith.constant 0 : i32
    return %arg0, %c0_i32 : i32, i32
  }
}

module attributes {stable_mosaic.version = 14 : i64} {
  func.func @_mid_body(%arg0: i32, %arg1: memref<1000x64xf32, #tpu.memory_space<vmem>>, %arg2: memref<1000x64xf32, #tpu.memory_space<vmem>>, %arg3: memref<1000x64xf32, #tpu.memory_space<vmem>>, %arg4: memref<1000x1xf32, #tpu.memory_space<vmem>>, %arg5: memref<1x64xf32, #tpu.memory_space<vmem>>, %arg6: memref<64x64xf32, #tpu.memory_space<vmem>>, %arg7: memref<1000x64xf32, #tpu.memory_space<vmem>>) attributes {dimension_semantics = [#tpu.dimension_semantics<arbitrary>], iteration_bounds = array<i64: 10>, scalar_prefetch = 0 : i64, scratch_operands = 0 : i64, tpu.core_type = #tpu.core_type<tc>, window_params = [{transform_indices = @transform_0, window_bounds = array<i64: 1000, 64>}, {transform_indices = @transform_1, window_bounds = array<i64: 1000, 64>}, {transform_indices = @transform_2, window_bounds = array<i64: 1000, 64>}, {transform_indices = @transform_3, window_bounds = array<i64: 1000, 1>}, {pipeline_mode = #tpu.pipeline_mode<synchronous>, transform_indices = @transform_4, window_bounds = array<i64: 1, 64>}, {pipeline_mode = #tpu.pipeline_mode<synchronous>, transform_indices = @transform_5, window_bounds = array<i64: 64, 64>}, {transform_indices = @transform_6, window_bounds = array<i64: 1000, 64>}]} {
    %get3A = arith.constant 0 : index
    %get3A_0 = arith.constant 0 : index
    %get3A_1 = vector.load %arg4[%get3A, %get3A_0] : memref<1000x1xf32, #tpu.memory_space<vmem>>, vector<1000x1xf32>
    %get3A_2 = arith.constant 0 : index
    %get3A_3 = arith.constant 0 : index
    %get3A_4 = vector.load %arg1[%get3A_2, %get3A_3] : memref<1000x64xf32, #tpu.memory_space<vmem>>, vector<1000x64xf32>
    %get3A_5 = arith.constant 0 : index
    %get3A_6 = arith.constant 0 : index
    %get3A_7 = vector.load %arg2[%get3A_5, %get3A_6] : memref<1000x64xf32, #tpu.memory_space<vmem>>, vector<1000x64xf32>
    %add3A = arith.addf %get3A_4, %get3A_7 : vector<1000x64xf32>
    %get3A_8 = arith.constant 0 : index
    %get3A_9 = arith.constant 0 : index
    %get3A_10 = vector.load %arg3[%get3A_8, %get3A_9] : memref<1000x64xf32, #tpu.memory_space<vmem>>, vector<1000x64xf32>
    %add3A_11 = arith.addf %add3A, %get3A_10 : vector<1000x64xf32>
    %mul3A = vector.broadcast %get3A_1 : vector<1000x1xf32> to vector<1000x64xf32>
    %mul3A_12 = arith.mulf %mul3A, %add3A_11 : vector<1000x64xf32>
    %get3A_13 = arith.constant 0 : index
    %get3A_14 = arith.constant 0 : index
    %get3A_15 = vector.load %arg5[%get3A_13, %get3A_14] : memref<1x64xf32, #tpu.memory_space<vmem>>, vector<1x64xf32>
    %add3A_16 = vector.broadcast %get3A_15 : vector<1x64xf32> to vector<1000x64xf32>
    %add3A_17 = arith.addf %mul3A_12, %add3A_16 : vector<1000x64xf32>
    %max3A = arith.constant 0.000000e+00 : f32
    %max3A_18 = vector.broadcast %max3A : f32 to vector<1000x64xf32>
    %max3A_19 = arith.maximumf %add3A_17, %max3A_18 : vector<1000x64xf32>
    %get3A_20 = arith.constant 0 : index
    %get3A_21 = arith.constant 0 : index
    %get3A_22 = vector.load %arg6[%get3A_20, %get3A_21] : memref<64x64xf32, #tpu.memory_space<vmem>>, vector<64x64xf32>
    %dot_general3A = arith.constant dense<0.000000e+00> : vector<1000x64xf32>
    %dot_general3A_23 = tpu.matmul %max3A_19, %get3A_22, %dot_general3A {dimension_numbers = #tpu.dot_dimension_numbers<[1], [0], [0], [1], [0, 0, 1, 1], [], []>, transpose_lhs_hint = false} : vector<1000x64xf32>, vector<64x64xf32>, vector<1000x64xf32> -> vector<1000x64xf32>
    %mul3A_24 = vector.broadcast %get3A_1 : vector<1000x1xf32> to vector<1000x64xf32>
    %mul3A_25 = arith.mulf %mul3A_24, %dot_general3A_23 : vector<1000x64xf32>
    %swap3A = arith.constant 0 : index
    %swap3A_26 = arith.constant 0 : index
    %swap3A_27 = vector.load %arg7[%swap3A, %swap3A_26] : memref<1000x64xf32, #tpu.memory_space<vmem>>, vector<1000x64xf32>
    tpu.vector_store %arg7[%swap3A, %swap3A_26], %mul3A_25 {strides = array<i32>} : memref<1000x64xf32, #tpu.memory_space<vmem>>, vector<1000x64xf32>,
    return
  }
  func.func @transform_0(%arg0: i32) -> (i32, i32) {
    %c0_i32 = arith.constant 0 : i32
    %c0_i32_0 = arith.constant 0 : i32
    return %arg0, %c0_i32 : i32, i32
  }
  func.func @transform_1(%arg0: i32) -> (i32, i32) {
    %c0_i32 = arith.constant 0 : i32
    %c0_i32_0 = arith.constant 0 : i32
    return %arg0, %c0_i32 : i32, i32
  }
  func.func @transform_2(%arg0: i32) -> (i32, i32) {
    %c0_i32 = arith.constant 0 : i32
    %c0_i32_0 = arith.constant 0 : i32
    return %arg0, %c0_i32 : i32, i32
  }
  func.func @transform_3(%arg0: i32) -> (i32, i32) {
    %c0_i32 = arith.constant 0 : i32
    %c0_i32_0 = arith.constant 0 : i32
    return %arg0, %c0_i32 : i32, i32
  }
  func.func @transform_4(%arg0: i32) -> (i32, i32) {
    %c0_i32 = arith.constant 0 : i32
    %c0_i32_0 = arith.constant 0 : i32
    %c0_i32_1 = arith.constant 0 : i32
    return %c0_i32, %c0_i32_0 : i32, i32
  }
  func.func @transform_5(%arg0: i32) -> (i32, i32) {
    %c0_i32 = arith.constant 0 : i32
    %c0_i32_0 = arith.constant 0 : i32
    %c0_i32_1 = arith.constant 0 : i32
    return %c0_i32, %c0_i32_0 : i32, i32
  }
  func.func @transform_6(%arg0: i32) -> (i32, i32) {
    %c0_i32 = arith.constant 0 : i32
    %c0_i32_0 = arith.constant 0 : i32
    return %arg0, %c0_i32 : i32, i32
  }
}

module attributes {stable_mosaic.version = 14 : i64} {
  func.func @_fin_body(%arg0: i32, %arg1: memref<1000x64xf32, #tpu.memory_space<vmem>>, %arg2: memref<1000x64xf32, #tpu.memory_space<vmem>>, %arg3: memref<1000x64xf32, #tpu.memory_space<vmem>>, %arg4: memref<1000x1xf32, #tpu.memory_space<vmem>>, %arg5: memref<1x64xf32, #tpu.memory_space<vmem>>, %arg6: memref<1000x64xf32, #tpu.memory_space<vmem>>) attributes {dimension_semantics = [#tpu.dimension_semantics<arbitrary>], iteration_bounds = array<i64: 10>, scalar_prefetch = 0 : i64, scratch_operands = 0 : i64, tpu.core_type = #tpu.core_type<tc>, window_params = [{transform_indices = @transform_0, window_bounds = array<i64: 1000, 64>}, {transform_indices = @transform_1, window_bounds = array<i64: 1000, 64>}, {transform_indices = @transform_2, window_bounds = array<i64: 1000, 64>}, {transform_indices = @transform_3, window_bounds = array<i64: 1000, 1>}, {pipeline_mode = #tpu.pipeline_mode<synchronous>, transform_indices = @transform_4, window_bounds = array<i64: 1, 64>}, {transform_indices = @transform_5, window_bounds = array<i64: 1000, 64>}]} {
    %get3A = arith.constant 0 : index
    %get3A_0 = arith.constant 0 : index
    %get3A_1 = vector.load %arg4[%get3A, %get3A_0] : memref<1000x1xf32, #tpu.memory_space<vmem>>, vector<1000x1xf32>
    %get3A_2 = arith.constant 0 : index
    %get3A_3 = arith.constant 0 : index
    %get3A_4 = vector.load %arg1[%get3A_2, %get3A_3] : memref<1000x64xf32, #tpu.memory_space<vmem>>, vector<1000x64xf32>
    %get3A_5 = arith.constant 0 : index
    %get3A_6 = arith.constant 0 : index
    %get3A_7 = vector.load %arg2[%get3A_5, %get3A_6] : memref<1000x64xf32, #tpu.memory_space<vmem>>, vector<1000x64xf32>
    %add3A = arith.addf %get3A_4, %get3A_7 : vector<1000x64xf32>
    %get3A_8 = arith.constant 0 : index
    %get3A_9 = arith.constant 0 : index
    %get3A_10 = vector.load %arg3[%get3A_8, %get3A_9] : memref<1000x64xf32, #tpu.memory_space<vmem>>, vector<1000x64xf32>
    %add3A_11 = arith.addf %add3A, %get3A_10 : vector<1000x64xf32>
    %mul3A = vector.broadcast %get3A_1 : vector<1000x1xf32> to vector<1000x64xf32>
    %mul3A_12 = arith.mulf %mul3A, %add3A_11 : vector<1000x64xf32>
    %get3A_13 = arith.constant 0 : index
    %get3A_14 = arith.constant 0 : index
    %get3A_15 = vector.load %arg5[%get3A_13, %get3A_14] : memref<1x64xf32, #tpu.memory_space<vmem>>, vector<1x64xf32>
    %add3A_16 = vector.broadcast %get3A_15 : vector<1x64xf32> to vector<1000x64xf32>
    %add3A_17 = arith.addf %mul3A_12, %add3A_16 : vector<1000x64xf32>
    %swap3A = arith.constant 0 : index
    %swap3A_18 = arith.constant 0 : index
    %swap3A_19 = vector.load %arg6[%swap3A, %swap3A_18] : memref<1000x64xf32, #tpu.memory_space<vmem>>, vector<1000x64xf32>
    tpu.vector_store %arg6[%swap3A, %swap3A_18], %add3A_17 {strides = array<i32>} : memref<1000x64xf32, #tpu.memory_space<vmem>>, vector<1000x64xf32>,
    return
  }
  func.func @transform_0(%arg0: i32) -> (i32, i32) {
    %c0_i32 = arith.constant 0 : i32
    %c0_i32_0 = arith.constant 0 : i32
    return %arg0, %c0_i32 : i32, i32
  }
  func.func @transform_1(%arg0: i32) -> (i32, i32) {
    %c0_i32 = arith.constant 0 : i32
    %c0_i32_0 = arith.constant 0 : i32
    return %arg0, %c0_i32 : i32, i32
  }
  func.func @transform_2(%arg0: i32) -> (i32, i32) {
    %c0_i32 = arith.constant 0 : i32
    %c0_i32_0 = arith.constant 0 : i32
    return %arg0, %c0_i32 : i32, i32
  }
  func.func @transform_3(%arg0: i32) -> (i32, i32) {
    %c0_i32 = arith.constant 0 : i32
    %c0_i32_0 = arith.constant 0 : i32
    return %arg0, %c0_i32 : i32, i32
  }
  func.func @transform_4(%arg0: i32) -> (i32, i32) {
    %c0_i32 = arith.constant 0 : i32
    %c0_i32_0 = arith.constant 0 : i32
    %c0_i32_1 = arith.constant 0 : i32
    return %c0_i32, %c0_i32_0 : i32, i32
  }
  func.func @transform_5(%arg0: i32) -> (i32, i32) {
    %c0_i32 = arith.constant 0 : i32
    %c0_i32_0 = arith.constant 0 : i32
    return %arg0, %c0_i32 : i32, i32
  }
}

</mosaic_0001>

<sc_bundles>
// kernel: kernel.11.cloned.1.call-start
scs
__scs_entry_jumppad:
0x0: {  	(pc) =	sbr.rel $0x88, $3  }
0x1: {  	(tag) =	ssettag $0x0;
	lr =	simm.s32 $0x1  }
0x2: {  	[smem:$0x3F99] =	sst lr;
	_ =	strace $0xD0000000  }
0x3: {  	_ = 	snop  }
0x4: {  	_ = 	snop  }
0x5: {  	_ = 	snop  }
0x6: {  	_ = 	snop  }
0x7: {  	_ = 	snop  }
__scs_overlays_trampoline_lowered:
0x8: {  	[smem:$0x3FA8] =	sst s0  }
0x9: {  	[smem:$0x3FA9] =	sst s1  }
0xa: {  	[smem:$0x3FAA] =	sst s2  }
0xb: {  	[smem:$0x3FAB] =	sst s3  }
0xc: {  	[smem:$0x3FAC] =	sst s4  }
0xd: {  	[smem:$0x3FAD] =	sst s5  }
0xe: {  	[smem:$0x3FAE] =	sst s6  }
0xf: {  	[smem:$0x3FAF] =	sst s7  }
0x10: {  	[smem:$0x3FB0] =	sst s8  }
0x11: {  	[smem:$0x3FB1] =	sst s9;
	s0 =	simm.s32 @!p0 $0x0  }
0x12: {  	s1 =	sld [smem:$0x3F97];
	s0 =	simm.s32 @p0 $0x1  }
0x13: {  	[smem:$0x3FB2] =	sst s0;
	s0 =	simm.s32 @!p1 $0x0  }
0x14: {  	s2 =	sld [smem:$0x3F96];
	s0 =	simm.s32 @p1 $0x1  }
0x15: {  	[smem:$0x3FB3] =	sst s0;
	s0 =	simm.s32 @!p2 $0x0  }
0x16: {  	s3 =	sld [smem:$0x3FDB];
	s0 =	simm.s32 @p2 $0x1  }
0x17: {  	s4 =	simm.s32 $0x1BF5;
	[smem:$0x3FB5] =	sst s0  }
0x18: {  	s0 =	sld [smem:$0x3F98];
	_ =	swait.ge [sflag:s4], $0x0  }
0x19: {  	s7 =	sld [smem:$0x3F99]  }
0x1a: {  	s8 =	sadd.s32 $0xFFFFE003, lr  }
0x1b: {  	s9 =	sadd.s32 $0xFFFFFEF7, lr;
	s5 =	simm.s32 $0xFFFFFFFF;
	p2 =	slt.u32 s8, $0xFFFFF086  }
0x1c: {  	p1 =	slt.u32 s9, $0xF7A;
	s5 =	simm.s32 @!p2 $0x0  }
0x1d: {  	s5 =	simm.s32 @p1 $0x1;
	p0 =	seq.s32 s7, s2  }
0x1e: {  	s7 =	smul.u32 @!p0 $0xF7A, s2;
	p2 =	seq.s32 @!p0 s5, $0x0  }
0x1f: {  	s9 =	smul.u32 $0xF7A, s1;
	s8 =	simm.s32 @!p0 $0x1BF5;
	p2 =	por !p2, p0  }
0x20: {  	[sflag:s8] =	ssyncset.s32 @!p0 $0xFFFFF086;
	s6 =	sadd.s32 @!p0 s3, s7;
	s7 =	simm.s32 @!p0 $0x108  }
0x21: {  	s3 =	sadd.s32 s3, s9;
	s6 =	sadd.s32 @!p0 $0x88, s6;
	s7 =	simm.s32 @p2 $0x1082  }
0x22: {  	[simem:s7], [sflag:s8] =	dma.local @!p0 [hbm:s6], $0xF7A  }
0x23: {  	s9 =	sor.u32 $0xD0000000, s2;
	s6 =	simm.s32 $0x108;
	_ =	swait.ge @!p0 [sflag:s8], $0x0  }
0x24: {  	s3 =	sadd.s32 $0x88, s3;
	s6 =	simm.s32 @!p1 $0x1082;
	[sflag:s4] =	ssyncset.s32 $0xFFFFF086  }
0x25: {  	[simem:s6], [sflag:s4] =	dma.local [hbm:s3], $0xF7A  }
0x26: {  	[smem:$0x3F99] =	sst s1;
	(tag) =	ssettag s2;
	_ =	strace s9  }
0x27: {  	s1 =	sld [smem:$0x3FA9]  }
0x28: {  	s2 =	sld [smem:$0x3FAA]  }
0x29: {  	s4 =	sld [smem:$0x3FAC]  }
0x2a: {  	p0 =	seq.s32 s5, $0x0;
	s5 =	sld [smem:$0x3FAD]  }
0x2b: {  	s6 =	sld [smem:$0x3FAE]  }
0x2c: {  	s7 =	sld [smem:$0x3FAF]  }
0x2d: {  	s3 =	simm.s32 $0x108;
	s8 =	sld [smem:$0x3FB0]  }
0x2e: {  	s3 =	simm.s32 @!p0 $0x1082;
	s9 =	sld [smem:$0x3FB1]  }
0x2f: {  	lr =	sadd.s32 s0, s3;
	s0 =	sld [smem:$0x3FA8]  }
0x30: {  	s3 =	sld [smem:$0x3FAB]  }
0x31: {  	[smem:$0x3FB4] =	sst s10  }
0x32: {  	s10 =	sld [smem:$0x3FB2];
	_ =	sdelay $0x3  }
0x33: {  	p0 =	seq.s32 s10, $0x1;
	s10 =	sld [smem:$0x3FB4];
	_ =	sdelay $0x3  }
0x34: {  	[smem:$0x3FB4] =	sst s10  }
0x35: {  	s10 =	sld [smem:$0x3FB3];
	_ =	sdelay $0x3  }
0x36: {  	p1 =	seq.s32 s10, $0x1;
	s10 =	sld [smem:$0x3FB4];
	_ =	sdelay $0x3  }
0x37: {  	[smem:$0x3FB4] =	sst s10  }
0x38: {  	s10 =	sld [smem:$0x3FB5]  }
0x39: {  	_ = 	snop;
	(pc) =	sbr.ind lr, $3  }
0x3a: {  	_ = 	snop  }
0x3b: {  	_ = 	snop  }
0x3c: {  	p2 =	seq.s32 s10, $0x1;
	s10 =	sld [smem:$0x3FB4]  }
0x3d: {  	_ =	shalt  }
0x3e: {  	_ =	shalt  }
0x3f: {  	_ =	shalt  }
0x40: {  	_ =	shalt  }
0x41: {  	_ =	shalt  }
0x42: {  	_ =	shalt  }
0x43: {  	_ =	shalt  }
0x44: {  	_ =	shalt  }
0x45: {  	_ =	shalt  }
0x46: {  	_ =	shalt  }
0x47: {  	_ =	shalt  }
0x48: {  	_ =	shalt  }
0x49: {  	_ =	shalt  }
0x4a: {  	_ =	shalt  }
0x4b: {  	_ =	shalt  }
0x4c: {  	_ =	shalt  }
0x4d: {  	_ =	shalt  }
0x4e: {  	_ =	shalt  }
0x4f: {  	_ =	shalt  }
0x50: {  	_ =	shalt  }
0x51: {  	_ =	shalt  }
0x52: {  	_ =	shalt  }
0x53: {  	_ =	shalt  }
0x54: {  	_ =	shalt  }
0x55: {  	_ =	shalt  }
0x56: {  	_ =	shalt  }
0x57: {  	_ =	shalt  }
0x58: {  	_ =	shalt  }
0x59: {  	_ =	shalt  }
0x5a: {  	_ =	shalt  }
0x5b: {  	_ =	shalt  }
0x5c: {  	_ =	shalt  }
0x5d: {  	_ =	shalt  }
0x5e: {  	_ =	shalt  }
0x5f: {  	_ =	shalt  }
0x60: {  	_ =	shalt  }
0x61: {  	_ =	shalt  }
0x62: {  	_ =	shalt  }
0x63: {  	_ =	shalt  }
0x64: {  	_ =	shalt  }
0x65: {  	_ =	shalt  }
0x66: {  	_ =	shalt  }
0x67: {  	_ =	shalt  }
0x68: {  	_ =	shalt  }
0x69: {  	_ =	shalt  }
0x6a: {  	_ =	shalt  }
0x6b: {  	_ =	shalt  }
0x6c: {  	_ =	shalt  }
0x6d: {  	_ =	shalt  }
0x6e: {  	_ =	shalt  }
0x6f: {  	_ =	shalt  }
0x70: {  	_ =	shalt  }
0x71: {  	_ =	shalt  }
0x72: {  	_ =	shalt  }
0x73: {  	_ =	shalt  }
0x74: {  	_ =	shalt  }
0x75: {  	_ =	shalt  }
0x76: {  	_ =	shalt  }
0x77: {  	_ =	shalt  }
0x78: {  	_ =	shalt  }
0x79: {  	_ =	shalt  }
0x7a: {  	_ =	shalt  }
0x7b: {  	_ =	shalt  }
0x7c: {  	_ =	shalt  }
0x7d: {  	_ =	shalt  }
0x7e: {  	_ =	shalt  }
0x7f: {  	_ =	shalt  }
0x80: {  	_ =	shalt  }
0x81: {  	_ =	shalt  }
0x82: {  	_ =	shalt  }
0x83: {  	_ =	shalt  }
0x84: {  	_ =	shalt  }
0x85: {  	_ =	shalt  }
0x86: {  	_ =	shalt  }
0x87: {  	_ =	shalt  }
.Lfunc_end0:
.L_simem_size_0:
called_computation_lowered:
.L_overlay_start_0:
0x88: {  	s2 =	sld [smem:$0x3FD9]  }
0x89: {  	s3 =	sld [smem:$0x3FFE];
	_ =	sdelay $0x1  }
0x8a: {  	s1 =	srdreg.scid  }
0x8b: {  	s0 =	sand.u32 $0x1, s1  }
0x8c: {  	s17 =	sshll.u32 s0, $0xA;
	s2 =	sadd.s32 s3, s2  }
0x8d: {  	s2 =	sadd.s32 s2, s17  }
0x8e: {  	[smem:$0x3FC0] =	sst s2  }
0x8f: {  	_ = 	snop  }
0x90: {  	s2 =	sld [smem:$0x3FD0];
	(tm) =	ssettm $0x1  }
0x91: {  	s18 =	sld [smem:$0x3FFB];
	_ =	sdelay $0x3  }
0x92: {  	_ =	strace s18  }
0x93: {  	s3 =	sld [smem:$0x3FFC];
	_ =	sdelay $0x3  }
0x94: {  	_ =	strace s3  }
0x95: {  	s3 =	sld [smem:$0x3FFD];
	_ =	sdelay $0x3  }
0x96: {  	_ =	strace s3  }
0x97: {  	_ =	strace $0x8FFFFFFF  }
0x98: {  	s19 =	sld [smem:$0x3FDB];
	_ =	sdelay $0x1  }
0x99: {  	s4 =	simm.s32 $_scs_section_size  }
0x9a: {  	s5 =	simm.s32 $_size__tile_overlayer_lowered;
	s6 =	simm.s32 $_tile_overlayer_lowered  }
0x9b: {  	s22 =	simm.s32 $0x1BFF;
	s21 =	sshll.u32 s6, $0x1;
	s3 =	sadd.s32 s4, s19  }
0x9c: {  	s7 =	simm.s32 $0x0;
	s20 =	sshll.u32 s5, $0x1;
	s5 =	sadd.s32 s21, s3  }
0x9d: {  	[timem:s7], [sflag:s22] =	dma.local [hbm:s5], s20  }
0x9e: {  	_ =	swait.ge [sflag:s22], s20  }
0x9f: {  	s4 =	ssub.s32 $0x0, s20;
	[sflag:s22] =	ssyncset.done $0x0  }
0xa0: {  	[sflag:s22] =	ssyncadd.s32 s4;
	_ =	sdelay $0x1  }
0xa1: {  	s23 =	simm.s32 $0x1B8B  }
0xa2: {  	_ =	swait.ge [sflag:s23], $0x1  }
0xa3: {  	[sflag:s23] =	ssyncset.done $0x0  }
0xa4: {  	s25 =	simm.s32 $0x1B8E;
	s24 =	sld [smem:$0x3FFE];
	[sflag:s23] =	ssyncadd.s32 $0xFFFFFFFF  }
0xa5: {  	s26 =	simm.s32 $execute0_lowered;
	[smem:$0x3FD2] =	sst s25  }
0xa6: {  	s5 =	sshll.u32 s26, $0x1;
	_ =	strace $0x80000046;
	[dreg:$0x1] =	wrdreg $0xFFFFFFFF  }
0xa7: {  	s28 =	simm.s32 $_size_execute0_lowered;
	s3 =	sadd.s32 s3, s5;
	[dreg:$0x0] =	wrdreg $0x0  }
0xa8: {  	s5 =	sshll.u32 s28, $0x1;
	[dreg:$0x2] =	wrdreg s3  }
0xa9: {  	[dreg:$0x3] =	wrdreg s5  }
0xaa: {  	[dreg:$0x4] =	wrdreg $0xC0  }
0xab: {  	_ =	task [dreg:s7], $0x5FFFF  }
0xac: {  	[dreg:$0x1] =	wrdreg $0xFFFFFFFF  }
0xad: {  	[dreg:$0x0] =	wrdreg $0x60  }
0xae: {  	[dreg:$0x2] =	wrdreg s2  }
0xaf: {  	[dreg:$0x3] =	wrdreg s24  }
0xb0: {  	[dreg:$0x4] =	wrdreg $0x68000  }
0xb1: {  	[dreg:$0x5] =	wrdreg $0x9  }
0xb2: {  	_ =	task.clear_ibuf [dreg:s7], $0x6FFFF;
	_ =	strace $0x90000046  }
0xb3: {  	s29 =	simm.s32 $0x9;
	_ =	strace $0x80000048  }
0xb4: {  	_ =	swait.ge [sflag:s29], $0x1  }
0xb5: {  	[sflag:s29] =	ssyncadd.s32 $0xFFFFFFFF  }
0xb6: {  	_ =	strace $0x90000048  }
0xb7: {  	_ =	sfence  }
0xb8: {  	s30 =	sld [smem:$0x0];
	_ =	sdelay $0x2  }
0xb9: {  	s31 =	sshll.u32 s1, $0xD;
	s1 =	sshrl.u32 s1, $0x2  }
0xba: {  	s3 =	sand.u32 $0x4000, s31;
	s1 =	sadd.s32 s1, s30  }
0xbb: {  	s0 =	sor.u32 s3, s0;
	s1 =	sshll.u32 s1, $0x11  }
0xbc: {  	s0 =	sor.u32 s1, s0  }
0xbd: {  	s0 =	sadd.s32 $0x8F2B, s0  }
0xbe: {  	[sflag:s0] =	ssyncadd.remote.s32 $0x1  }
0xbf: {  	_ =	sfence.sel $0xFFFF  }
0xc0: {  	[dreg:$0x0] =	wrdreg $0xFFFFFFFF;
	(pc) =	sbr.abs _section_cstart, $3  }
0xc1: {  	[dreg:$0x1] =	wrdreg $0xFFFFFFFF  }
0xc2: {  	_ =	task.clear_ibuf [dreg:s7], $0x2FFFF;
	_ =	strace $0x9FFFFFFF  }
0xc3: {  	(tm) =	ssettm $0x7FFFFFFF  }
tec
execute0_lowered:
.L_overlay_start_1:
0x0: {  	(tag) =	ssettag $0x1  }
0x1: {  	s5 =	rddreg [dreg:$0x0]  }
0x2: {  	s4 =	rddreg [dreg:$0x1]  }
0x3: {  	s1 =	rddreg [dreg:$0x2]  }
0x4: {  	s2 =	srdreg.scid;
	s0 =	rddreg [dreg:$0x3];
	s3 =	simm.s32 $0x0  }
0x5: {  	s13 =	simm.s32 $0x2;
	s14 =	simm.s32 $0x1;
	s6 =	sand.u32 $0x1, s2  }
0x6: {  	s15 =	simm.s32 $0x80;
	s2 =	stileid.u32;
	s7 =	smul.u32 $0x140000, s6  }
0x7: {  	s18 =	simm.s32 $0x0;
	[smem:$0x7FF] =	sst s3;
	s8 =	smul.u32 $0x14000, s2  }
0x8: {  	_ =	strace $0x80000047;
	s31 =	sshll.u32 s6, $0x4;
	s6 =	ssub.s32 $0x2, s6  }
0x9: {  	s9 =	smul.u32 $0x50000, s2;
	s16 =	sshll.u32 s2, $0x6;
	s10 =	sshrl.u32 s6, $0x1  }
0xa: {  	s16 =	sor.u32 $0x1C02, s16;
	s7 =	sadd.s32 s8, s7;
	s8 =	sor.u32 s2, s31  }
0xb: {  	s9 =	sshrl.u32 s9, $0x2;
	s7 =	sshrl.u32 s7, $0x3;
	s8 =	smul.u32 $0x500, s8  }
0xc: {  	s12 =	ssub.s32 s6, s10;
	s11 =	sadd.s32 s7, s4;
	s4 =	sadd.s32 s9, s1  }
0xd: {  	s5 =	sadd.s32 s5, s8;
	s6 =	sadd.s32 $0x4000, s4;
	s7 =	sadd.s32 $0x8000, s4  }
0xe: {  	s8 =	sadd.s32 $0xC000, s4;
	s9 =	sadd.s32 $0x10000, s4;
	s10 =	sadd.s32 $0x3800, s11  }
0xf: {  	v0 =	vimm.f32 $0.0e+00;
	v1 =	vimm.f32 $1.000000000e+00;
	s11 =	smax.u32 s12, $0x1;
	s12 =	simm.s32 $0x2800;
	s17 =	sshrl.u32 s4, $0x3  }
.LBB2_1:
0x10: {  	[tilespmem:s3], [sflag:$0x1] =	stream.linear.gather [hbm4b:s5+s3], $0x2800, $0x38;
	[tilespmem:$0x9000] =	vst v63  }
0x11: {  	s19 =	simm.s32 $0x200;
	s20 =	simm.s32 $0x0  }
.LBB2_2:
0x12: {  	p0 =	sne.s32 s19, $0xFE00;
	[tilespmem:s20+$0x2800] =	vst v0;
	s20 =	smov.u32 s19;
	s19 =	sadd.s32 $0x200, s19  }
.Ltmp0:
0x13: {  	(pc) =	sbr.rel @p0 .LBB2_2-.Ltmp0, $2  }
0x14: {  	_ =	sdelay $0x2  }
0x15: {  	s20 =	sshra.s32 s20, $0x2  }
0x16: {  	[tilespmem:s20+$0x2800] =	vst v0  }
0x17: {  	[spmem:s4] =	stream.linear.scatter [tilespmem:s12], [sflag:$0x2], $0x4000, $0x38;
	[tilespmem:$0x9000] =	vst v63  }
0x18: {  	_ =	swait.ge [sflag:s13], $0x4000  }
0x19: {  	[sflag:s13] =	ssyncset.done $0x0  }
0x1a: {  	[sflag:s13] =	ssyncadd.s32 $0xFFFFC000  }
0x1b: {  	[spmem:s6] =	stream.linear.scatter [tilespmem:s12], [sflag:$0x2], $0x4000, $0x38;
	[tilespmem:$0x9000] =	vst v63  }
0x1c: {  	_ =	swait.ge [sflag:s13], $0x4000  }
0x1d: {  	[sflag:s13] =	ssyncset.done $0x0  }
0x1e: {  	[sflag:s13] =	ssyncadd.s32 $0xFFFFC000  }
0x1f: {  	[spmem:s7] =	stream.linear.scatter [tilespmem:s12], [sflag:$0x2], $0x4000, $0x38;
	[tilespmem:$0x9000] =	vst v63  }
0x20: {  	_ =	swait.ge [sflag:s13], $0x4000  }
0x21: {  	[sflag:s13] =	ssyncset.done $0x0  }
0x22: {  	[sflag:s13] =	ssyncadd.s32 $0xFFFFC000  }
0x23: {  	[spmem:s8] =	stream.linear.scatter [tilespmem:s12], [sflag:$0x2], $0x4000, $0x38;
	[tilespmem:$0x9000] =	vst v63  }
0x24: {  	_ =	swait.ge [sflag:s13], $0x4000  }
0x25: {  	[sflag:s13] =	ssyncset.done $0x0  }
0x26: {  	[sflag:s13] =	ssyncadd.s32 $0xFFFFC000  }
0x27: {  	[spmem:s9] =	stream.linear.scatter [tilespmem:s12], [sflag:$0x2], $0x4000, $0x38;
	[tilespmem:$0x9000] =	vst v63  }
0x28: {  	_ =	swait.ge [sflag:s13], $0x4000  }
0x29: {  	[sflag:s13] =	ssyncset.done $0x0  }
0x2a: {  	s19 =	simm.s32 $0x200;
	s20 =	simm.s32 $0x0;
	[sflag:s13] =	ssyncadd.s32 $0xFFFFC000  }
.LBB2_4:
0x2b: {  	p0 =	sne.s32 s19, $0xFE00;
	[tilespmem:s20+$0x2800] =	vst v1;
	s20 =	smov.u32 s19;
	s19 =	sadd.s32 $0x200, s19  }
.Ltmp1:
0x2c: {  	(pc) =	sbr.rel @p0 .LBB2_4-.Ltmp1, $2  }
0x2d: {  	_ =	sdelay $0x2  }
0x2e: {  	s20 =	sshra.s32 s20, $0x2  }
0x2f: {  	[tilespmem:s20+$0x2800] =	vst v1  }
0x30: {  	_ =	swait.ge [sflag:s14], $0x2800  }
0x31: {  	[sflag:s14] =	ssyncset.done $0x0  }
0x32: {  	[sflag:s14] =	ssyncadd.s32 $0xFFFFD800  }
0x33: {  	s19 =	simm.s32 $0x0;
	[bflag:$0x0] =	sbarrier.arrive $0xFFFF  }
0x34: {  	[spmem:s1] =	stream.indirect.scatter.add.f32 [tilespmem:s12], [sflag:$0x2], $0x10, s19, s15, $0xb8;
	[tilespmem:$0x9000] =	vst v63  }
0x35: {  	_ =	swait.ge [sflag:s13], $0x800  }
0x36: {  	s19 =	simm.s32 $0x200;
	[sflag:s13] =	ssyncset.done $0x0  }
.LBB2_6:
0x37: {  	s20 =	sshra.s32 s19, $0x2;
	[sflag:s13] =	ssyncadd.s32 $0xFFFFF800;
	p0 =	sne.s32 s19, $0x9E00  }
0x38: {  	[spmem:s1] =	stream.indirect.scatter.add.f32 [tilespmem:s12], [sflag:$0x2], $0x10, s20, s15, $0xb8;
	[tilespmem:$0x9000] =	vst v63  }
.Ltmp2:
0x39: {  	_ = 	snop;
	(pc) =	sbr.rel @p0 .LBB2_6-.Ltmp2, $4  }
0x3a: {  	_ = 	snop  }
0x3b: {  	s19 =	sadd.s32 $0x200, s19  }
0x3c: {  	_ =	swait.ge [sflag:s13], $0x800  }
0x3d: {  	[sflag:s13] =	ssyncset.done $0x0  }
0x3e: {  	s18 =	sadd.s32 $0x1, s18  }
0x3f: {  	[sflag:s13] =	ssyncadd.s32 $0xFFFFF800;
	p0 =	sne.s32 s18, s11  }
.Ltmp3:
0x40: {  	[bflag:$0x0] =	sbarrier.arrive $0xFFFF;
	(pc) =	sbr.rel @p0 .LBB2_1-.Ltmp3, $4  }
0x41: {  	[hbm:s10], [sflag:s16] =	dma.local [spmem:s17], $0x2800  }
0x42: {  	_ =	swait.ge [sflag:s13], $0x2800  }
0x43: {  	[sflag:s13] =	ssyncset.done $0x0  }
0x44: {  	[sflag:s13] =	ssyncadd.s32 $0xFFFFD800  }
0x45: {  	_ =	sfence.sel $0x180000  }
0x46: {  	[bflag:$0x0] =	sbarrier.arrive $0xFFFF  }
0x47: {  	p0 =	sne.s32 s2, $0x0;
	_ =	strace $0x90000047  }
0x48: {  	s0 =	sadd.s32 @!p0 $0x100000, s0;
	[bflag:$0x2] =	sbarrier.arrive $0xFFFF  }
0x49: {  	[sflag:s0] =	ssyncadd.tile.s32 @!p0 $0x1;
	_ =	shalt  }
.Lfunc_end2:
_tile_overlayer_lowered:
.L_overlay_start_2:
0x4a: {  	(tag) =	ssettag $0x2  }
0x4b: {  	s0 =	rddreg [dreg:$0x0];
	s2 =	stileid.u32  }
0x4c: {  	s1 =	rddreg [dreg:$0x1];
	p0 =	sne.s32 s2, $0x0  }
0x4d: {  	s3 =	rddreg [dreg:$0x2];
	[bflag:$0x3] =	sbarrier.arrive $0xFFFF;
	s2 =	simm.s32 @!p0 $0x1C02  }
0x4e: {  	[timem:s3], [sflag:s2] =	dma.local @!p0 [hbm:s0], s1  }
0x4f: {  	s0 =	simm.s32 @!p0 $0x2  }
0x50: {  	_ =	swait.ge @!p0 [sflag:s0], s1  }
0x51: {  	s1 =	ssub.s32 @!p0 $0x0, s1;
	[sflag:s0] =	ssyncset.done @!p0 $0x0  }
0x52: {  	[sflag:s0] =	ssyncadd.s32 @!p0 s1  }
0x53: {  	[bflag:$0x3] =	sbarrier.arrive $0xFFFF  }
0x54: {  	_ =	shalt  }

// kernel: kernel.14.cloned.1.call-start
scs
__scs_entry_jumppad:
0x0: {  	(pc) =	sbr.rel $0x88, $3  }
0x1: {  	(tag) =	ssettag $0x0;
	lr =	simm.s32 $0x1  }
0x2: {  	[smem:$0x3F99] =	sst lr;
	_ =	strace $0xD0000000  }
0x3: {  	_ = 	snop  }
0x4: {  	_ = 	snop  }
0x5: {  	_ = 	snop  }
0x6: {  	_ = 	snop  }
0x7: {  	_ = 	snop  }
__scs_overlays_trampoline_lowered:
0x8: {  	[smem:$0x3FA8] =	sst s0  }
0x9: {  	[smem:$0x3FA9] =	sst s1  }
0xa: {  	[smem:$0x3FAA] =	sst s2  }
0xb: {  	[smem:$0x3FAB] =	sst s3  }
0xc: {  	[smem:$0x3FAC] =	sst s4  }
0xd: {  	[smem:$0x3FAD] =	sst s5  }
0xe: {  	[smem:$0x3FAE] =	sst s6  }
0xf: {  	[smem:$0x3FAF] =	sst s7  }
0x10: {  	[smem:$0x3FB0] =	sst s8  }
0x11: {  	[smem:$0x3FB1] =	sst s9;
	s0 =	simm.s32 @!p0 $0x0  }
0x12: {  	s1 =	sld [smem:$0x3F97];
	s0 =	simm.s32 @p0 $0x1  }
0x13: {  	[smem:$0x3FB2] =	sst s0;
	s0 =	simm.s32 @!p1 $0x0  }
0x14: {  	s2 =	sld [smem:$0x3F96];
	s0 =	simm.s32 @p1 $0x1  }
0x15: {  	[smem:$0x3FB3] =	sst s0;
	s0 =	simm.s32 @!p2 $0x0  }
0x16: {  	s3 =	sld [smem:$0x3FDB];
	s0 =	simm.s32 @p2 $0x1  }
0x17: {  	s4 =	simm.s32 $0x1BF5;
	[smem:$0x3FB5] =	sst s0  }
0x18: {  	s0 =	sld [smem:$0x3F98];
	_ =	swait.ge [sflag:s4], $0x0  }
0x19: {  	s7 =	sld [smem:$0x3F99]  }
0x1a: {  	s8 =	sadd.s32 $0xFFFFE003, lr  }
0x1b: {  	s9 =	sadd.s32 $0xFFFFFEF7, lr;
	s5 =	simm.s32 $0xFFFFFFFF;
	p2 =	slt.u32 s8, $0xFFFFF086  }
0x1c: {  	p1 =	slt.u32 s9, $0xF7A;
	s5 =	simm.s32 @!p2 $0x0  }
0x1d: {  	s5 =	simm.s32 @p1 $0x1;
	p0 =	seq.s32 s7, s2  }
0x1e: {  	s7 =	smul.u32 @!p0 $0xF7A, s2;
	p2 =	seq.s32 @!p0 s5, $0x0  }
0x1f: {  	s9 =	smul.u32 $0xF7A, s1;
	s8 =	simm.s32 @!p0 $0x1BF5;
	p2 =	por !p2, p0  }
0x20: {  	[sflag:s8] =	ssyncset.s32 @!p0 $0xFFFFF086;
	s6 =	sadd.s32 @!p0 s3, s7;
	s7 =	simm.s32 @!p0 $0x108  }
0x21: {  	s3 =	sadd.s32 s3, s9;
	s6 =	sadd.s32 @!p0 $0x88, s6;
	s7 =	simm.s32 @p2 $0x1082  }
0x22: {  	[simem:s7], [sflag:s8] =	dma.local @!p0 [hbm:s6], $0xF7A  }
0x23: {  	s9 =	sor.u32 $0xD0000000, s2;
	s6 =	simm.s32 $0x108;
	_ =	swait.ge @!p0 [sflag:s8], $0x0  }
0x24: {  	s3 =	sadd.s32 $0x88, s3;
	s6 =	simm.s32 @!p1 $0x1082;
	[sflag:s4] =	ssyncset.s32 $0xFFFFF086  }
0x25: {  	[simem:s6], [sflag:s4] =	dma.local [hbm:s3], $0xF7A  }
0x26: {  	[smem:$0x3F99] =	sst s1;
	(tag) =	ssettag s2;
	_ =	strace s9  }
0x27: {  	s1 =	sld [smem:$0x3FA9]  }
0x28: {  	s2 =	sld [smem:$0x3FAA]  }
0x29: {  	s4 =	sld [smem:$0x3FAC]  }
0x2a: {  	p0 =	seq.s32 s5, $0x0;
	s5 =	sld [smem:$0x3FAD]  }
0x2b: {  	s6 =	sld [smem:$0x3FAE]  }
0x2c: {  	s7 =	sld [smem:$0x3FAF]  }
0x2d: {  	s3 =	simm.s32 $0x108;
	s8 =	sld [smem:$0x3FB0]  }
0x2e: {  	s3 =	simm.s32 @!p0 $0x1082;
	s9 =	sld [smem:$0x3FB1]  }
0x2f: {  	lr =	sadd.s32 s0, s3;
	s0 =	sld [smem:$0x3FA8]  }
0x30: {  	s3 =	sld [smem:$0x3FAB]  }
0x31: {  	[smem:$0x3FB4] =	sst s10  }
0x32: {  	s10 =	sld [smem:$0x3FB2];
	_ =	sdelay $0x3  }
0x33: {  	p0 =	seq.s32 s10, $0x1;
	s10 =	sld [smem:$0x3FB4];
	_ =	sdelay $0x3  }
0x34: {  	[smem:$0x3FB4] =	sst s10  }
0x35: {  	s10 =	sld [smem:$0x3FB3];
	_ =	sdelay $0x3  }
0x36: {  	p1 =	seq.s32 s10, $0x1;
	s10 =	sld [smem:$0x3FB4];
	_ =	sdelay $0x3  }
0x37: {  	[smem:$0x3FB4] =	sst s10  }
0x38: {  	s10 =	sld [smem:$0x3FB5]  }
0x39: {  	_ = 	snop;
	(pc) =	sbr.ind lr, $3  }
0x3a: {  	_ = 	snop  }
0x3b: {  	_ = 	snop  }
0x3c: {  	p2 =	seq.s32 s10, $0x1;
	s10 =	sld [smem:$0x3FB4]  }
0x3d: {  	_ =	shalt  }
0x3e: {  	_ =	shalt  }
0x3f: {  	_ =	shalt  }
0x40: {  	_ =	shalt  }
0x41: {  	_ =	shalt  }
0x42: {  	_ =	shalt  }
0x43: {  	_ =	shalt  }
0x44: {  	_ =	shalt  }
0x45: {  	_ =	shalt  }
0x46: {  	_ =	shalt  }
0x47: {  	_ =	shalt  }
0x48: {  	_ =	shalt  }
0x49: {  	_ =	shalt  }
0x4a: {  	_ =	shalt  }
0x4b: {  	_ =	shalt  }
0x4c: {  	_ =	shalt  }
0x4d: {  	_ =	shalt  }
0x4e: {  	_ =	shalt  }
0x4f: {  	_ =	shalt  }
0x50: {  	_ =	shalt  }
0x51: {  	_ =	shalt  }
0x52: {  	_ =	shalt  }
0x53: {  	_ =	shalt  }
0x54: {  	_ =	shalt  }
0x55: {  	_ =	shalt  }
0x56: {  	_ =	shalt  }
0x57: {  	_ =	shalt  }
0x58: {  	_ =	shalt  }
0x59: {  	_ =	shalt  }
0x5a: {  	_ =	shalt  }
0x5b: {  	_ =	shalt  }
0x5c: {  	_ =	shalt  }
0x5d: {  	_ =	shalt  }
0x5e: {  	_ =	shalt  }
0x5f: {  	_ =	shalt  }
0x60: {  	_ =	shalt  }
0x61: {  	_ =	shalt  }
0x62: {  	_ =	shalt  }
0x63: {  	_ =	shalt  }
0x64: {  	_ =	shalt  }
0x65: {  	_ =	shalt  }
0x66: {  	_ =	shalt  }
0x67: {  	_ =	shalt  }
0x68: {  	_ =	shalt  }
0x69: {  	_ =	shalt  }
0x6a: {  	_ =	shalt  }
0x6b: {  	_ =	shalt  }
0x6c: {  	_ =	shalt  }
0x6d: {  	_ =	shalt  }
0x6e: {  	_ =	shalt  }
0x6f: {  	_ =	shalt  }
0x70: {  	_ =	shalt  }
0x71: {  	_ =	shalt  }
0x72: {  	_ =	shalt  }
0x73: {  	_ =	shalt  }
0x74: {  	_ =	shalt  }
0x75: {  	_ =	shalt  }
0x76: {  	_ =	shalt  }
0x77: {  	_ =	shalt  }
0x78: {  	_ =	shalt  }
0x79: {  	_ =	shalt  }
0x7a: {  	_ =	shalt  }
0x7b: {  	_ =	shalt  }
0x7c: {  	_ =	shalt  }
0x7d: {  	_ =	shalt  }
0x7e: {  	_ =	shalt  }
0x7f: {  	_ =	shalt  }
0x80: {  	_ =	shalt  }
0x81: {  	_ =	shalt  }
0x82: {  	_ =	shalt  }
0x83: {  	_ =	shalt  }
0x84: {  	_ =	shalt  }
0x85: {  	_ =	shalt  }
0x86: {  	_ =	shalt  }
0x87: {  	_ =	shalt  }
.Lfunc_end0:
.L_simem_size_0:
called_computation.1_lowered:
.L_overlay_start_0:
0x88: {  	s2 =	sld [smem:$0x3FD9]  }
0x89: {  	s3 =	sld [smem:$0x3FFE];
	_ =	sdelay $0x1  }
0x8a: {  	s1 =	srdreg.scid  }
0x8b: {  	s0 =	sand.u32 $0x1, s1  }
0x8c: {  	s17 =	sshll.u32 s0, $0xA;
	s2 =	sadd.s32 s3, s2  }
0x8d: {  	s2 =	sadd.s32 s2, s17  }
0x8e: {  	[smem:$0x3FC0] =	sst s2  }
0x8f: {  	_ = 	snop  }
0x90: {  	s2 =	sld [smem:$0x3FD0];
	(tm) =	ssettm $0x1  }
0x91: {  	s18 =	sld [smem:$0x3FFB];
	_ =	sdelay $0x3  }
0x92: {  	_ =	strace s18  }
0x93: {  	s3 =	sld [smem:$0x3FFC];
	_ =	sdelay $0x3  }
0x94: {  	_ =	strace s3  }
0x95: {  	s3 =	sld [smem:$0x3FFD];
	_ =	sdelay $0x3  }
0x96: {  	_ =	strace s3  }
0x97: {  	_ =	strace $0x8FFFFFFF  }
0x98: {  	s19 =	sld [smem:$0x3FDB];
	_ =	sdelay $0x1  }
0x99: {  	s4 =	simm.s32 $_scs_section_size  }
0x9a: {  	s5 =	simm.s32 $_size__tile_overlayer_lowered;
	s6 =	simm.s32 $_tile_overlayer_lowered  }
0x9b: {  	s22 =	simm.s32 $0x1BFF;
	s21 =	sshll.u32 s6, $0x1;
	s3 =	sadd.s32 s4, s19  }
0x9c: {  	s7 =	simm.s32 $0x0;
	s20 =	sshll.u32 s5, $0x1;
	s5 =	sadd.s32 s21, s3  }
0x9d: {  	[timem:s7], [sflag:s22] =	dma.local [hbm:s5], s20  }
0x9e: {  	_ =	swait.ge [sflag:s22], s20  }
0x9f: {  	s4 =	ssub.s32 $0x0, s20;
	[sflag:s22] =	ssyncset.done $0x0  }
0xa0: {  	[sflag:s22] =	ssyncadd.s32 s4;
	_ =	sdelay $0x1  }
0xa1: {  	s23 =	simm.s32 $0x1B8B  }
0xa2: {  	_ =	swait.ge [sflag:s23], $0x1  }
0xa3: {  	[sflag:s23] =	ssyncset.done $0x0  }
0xa4: {  	s25 =	simm.s32 $0x1B8E;
	s24 =	sld [smem:$0x3FFE];
	[sflag:s23] =	ssyncadd.s32 $0xFFFFFFFF  }
0xa5: {  	s26 =	simm.s32 $execute0_lowered;
	[smem:$0x3FD2] =	sst s25  }
0xa6: {  	s5 =	sshll.u32 s26, $0x1;
	_ =	strace $0x80000049;
	[dreg:$0x1] =	wrdreg $0xFFFFFFFF  }
0xa7: {  	s28 =	simm.s32 $_size_execute0_lowered;
	s3 =	sadd.s32 s3, s5;
	[dreg:$0x0] =	wrdreg $0x0  }
0xa8: {  	s5 =	sshll.u32 s28, $0x1;
	[dreg:$0x2] =	wrdreg s3  }
0xa9: {  	[dreg:$0x3] =	wrdreg s5  }
0xaa: {  	[dreg:$0x4] =	wrdreg $0xC0  }
0xab: {  	_ =	task [dreg:s7], $0x5FFFF  }
0xac: {  	[dreg:$0x1] =	wrdreg $0xFFFFFFFF  }
0xad: {  	[dreg:$0x0] =	wrdreg $0x60  }
0xae: {  	[dreg:$0x2] =	wrdreg s2  }
0xaf: {  	[dreg:$0x3] =	wrdreg s24  }
0xb0: {  	[dreg:$0x4] =	wrdreg $0x90000  }
0xb1: {  	[dreg:$0x5] =	wrdreg $0x9  }
0xb2: {  	_ =	task.clear_ibuf [dreg:s7], $0x6FFFF;
	_ =	strace $0x90000049  }
0xb3: {  	s29 =	simm.s32 $0x9;
	_ =	strace $0x8000004B  }
0xb4: {  	_ =	swait.ge [sflag:s29], $0x1  }
0xb5: {  	[sflag:s29] =	ssyncadd.s32 $0xFFFFFFFF  }
0xb6: {  	_ =	strace $0x9000004B  }
0xb7: {  	_ =	sfence  }
0xb8: {  	s30 =	sld [smem:$0x0];
	_ =	sdelay $0x2  }
0xb9: {  	s31 =	sshll.u32 s1, $0xD;
	s1 =	sshrl.u32 s1, $0x2  }
0xba: {  	s3 =	sand.u32 $0x4000, s31;
	s1 =	sadd.s32 s1, s30  }
0xbb: {  	s0 =	sor.u32 s3, s0;
	s1 =	sshll.u32 s1, $0x11  }
0xbc: {  	s0 =	sor.u32 s1, s0  }
0xbd: {  	s0 =	sadd.s32 $0x8F2B, s0  }
0xbe: {  	[sflag:s0] =	ssyncadd.remote.s32 $0x1  }
0xbf: {  	_ =	sfence.sel $0xFFFF  }
0xc0: {  	[dreg:$0x0] =	wrdreg $0xFFFFFFFF;
	(pc) =	sbr.abs _section_cstart, $3  }
0xc1: {  	[dreg:$0x1] =	wrdreg $0xFFFFFFFF  }
0xc2: {  	_ =	task.clear_ibuf [dreg:s7], $0x2FFFF;
	_ =	strace $0x9FFFFFFF  }
0xc3: {  	(tm) =	ssettm $0x7FFFFFFF  }
tec
execute0_lowered:
.L_overlay_start_1:
0x0: {  	(tag) =	ssettag $0x1  }
0x1: {  	s1 =	rddreg [dreg:$0x0]  }
0x2: {  	s5 =	rddreg [dreg:$0x1]  }
0x3: {  	s3 =	rddreg [dreg:$0x2];
	s4 =	srdreg.scid  }
0x4: {  	s0 =	rddreg [dreg:$0x3];
	s2 =	stileid.u32  }
0x5: {  	s14 =	simm.s32 $0x2800;
	s15 =	simm.s32 $0x5000;
	s16 =	simm.s32 $0x4  }
0x6: {  	s17 =	simm.s32 $0x2;
	s18 =	simm.s32 $0x3;
	s19 =	simm.s32 $0x80  }
0x7: {  	s20 =	simm.s32 $0x1;
	s21 =	simm.s32 $0x0;
	s8 =	smul.u32 $0xA000, s2  }
0x8: {  	s6 =	sand.u32 $0x1, s4;
	s4 =	simm.s32 $0x0;
	s10 =	smul.u32 $0x28000, s2  }
0x9: {  	s7 =	sshll.u32 s6, $0x4;
	[smem:$0x7FF] =	sst s4;
	s9 =	smul.u32 $0xA0000, s6  }
0xa: {  	s6 =	ssub.s32 $0x2, s6;
	s7 =	sor.u32 s2, s7;
	_ =	strace $0x8000004A  }
0xb: {  	s11 =	sshrl.u32 s6, $0x1;
	s30 =	sshrl.u32 s10, $0x2;
	s7 =	smul.u32 $0x500, s7  }
0xc: {  	s9 =	sadd.s32 s8, s9;
	s13 =	ssub.s32 s6, s11;
	s31 =	sadd.s32 s30, s3  }
0xd: {  	s9 =	sshrl.u32 s9, $0x3;
	s10 =	sadd.s32 $0x6000, s31;
	s11 =	sadd.s32 $0x8000, s31  }
0xe: {  	s13 =	smax.u32 s13, $0x1;
	s7 =	sadd.s32 s7, s5;
	s12 =	sadd.s32 s9, s5  }
0xf: {  	s9 =	sadd.s32 $0x4000, s31;
	s5 =	sadd.s32 $0x53800, s7;
	s6 =	sadd.s32 $0x5D800, s7  }
0x10: {  	v0 =	vimm.f32 $0.0e+00;
	s7 =	sadd.s32 s8, s3;
	s8 =	sadd.s32 $0x2000, s31;
	s12 =	sadd.s32 $0x67800, s12  }
.LBB2_1:
0x11: {  	[tilespmem:s4], [sflag:$0x2] =	stream.linear.gather [hbm4b:s5+s4], $0x2800, $0x38;
	[tilespmem:$0x13000] =	vst v63  }
0x12: {  	s23 =	simm.s32 $0x100;
	s22 =	simm.s32 $0x0  }
0x13: {  	[tilespmem:s14], [sflag:$0x3] =	stream.linear.gather [hbm4b:s6+s4], $0x2800, $0x38;
	[tilespmem:$0x13000] =	vst v63  }
.LBB2_2:
0x14: {  	p0 =	sne.s32 s23, $0x7F00;
	[tilespmem:s22+$0x5030] =	vst v0;
	s24 =	smov.u32 s23;
	s23 =	sadd.s32 $0x100, s23  }
.Ltmp0:
0x15: {  	[tilespmem:s22+$0x5020] =	vst v0;
	(pc) =	sbr.rel @p0 .LBB2_2-.Ltmp0, $3  }
0x16: {  	[tilespmem:s22+$0x5000] =	vst v0  }
0x17: {  	[tilespmem:s22+$0x5010] =	vst v0;
	_ =	sdelay $0x1  }
0x18: {  	s22 =	sshra.s32 s24, $0x2  }
0x19: {  	[tilespmem:s22+$0x5030] =	vst v0  }
0x1a: {  	[tilespmem:s22+$0x5020] =	vst v0  }
0x1b: {  	[tilespmem:s22+$0x5000] =	vst v0  }
0x1c: {  	[tilespmem:s22+$0x5010] =	vst v0  }
0x1d: {  	[spmem:s7] =	stream.linear.scatter [tilespmem:s15], [sflag:$0x4], $0x2000, $0x38;
	[tilespmem:$0x13000] =	vst v63  }
0x1e: {  	_ =	swait.ge [sflag:s16], $0x2000  }
0x1f: {  	[sflag:s16] =	ssyncset.done $0x0  }
0x20: {  	[sflag:s16] =	ssyncadd.s32 $0xFFFFE000  }
0x21: {  	[spmem:s8] =	stream.linear.scatter [tilespmem:s15], [sflag:$0x4], $0x2000, $0x38;
	[tilespmem:$0x13000] =	vst v63  }
0x22: {  	_ =	swait.ge [sflag:s16], $0x2000  }
0x23: {  	[sflag:s16] =	ssyncset.done $0x0  }
0x24: {  	[sflag:s16] =	ssyncadd.s32 $0xFFFFE000  }
0x25: {  	[spmem:s9] =	stream.linear.scatter [tilespmem:s15], [sflag:$0x4], $0x2000, $0x38;
	[tilespmem:$0x13000] =	vst v63  }
0x26: {  	_ =	swait.ge [sflag:s16], $0x2000  }
0x27: {  	[sflag:s16] =	ssyncset.done $0x0  }
0x28: {  	[sflag:s16] =	ssyncadd.s32 $0xFFFFE000  }
0x29: {  	[spmem:s10] =	stream.linear.scatter [tilespmem:s15], [sflag:$0x4], $0x2000, $0x38;
	[tilespmem:$0x13000] =	vst v63  }
0x2a: {  	_ =	swait.ge [sflag:s16], $0x2000  }
0x2b: {  	[sflag:s16] =	ssyncset.done $0x0  }
0x2c: {  	[sflag:s16] =	ssyncadd.s32 $0xFFFFE000  }
0x2d: {  	[spmem:s11] =	stream.linear.scatter [tilespmem:s15], [sflag:$0x4], $0x2000, $0x38;
	[tilespmem:$0x13000] =	vst v63  }
0x2e: {  	_ =	swait.ge [sflag:s16], $0x2000  }
0x2f: {  	[sflag:s16] =	ssyncset.done $0x0  }
0x30: {  	[sflag:s16] =	ssyncadd.s32 $0xFFFFE000  }
0x31: {  	_ =	swait.ge [sflag:s17], $0x2800  }
0x32: {  	[sflag:s17] =	ssyncset.done $0x0  }
0x33: {  	[sflag:s17] =	ssyncadd.s32 $0xFFFFD800  }
0x34: {  	_ =	swait.ge [sflag:s18], $0x2800  }
0x35: {  	s23 =	simm.s32 $0x8000;
	[sflag:s18] =	ssyncset.done $0x0  }
0x36: {  	s30 =	simm.s32 $0x80;
	s23 =	sand.u32 $0x8000, s23;
	[sflag:s18] =	ssyncadd.s32 $0xFFFFD800  }
0x37: {  	s24 =	simm.s32 $0x0;
	s23 =	sshrl.u32 s23, $0x2;
	[bflag:$0x0] =	sbarrier.arrive $0xFFFF  }
0x38: {  	[tilespmem:s15], [sflag:$0x1] =	stream.indirect.gather [hbm4b:s1+s30], $0x40, s24, s30, $0xb8;
	[tilespmem:$0x13000] =	vst v63  }
0x39: {  	s23 =	sor.u32 $0x5000, s23  }
0x3a: {  	[tilespmem:s23], [sflag:$0x1] =	stream.indirect.gather [hbm4b:s1+s19], $0x40, s30, s19, $0xb8;
	[tilespmem:$0x13000] =	vst v63  }
0x3b: {  	s26 =	simm.s32 $0x2800;
	s22 =	simm.s32 $0x4000;
	_ =	swait.ge [sflag:s20], $0x2000  }
0x3c: {  	s25 =	simm.s32 $0x10000;
	s24 =	sand.u32 $0x2000, s24;
	[sflag:s20] =	ssyncset.done $0x0  }
0x3d: {  	s31 =	sand.u32 $0x8000, s25;
	s24 =	sor.u32 $0x5000, s24;
	[sflag:s20] =	ssyncadd.s32 $0xFFFFE000  }
0x3e: {  	[spmem:s3] =	stream.indirect.scatter.add.f32 [tilespmem:s24], [sflag:$0x4], $0x40, s26, s19, $0xb8;
	[tilespmem:$0x13000] =	vst v63  }
0x3f: {  	s28 =	sshrl.u32 s31, $0x2;
	s23 =	simm.s32 $0x2000;
	_ =	swait.ge [sflag:s16], $0x2000  }
0x40: {  	s26 =	simm.s32 $0x100;
	s24 =	simm.s32 $0x2880;
	[sflag:s16] =	ssyncset.done $0x0  }
.LBB2_4:
0x41: {  	s28 =	sor.u32 $0x5000, s28;
	[sflag:s16] =	ssyncadd.s32 $0xFFFFE000  }
0x42: {  	s29 =	smov.u32 s23;
	s23 =	smov.u32 s22;
	s22 =	sadd.s32 $0x2000, s22  }
0x43: {  	[tilespmem:s28], [sflag:$0x1] =	stream.indirect.gather [hbm4b:s1+s19], $0x40, s26, s19, $0xb8;
	[tilespmem:$0x13000] =	vst v63  }
0x44: {  	p0 =	sne.s32 s22, $0x9E000;
	_ =	swait.ge [sflag:s20], $0x2000  }
.Ltmp1:
0x45: {  	s28 =	sand.u32 $0x2000, s29;
	[sflag:s20] =	ssyncset.done $0x0;
	(pc) =	sbr.rel @p0 .LBB2_4-.Ltmp1, $4  }
0x46: {  	s25 =	sadd.s32 $0x8000, s25;
	s28 =	sor.u32 $0x5000, s28;
	[sflag:s20] =	ssyncadd.s32 $0xFFFFE000  }
0x47: {  	[spmem:s3] =	stream.indirect.scatter.add.f32 [tilespmem:s28], [sflag:$0x4], $0x40, s24, s19, $0xb8;
	[tilespmem:$0x13000] =	vst v63  }
0x48: {  	s26 =	sadd.s32 $0x80, s26;
	s28 =	sand.u32 $0x8000, s25;
	_ =	swait.ge [sflag:s16], $0x2000  }
0x49: {  	s24 =	sadd.s32 $0x80, s24;
	s28 =	sshrl.u32 s28, $0x2;
	[sflag:s16] =	ssyncset.done $0x0  }
0x4a: {  	s25 =	sor.u32 $0x5000, s28;
	[sflag:s16] =	ssyncadd.s32 $0xFFFFE000  }
0x4b: {  	[tilespmem:s25], [sflag:$0x1] =	stream.indirect.gather [hbm4b:s1+s19], $0x40, s26, s19, $0xb8;
	[tilespmem:$0x13000] =	vst v63  }
0x4c: {  	_ =	swait.ge [sflag:s20], $0x2000  }
0x4d: {  	s23 =	sand.u32 $0x2000, s23;
	[sflag:s20] =	ssyncset.done $0x0  }
0x4e: {  	s23 =	sor.u32 $0x5000, s23;
	[sflag:s20] =	ssyncadd.s32 $0xFFFFE000  }
0x4f: {  	[spmem:s3] =	stream.indirect.scatter.add.f32 [tilespmem:s23], [sflag:$0x4], $0x40, s24, s19, $0xb8;
	[tilespmem:$0x13000] =	vst v63  }
0x50: {  	_ =	swait.ge [sflag:s16], $0x2000  }
0x51: {  	[sflag:s16] =	ssyncset.done $0x0  }
0x52: {  	[sflag:s16] =	ssyncadd.s32 $0xFFFFE000  }
0x53: {  	_ =	swait.ge [sflag:s20], $0x2000  }
0x54: {  	s22 =	sand.u32 $0x2000, s22;
	[sflag:s20] =	ssyncset.done $0x0  }
0x55: {  	s29 =	sadd.s32 $0x80, s24;
	s22 =	sor.u32 $0x5000, s22;
	[sflag:s20] =	ssyncadd.s32 $0xFFFFE000  }
0x56: {  	[spmem:s3] =	stream.indirect.scatter.add.f32 [tilespmem:s22], [sflag:$0x4], $0x40, s29, s19, $0xb8;
	[tilespmem:$0x13000] =	vst v63  }
0x57: {  	_ =	swait.ge [sflag:s16], $0x2000  }
0x58: {  	s30 =	sshll.u32 s2, $0x6;
	s21 =	sadd.s32 $0x1, s21;
	[sflag:s16] =	ssyncset.done $0x0  }
0x59: {  	s31 =	sshrl.u32 s7, $0x3;
	p0 =	sne.s32 s21, s13;
	[sflag:s16] =	ssyncadd.s32 $0xFFFFE000  }
.Ltmp2:
0x5a: {  	s22 =	sor.u32 $0x1C04, s30;
	[bflag:$0x0] =	sbarrier.arrive $0xFFFF;
	(pc) =	sbr.rel @p0 .LBB2_1-.Ltmp2, $4  }
0x5b: {  	[hbm:s12], [sflag:s22] =	dma.local [spmem:s31], $0x1400  }
0x5c: {  	_ =	swait.ge [sflag:s16], $0x1400  }
0x5d: {  	[sflag:s16] =	ssyncset.done $0x0  }
0x5e: {  	[sflag:s16] =	ssyncadd.s32 $0xFFFFEC00  }
0x5f: {  	_ =	sfence.sel $0x180000  }
0x60: {  	[bflag:$0x0] =	sbarrier.arrive $0xFFFF  }
0x61: {  	p0 =	sne.s32 s2, $0x0;
	_ =	strace $0x9000004A  }
0x62: {  	s0 =	sadd.s32 @!p0 $0x100000, s0;
	[bflag:$0x2] =	sbarrier.arrive $0xFFFF  }
0x63: {  	[sflag:s0] =	ssyncadd.tile.s32 @!p0 $0x1;
	_ =	shalt  }
.Lfunc_end2:
_tile_overlayer_lowered:
.L_overlay_start_2:
0x64: {  	(tag) =	ssettag $0x2  }
0x65: {  	s0 =	rddreg [dreg:$0x0];
	s2 =	stileid.u32  }
0x66: {  	s1 =	rddreg [dreg:$0x1];
	p0 =	sne.s32 s2, $0x0  }
0x67: {  	s3 =	rddreg [dreg:$0x2];
	[bflag:$0x3] =	sbarrier.arrive $0xFFFF;
	s2 =	simm.s32 @!p0 $0x1C04  }
0x68: {  	[timem:s3], [sflag:s2] =	dma.local @!p0 [hbm:s0], s1  }
0x69: {  	s0 =	simm.s32 @!p0 $0x4  }
0x6a: {  	_ =	swait.ge @!p0 [sflag:s0], s1  }
0x6b: {  	s1 =	ssub.s32 @!p0 $0x0, s1;
	[sflag:s0] =	ssyncset.done @!p0 $0x0  }
0x6c: {  	[sflag:s0] =	ssyncadd.s32 @!p0 s1  }
0x6d: {  	[bflag:$0x3] =	sbarrier.arrive $0xFFFF  }
0x6e: {  	_ =	shalt  }

// kernel: kernel.17.cloned.1.call-start
scs
__scs_entry_jumppad:
0x0: {  	(pc) =	sbr.rel $0x88, $3  }
0x1: {  	(tag) =	ssettag $0x0;
	lr =	simm.s32 $0x1  }
0x2: {  	[smem:$0x3F99] =	sst lr;
	_ =	strace $0xD0000000  }
0x3: {  	_ = 	snop  }
0x4: {  	_ = 	snop  }
0x5: {  	_ = 	snop  }
0x6: {  	_ = 	snop  }
0x7: {  	_ = 	snop  }
__scs_overlays_trampoline_lowered:
0x8: {  	[smem:$0x3FA8] =	sst s0  }
0x9: {  	[smem:$0x3FA9] =	sst s1  }
0xa: {  	[smem:$0x3FAA] =	sst s2  }
0xb: {  	[smem:$0x3FAB] =	sst s3  }
0xc: {  	[smem:$0x3FAC] =	sst s4  }
0xd: {  	[smem:$0x3FAD] =	sst s5  }
0xe: {  	[smem:$0x3FAE] =	sst s6  }
0xf: {  	[smem:$0x3FAF] =	sst s7  }
0x10: {  	[smem:$0x3FB0] =	sst s8  }
0x11: {  	[smem:$0x3FB1] =	sst s9;
	s0 =	simm.s32 @!p0 $0x0  }
0x12: {  	s1 =	sld [smem:$0x3F97];
	s0 =	simm.s32 @p0 $0x1  }
0x13: {  	[smem:$0x3FB2] =	sst s0;
	s0 =	simm.s32 @!p1 $0x0  }
0x14: {  	s2 =	sld [smem:$0x3F96];
	s0 =	simm.s32 @p1 $0x1  }
0x15: {  	[smem:$0x3FB3] =	sst s0;
	s0 =	simm.s32 @!p2 $0x0  }
0x16: {  	s3 =	sld [smem:$0x3FDB];
	s0 =	simm.s32 @p2 $0x1  }
0x17: {  	s4 =	simm.s32 $0x1BF5;
	[smem:$0x3FB5] =	sst s0  }
0x18: {  	s0 =	sld [smem:$0x3F98];
	_ =	swait.ge [sflag:s4], $0x0  }
0x19: {  	s7 =	sld [smem:$0x3F99]  }
0x1a: {  	s8 =	sadd.s32 $0xFFFFE003, lr  }
0x1b: {  	s9 =	sadd.s32 $0xFFFFFEF7, lr;
	s5 =	simm.s32 $0xFFFFFFFF;
	p2 =	slt.u32 s8, $0xFFFFF086  }
0x1c: {  	p1 =	slt.u32 s9, $0xF7A;
	s5 =	simm.s32 @!p2 $0x0  }
0x1d: {  	s5 =	simm.s32 @p1 $0x1;
	p0 =	seq.s32 s7, s2  }
0x1e: {  	s7 =	smul.u32 @!p0 $0xF7A, s2;
	p2 =	seq.s32 @!p0 s5, $0x0  }
0x1f: {  	s9 =	smul.u32 $0xF7A, s1;
	s8 =	simm.s32 @!p0 $0x1BF5;
	p2 =	por !p2, p0  }
0x20: {  	[sflag:s8] =	ssyncset.s32 @!p0 $0xFFFFF086;
	s6 =	sadd.s32 @!p0 s3, s7;
	s7 =	simm.s32 @!p0 $0x108  }
0x21: {  	s3 =	sadd.s32 s3, s9;
	s6 =	sadd.s32 @!p0 $0x88, s6;
	s7 =	simm.s32 @p2 $0x1082  }
0x22: {  	[simem:s7], [sflag:s8] =	dma.local @!p0 [hbm:s6], $0xF7A  }
0x23: {  	s9 =	sor.u32 $0xD0000000, s2;
	s6 =	simm.s32 $0x108;
	_ =	swait.ge @!p0 [sflag:s8], $0x0  }
0x24: {  	s3 =	sadd.s32 $0x88, s3;
	s6 =	simm.s32 @!p1 $0x1082;
	[sflag:s4] =	ssyncset.s32 $0xFFFFF086  }
0x25: {  	[simem:s6], [sflag:s4] =	dma.local [hbm:s3], $0xF7A  }
0x26: {  	[smem:$0x3F99] =	sst s1;
	(tag) =	ssettag s2;
	_ =	strace s9  }
0x27: {  	s1 =	sld [smem:$0x3FA9]  }
0x28: {  	s2 =	sld [smem:$0x3FAA]  }
0x29: {  	s4 =	sld [smem:$0x3FAC]  }
0x2a: {  	p0 =	seq.s32 s5, $0x0;
	s5 =	sld [smem:$0x3FAD]  }
0x2b: {  	s6 =	sld [smem:$0x3FAE]  }
0x2c: {  	s7 =	sld [smem:$0x3FAF]  }
0x2d: {  	s3 =	simm.s32 $0x108;
	s8 =	sld [smem:$0x3FB0]  }
0x2e: {  	s3 =	simm.s32 @!p0 $0x1082;
	s9 =	sld [smem:$0x3FB1]  }
0x2f: {  	lr =	sadd.s32 s0, s3;
	s0 =	sld [smem:$0x3FA8]  }
0x30: {  	s3 =	sld [smem:$0x3FAB]  }
0x31: {  	[smem:$0x3FB4] =	sst s10  }
0x32: {  	s10 =	sld [smem:$0x3FB2];
	_ =	sdelay $0x3  }
0x33: {  	p0 =	seq.s32 s10, $0x1;
	s10 =	sld [smem:$0x3FB4];
	_ =	sdelay $0x3  }
0x34: {  	[smem:$0x3FB4] =	sst s10  }
0x35: {  	s10 =	sld [smem:$0x3FB3];
	_ =	sdelay $0x3  }
0x36: {  	p1 =	seq.s32 s10, $0x1;
	s10 =	sld [smem:$0x3FB4];
	_ =	sdelay $0x3  }
0x37: {  	[smem:$0x3FB4] =	sst s10  }
0x38: {  	s10 =	sld [smem:$0x3FB5]  }
0x39: {  	_ = 	snop;
	(pc) =	sbr.ind lr, $3  }
0x3a: {  	_ = 	snop  }
0x3b: {  	_ = 	snop  }
0x3c: {  	p2 =	seq.s32 s10, $0x1;
	s10 =	sld [smem:$0x3FB4]  }
0x3d: {  	_ =	shalt  }
0x3e: {  	_ =	shalt  }
0x3f: {  	_ =	shalt  }
0x40: {  	_ =	shalt  }
0x41: {  	_ =	shalt  }
0x42: {  	_ =	shalt  }
0x43: {  	_ =	shalt  }
0x44: {  	_ =	shalt  }
0x45: {  	_ =	shalt  }
0x46: {  	_ =	shalt  }
0x47: {  	_ =	shalt  }
0x48: {  	_ =	shalt  }
0x49: {  	_ =	shalt  }
0x4a: {  	_ =	shalt  }
0x4b: {  	_ =	shalt  }
0x4c: {  	_ =	shalt  }
0x4d: {  	_ =	shalt  }
0x4e: {  	_ =	shalt  }
0x4f: {  	_ =	shalt  }
0x50: {  	_ =	shalt  }
0x51: {  	_ =	shalt  }
0x52: {  	_ =	shalt  }
0x53: {  	_ =	shalt  }
0x54: {  	_ =	shalt  }
0x55: {  	_ =	shalt  }
0x56: {  	_ =	shalt  }
0x57: {  	_ =	shalt  }
0x58: {  	_ =	shalt  }
0x59: {  	_ =	shalt  }
0x5a: {  	_ =	shalt  }
0x5b: {  	_ =	shalt  }
0x5c: {  	_ =	shalt  }
0x5d: {  	_ =	shalt  }
0x5e: {  	_ =	shalt  }
0x5f: {  	_ =	shalt  }
0x60: {  	_ =	shalt  }
0x61: {  	_ =	shalt  }
0x62: {  	_ =	shalt  }
0x63: {  	_ =	shalt  }
0x64: {  	_ =	shalt  }
0x65: {  	_ =	shalt  }
0x66: {  	_ =	shalt  }
0x67: {  	_ =	shalt  }
0x68: {  	_ =	shalt  }
0x69: {  	_ =	shalt  }
0x6a: {  	_ =	shalt  }
0x6b: {  	_ =	shalt  }
0x6c: {  	_ =	shalt  }
0x6d: {  	_ =	shalt  }
0x6e: {  	_ =	shalt  }
0x6f: {  	_ =	shalt  }
0x70: {  	_ =	shalt  }
0x71: {  	_ =	shalt  }
0x72: {  	_ =	shalt  }
0x73: {  	_ =	shalt  }
0x74: {  	_ =	shalt  }
0x75: {  	_ =	shalt  }
0x76: {  	_ =	shalt  }
0x77: {  	_ =	shalt  }
0x78: {  	_ =	shalt  }
0x79: {  	_ =	shalt  }
0x7a: {  	_ =	shalt  }
0x7b: {  	_ =	shalt  }
0x7c: {  	_ =	shalt  }
0x7d: {  	_ =	shalt  }
0x7e: {  	_ =	shalt  }
0x7f: {  	_ =	shalt  }
0x80: {  	_ =	shalt  }
0x81: {  	_ =	shalt  }
0x82: {  	_ =	shalt  }
0x83: {  	_ =	shalt  }
0x84: {  	_ =	shalt  }
0x85: {  	_ =	shalt  }
0x86: {  	_ =	shalt  }
0x87: {  	_ =	shalt  }
.Lfunc_end0:
.L_simem_size_0:
called_computation.2_lowered:
.L_overlay_start_0:
0x88: {  	s2 =	sld [smem:$0x3FD9]  }
0x89: {  	s3 =	sld [smem:$0x3FFE];
	_ =	sdelay $0x1  }
0x8a: {  	s1 =	srdreg.scid  }
0x8b: {  	s0 =	sand.u32 $0x1, s1  }
0x8c: {  	s17 =	sshll.u32 s0, $0xA;
	s2 =	sadd.s32 s3, s2  }
0x8d: {  	s2 =	sadd.s32 s2, s17  }
0x8e: {  	[smem:$0x3FC0] =	sst s2  }
0x8f: {  	_ = 	snop  }
0x90: {  	s2 =	sld [smem:$0x3FD0];
	(tm) =	ssettm $0x1  }
0x91: {  	s18 =	sld [smem:$0x3FFB];
	_ =	sdelay $0x3  }
0x92: {  	_ =	strace s18  }
0x93: {  	s3 =	sld [smem:$0x3FFC];
	_ =	sdelay $0x3  }
0x94: {  	_ =	strace s3  }
0x95: {  	s3 =	sld [smem:$0x3FFD];
	_ =	sdelay $0x3  }
0x96: {  	_ =	strace s3  }
0x97: {  	_ =	strace $0x8FFFFFFF  }
0x98: {  	s19 =	sld [smem:$0x3FDB];
	_ =	sdelay $0x1  }
0x99: {  	s4 =	simm.s32 $_scs_section_size  }
0x9a: {  	s5 =	simm.s32 $_size__tile_overlayer_lowered;
	s6 =	simm.s32 $_tile_overlayer_lowered  }
0x9b: {  	s22 =	simm.s32 $0x1BFF;
	s21 =	sshll.u32 s6, $0x1;
	s3 =	sadd.s32 s4, s19  }
0x9c: {  	s7 =	simm.s32 $0x0;
	s20 =	sshll.u32 s5, $0x1;
	s5 =	sadd.s32 s21, s3  }
0x9d: {  	[timem:s7], [sflag:s22] =	dma.local [hbm:s5], s20  }
0x9e: {  	_ =	swait.ge [sflag:s22], s20  }
0x9f: {  	s4 =	ssub.s32 $0x0, s20;
	[sflag:s22] =	ssyncset.done $0x0  }
0xa0: {  	[sflag:s22] =	ssyncadd.s32 s4;
	_ =	sdelay $0x1  }
0xa1: {  	s23 =	simm.s32 $0x1B8B  }
0xa2: {  	_ =	swait.ge [sflag:s23], $0x1  }
0xa3: {  	[sflag:s23] =	ssyncset.done $0x0  }
0xa4: {  	s25 =	simm.s32 $0x1B8E;
	s24 =	sld [smem:$0x3FFE];
	[sflag:s23] =	ssyncadd.s32 $0xFFFFFFFF  }
0xa5: {  	s26 =	simm.s32 $execute0_lowered;
	[smem:$0x3FD2] =	sst s25  }
0xa6: {  	s5 =	sshll.u32 s26, $0x1;
	_ =	strace $0x8000004C;
	[dreg:$0x1] =	wrdreg $0xFFFFFFFF  }
0xa7: {  	s28 =	simm.s32 $_size_execute0_lowered;
	s3 =	sadd.s32 s3, s5;
	[dreg:$0x0] =	wrdreg $0x0  }
0xa8: {  	s5 =	sshll.u32 s28, $0x1;
	[dreg:$0x2] =	wrdreg s3  }
0xa9: {  	[dreg:$0x3] =	wrdreg s5  }
0xaa: {  	[dreg:$0x4] =	wrdreg $0xC0  }
0xab: {  	_ =	task [dreg:s7], $0x5FFFF  }
0xac: {  	[dreg:$0x1] =	wrdreg $0xFFFFFFFF  }
0xad: {  	[dreg:$0x0] =	wrdreg $0x60  }
0xae: {  	[dreg:$0x2] =	wrdreg s2  }
0xaf: {  	[dreg:$0x3] =	wrdreg s24  }
0xb0: {  	[dreg:$0x4] =	wrdreg $0x90000  }
0xb1: {  	[dreg:$0x5] =	wrdreg $0x9  }
0xb2: {  	_ =	task.clear_ibuf [dreg:s7], $0x6FFFF;
	_ =	strace $0x9000004C  }
0xb3: {  	s29 =	simm.s32 $0x9;
	_ =	strace $0x8000004E  }
0xb4: {  	_ =	swait.ge [sflag:s29], $0x1  }
0xb5: {  	[sflag:s29] =	ssyncadd.s32 $0xFFFFFFFF  }
0xb6: {  	_ =	strace $0x9000004E  }
0xb7: {  	_ =	sfence  }
0xb8: {  	s30 =	sld [smem:$0x0];
	_ =	sdelay $0x2  }
0xb9: {  	s31 =	sshll.u32 s1, $0xD;
	s1 =	sshrl.u32 s1, $0x2  }
0xba: {  	s3 =	sand.u32 $0x4000, s31;
	s1 =	sadd.s32 s1, s30  }
0xbb: {  	s0 =	sor.u32 s3, s0;
	s1 =	sshll.u32 s1, $0x11  }
0xbc: {  	s0 =	sor.u32 s1, s0  }
0xbd: {  	s0 =	sadd.s32 $0x8F2B, s0  }
0xbe: {  	[sflag:s0] =	ssyncadd.remote.s32 $0x1  }
0xbf: {  	_ =	sfence.sel $0xFFFF  }
0xc0: {  	[dreg:$0x0] =	wrdreg $0xFFFFFFFF;
	(pc) =	sbr.abs _section_cstart, $3  }
0xc1: {  	[dreg:$0x1] =	wrdreg $0xFFFFFFFF  }
0xc2: {  	_ =	task.clear_ibuf [dreg:s7], $0x2FFFF;
	_ =	strace $0x9FFFFFFF  }
0xc3: {  	(tm) =	ssettm $0x7FFFFFFF  }
tec
execute0_lowered:
.L_overlay_start_1:
0x0: {  	(tag) =	ssettag $0x1  }
0x1: {  	s1 =	rddreg [dreg:$0x0]  }
0x2: {  	s5 =	rddreg [dreg:$0x1]  }
0x3: {  	s3 =	rddreg [dreg:$0x2];
	s4 =	srdreg.scid  }
0x4: {  	s0 =	rddreg [dreg:$0x3];
	s2 =	stileid.u32  }
0x5: {  	s14 =	simm.s32 $0x2800;
	s15 =	simm.s32 $0x5000;
	s16 =	simm.s32 $0x4  }
0x6: {  	s17 =	simm.s32 $0x2;
	s18 =	simm.s32 $0x3;
	s19 =	simm.s32 $0x80  }
0x7: {  	s20 =	simm.s32 $0x1;
	s21 =	simm.s32 $0x0;
	s8 =	smul.u32 $0xA000, s2  }
0x8: {  	s6 =	sand.u32 $0x1, s4;
	s4 =	simm.s32 $0x0;
	s10 =	smul.u32 $0x28000, s2  }
0x9: {  	s7 =	sshll.u32 s6, $0x4;
	[smem:$0x7FF] =	sst s4;
	s9 =	smul.u32 $0xA0000, s6  }
0xa: {  	s6 =	ssub.s32 $0x2, s6;
	s7 =	sor.u32 s2, s7;
	_ =	strace $0x8000004D  }
0xb: {  	s11 =	sshrl.u32 s6, $0x1;
	s30 =	sshrl.u32 s10, $0x2;
	s7 =	smul.u32 $0x500, s7  }
0xc: {  	s9 =	sadd.s32 s8, s9;
	s13 =	ssub.s32 s6, s11;
	s31 =	sadd.s32 s30, s3  }
0xd: {  	s9 =	sshrl.u32 s9, $0x3;
	s10 =	sadd.s32 $0x6000, s31;
	s11 =	sadd.s32 $0x8000, s31  }
0xe: {  	s13 =	smax.u32 s13, $0x1;
	s7 =	sadd.s32 s7, s5;
	s12 =	sadd.s32 s9, s5  }
0xf: {  	s9 =	sadd.s32 $0x4000, s31;
	s5 =	sadd.s32 $0x53800, s7;
	s6 =	sadd.s32 $0x5D800, s7  }
0x10: {  	v0 =	vimm.f32 $0.0e+00;
	s7 =	sadd.s32 s8, s3;
	s8 =	sadd.s32 $0x2000, s31;
	s12 =	sadd.s32 $0x2AA00, s12  }
.LBB2_1:
0x11: {  	[tilespmem:s4], [sflag:$0x2] =	stream.linear.gather [hbm4b:s5+s4], $0x2800, $0x38;
	[tilespmem:$0x13000] =	vst v63  }
0x12: {  	s23 =	simm.s32 $0x100;
	s22 =	simm.s32 $0x0  }
0x13: {  	[tilespmem:s14], [sflag:$0x3] =	stream.linear.gather [hbm4b:s6+s4], $0x2800, $0x38;
	[tilespmem:$0x13000] =	vst v63  }
.LBB2_2:
0x14: {  	p0 =	sne.s32 s23, $0x7F00;
	[tilespmem:s22+$0x5030] =	vst v0;
	s24 =	smov.u32 s23;
	s23 =	sadd.s32 $0x100, s23  }
.Ltmp0:
0x15: {  	[tilespmem:s22+$0x5020] =	vst v0;
	(pc) =	sbr.rel @p0 .LBB2_2-.Ltmp0, $3  }
0x16: {  	[tilespmem:s22+$0x5000] =	vst v0  }
0x17: {  	[tilespmem:s22+$0x5010] =	vst v0;
	_ =	sdelay $0x1  }
0x18: {  	s22 =	sshra.s32 s24, $0x2  }
0x19: {  	[tilespmem:s22+$0x5030] =	vst v0  }
0x1a: {  	[tilespmem:s22+$0x5020] =	vst v0  }
0x1b: {  	[tilespmem:s22+$0x5000] =	vst v0  }
0x1c: {  	[tilespmem:s22+$0x5010] =	vst v0  }
0x1d: {  	[spmem:s7] =	stream.linear.scatter [tilespmem:s15], [sflag:$0x4], $0x2000, $0x38;
	[tilespmem:$0x13000] =	vst v63  }
0x1e: {  	_ =	swait.ge [sflag:s16], $0x2000  }
0x1f: {  	[sflag:s16] =	ssyncset.done $0x0  }
0x20: {  	[sflag:s16] =	ssyncadd.s32 $0xFFFFE000  }
0x21: {  	[spmem:s8] =	stream.linear.scatter [tilespmem:s15], [sflag:$0x4], $0x2000, $0x38;
	[tilespmem:$0x13000] =	vst v63  }
0x22: {  	_ =	swait.ge [sflag:s16], $0x2000  }
0x23: {  	[sflag:s16] =	ssyncset.done $0x0  }
0x24: {  	[sflag:s16] =	ssyncadd.s32 $0xFFFFE000  }
0x25: {  	[spmem:s9] =	stream.linear.scatter [tilespmem:s15], [sflag:$0x4], $0x2000, $0x38;
	[tilespmem:$0x13000] =	vst v63  }
0x26: {  	_ =	swait.ge [sflag:s16], $0x2000  }
0x27: {  	[sflag:s16] =	ssyncset.done $0x0  }
0x28: {  	[sflag:s16] =	ssyncadd.s32 $0xFFFFE000  }
0x29: {  	[spmem:s10] =	stream.linear.scatter [tilespmem:s15], [sflag:$0x4], $0x2000, $0x38;
	[tilespmem:$0x13000] =	vst v63  }
0x2a: {  	_ =	swait.ge [sflag:s16], $0x2000  }
0x2b: {  	[sflag:s16] =	ssyncset.done $0x0  }
0x2c: {  	[sflag:s16] =	ssyncadd.s32 $0xFFFFE000  }
0x2d: {  	[spmem:s11] =	stream.linear.scatter [tilespmem:s15], [sflag:$0x4], $0x2000, $0x38;
	[tilespmem:$0x13000] =	vst v63  }
0x2e: {  	_ =	swait.ge [sflag:s16], $0x2000  }
0x2f: {  	[sflag:s16] =	ssyncset.done $0x0  }
0x30: {  	[sflag:s16] =	ssyncadd.s32 $0xFFFFE000  }
0x31: {  	_ =	swait.ge [sflag:s17], $0x2800  }
0x32: {  	[sflag:s17] =	ssyncset.done $0x0  }
0x33: {  	[sflag:s17] =	ssyncadd.s32 $0xFFFFD800  }
0x34: {  	_ =	swait.ge [sflag:s18], $0x2800  }
0x35: {  	s23 =	simm.s32 $0x8000;
	[sflag:s18] =	ssyncset.done $0x0  }
0x36: {  	s30 =	simm.s32 $0x80;
	s23 =	sand.u32 $0x8000, s23;
	[sflag:s18] =	ssyncadd.s32 $0xFFFFD800  }
0x37: {  	s24 =	simm.s32 $0x0;
	s23 =	sshrl.u32 s23, $0x2;
	[bflag:$0x0] =	sbarrier.arrive $0xFFFF  }
0x38: {  	[tilespmem:s15], [sflag:$0x1] =	stream.indirect.gather [hbm4b:s1+s30], $0x40, s24, s30, $0xb8;
	[tilespmem:$0x13000] =	vst v63  }
0x39: {  	s23 =	sor.u32 $0x5000, s23  }
0x3a: {  	[tilespmem:s23], [sflag:$0x1] =	stream.indirect.gather [hbm4b:s1+s19], $0x40, s30, s19, $0xb8;
	[tilespmem:$0x13000] =	vst v63  }
0x3b: {  	s26 =	simm.s32 $0x2800;
	s22 =	simm.s32 $0x4000;
	_ =	swait.ge [sflag:s20], $0x2000  }
0x3c: {  	s25 =	simm.s32 $0x10000;
	s24 =	sand.u32 $0x2000, s24;
	[sflag:s20] =	ssyncset.done $0x0  }
0x3d: {  	s31 =	sand.u32 $0x8000, s25;
	s24 =	sor.u32 $0x5000, s24;
	[sflag:s20] =	ssyncadd.s32 $0xFFFFE000  }
0x3e: {  	[spmem:s3] =	stream.indirect.scatter.add.f32 [tilespmem:s24], [sflag:$0x4], $0x40, s26, s19, $0xb8;
	[tilespmem:$0x13000] =	vst v63  }
0x3f: {  	s28 =	sshrl.u32 s31, $0x2;
	s23 =	simm.s32 $0x2000;
	_ =	swait.ge [sflag:s16], $0x2000  }
0x40: {  	s26 =	simm.s32 $0x100;
	s24 =	simm.s32 $0x2880;
	[sflag:s16] =	ssyncset.done $0x0  }
.LBB2_4:
0x41: {  	s28 =	sor.u32 $0x5000, s28;
	[sflag:s16] =	ssyncadd.s32 $0xFFFFE000  }
0x42: {  	s29 =	smov.u32 s23;
	s23 =	smov.u32 s22;
	s22 =	sadd.s32 $0x2000, s22  }
0x43: {  	[tilespmem:s28], [sflag:$0x1] =	stream.indirect.gather [hbm4b:s1+s19], $0x40, s26, s19, $0xb8;
	[tilespmem:$0x13000] =	vst v63  }
0x44: {  	p0 =	sne.s32 s22, $0x9E000;
	_ =	swait.ge [sflag:s20], $0x2000  }
.Ltmp1:
0x45: {  	s28 =	sand.u32 $0x2000, s29;
	[sflag:s20] =	ssyncset.done $0x0;
	(pc) =	sbr.rel @p0 .LBB2_4-.Ltmp1, $4  }
0x46: {  	s25 =	sadd.s32 $0x8000, s25;
	s28 =	sor.u32 $0x5000, s28;
	[sflag:s20] =	ssyncadd.s32 $0xFFFFE000  }
0x47: {  	[spmem:s3] =	stream.indirect.scatter.add.f32 [tilespmem:s28], [sflag:$0x4], $0x40, s24, s19, $0xb8;
	[tilespmem:$0x13000] =	vst v63  }
0x48: {  	s26 =	sadd.s32 $0x80, s26;
	s28 =	sand.u32 $0x8000, s25;
	_ =	swait.ge [sflag:s16], $0x2000  }
0x49: {  	s24 =	sadd.s32 $0x80, s24;
	s28 =	sshrl.u32 s28, $0x2;
	[sflag:s16] =	ssyncset.done $0x0  }
0x4a: {  	s25 =	sor.u32 $0x5000, s28;
	[sflag:s16] =	ssyncadd.s32 $0xFFFFE000  }
0x4b: {  	[tilespmem:s25], [sflag:$0x1] =	stream.indirect.gather [hbm4b:s1+s19], $0x40, s26, s19, $0xb8;
	[tilespmem:$0x13000] =	vst v63  }
0x4c: {  	_ =	swait.ge [sflag:s20], $0x2000  }
0x4d: {  	s23 =	sand.u32 $0x2000, s23;
	[sflag:s20] =	ssyncset.done $0x0  }
0x4e: {  	s23 =	sor.u32 $0x5000, s23;
	[sflag:s20] =	ssyncadd.s32 $0xFFFFE000  }
0x4f: {  	[spmem:s3] =	stream.indirect.scatter.add.f32 [tilespmem:s23], [sflag:$0x4], $0x40, s24, s19, $0xb8;
	[tilespmem:$0x13000] =	vst v63  }
0x50: {  	_ =	swait.ge [sflag:s16], $0x2000  }
0x51: {  	[sflag:s16] =	ssyncset.done $0x0  }
0x52: {  	[sflag:s16] =	ssyncadd.s32 $0xFFFFE000  }
0x53: {  	_ =	swait.ge [sflag:s20], $0x2000  }
0x54: {  	s22 =	sand.u32 $0x2000, s22;
	[sflag:s20] =	ssyncset.done $0x0  }
0x55: {  	s29 =	sadd.s32 $0x80, s24;
	s22 =	sor.u32 $0x5000, s22;
	[sflag:s20] =	ssyncadd.s32 $0xFFFFE000  }
0x56: {  	[spmem:s3] =	stream.indirect.scatter.add.f32 [tilespmem:s22], [sflag:$0x4], $0x40, s29, s19, $0xb8;
	[tilespmem:$0x13000] =	vst v63  }
0x57: {  	_ =	swait.ge [sflag:s16], $0x2000  }
0x58: {  	s30 =	sshll.u32 s2, $0x6;
	s21 =	sadd.s32 $0x1, s21;
	[sflag:s16] =	ssyncset.done $0x0  }
0x59: {  	s31 =	sshrl.u32 s7, $0x3;
	p0 =	sne.s32 s21, s13;
	[sflag:s16] =	ssyncadd.s32 $0xFFFFE000  }
.Ltmp2:
0x5a: {  	s22 =	sor.u32 $0x1C04, s30;
	[bflag:$0x0] =	sbarrier.arrive $0xFFFF;
	(pc) =	sbr.rel @p0 .LBB2_1-.Ltmp2, $4  }
0x5b: {  	[hbm:s12], [sflag:s22] =	dma.local [spmem:s31], $0x1400  }
0x5c: {  	_ =	swait.ge [sflag:s16], $0x1400  }
0x5d: {  	[sflag:s16] =	ssyncset.done $0x0  }
0x5e: {  	[sflag:s16] =	ssyncadd.s32 $0xFFFFEC00  }
0x5f: {  	_ =	sfence.sel $0x180000  }
0x60: {  	[bflag:$0x0] =	sbarrier.arrive $0xFFFF  }
0x61: {  	p0 =	sne.s32 s2, $0x0;
	_ =	strace $0x9000004D  }
0x62: {  	s0 =	sadd.s32 @!p0 $0x100000, s0;
	[bflag:$0x2] =	sbarrier.arrive $0xFFFF  }
0x63: {  	[sflag:s0] =	ssyncadd.tile.s32 @!p0 $0x1;
	_ =	shalt  }
.Lfunc_end2:
_tile_overlayer_lowered:
.L_overlay_start_2:
0x64: {  	(tag) =	ssettag $0x2  }
0x65: {  	s0 =	rddreg [dreg:$0x0];
	s2 =	stileid.u32  }
0x66: {  	s1 =	rddreg [dreg:$0x1];
	p0 =	sne.s32 s2, $0x0  }
0x67: {  	s3 =	rddreg [dreg:$0x2];
	[bflag:$0x3] =	sbarrier.arrive $0xFFFF;
	s2 =	simm.s32 @!p0 $0x1C04  }
0x68: {  	[timem:s3], [sflag:s2] =	dma.local @!p0 [hbm:s0], s1  }
0x69: {  	s0 =	simm.s32 @!p0 $0x4  }
0x6a: {  	_ =	swait.ge @!p0 [sflag:s0], s1  }
0x6b: {  	s1 =	ssub.s32 @!p0 $0x0, s1;
	[sflag:s0] =	ssyncset.done @!p0 $0x0  }
0x6c: {  	[sflag:s0] =	ssyncadd.s32 @!p0 s1  }
0x6d: {  	[bflag:$0x3] =	sbarrier.arrive $0xFFFF  }
0x6e: {  	_ =	shalt  }

// kernel: kernel.20.cloned.1.call-start
scs
__scs_entry_jumppad:
0x0: {  	(pc) =	sbr.rel $0x88, $3  }
0x1: {  	(tag) =	ssettag $0x0;
	lr =	simm.s32 $0x1  }
0x2: {  	[smem:$0x3F99] =	sst lr;
	_ =	strace $0xD0000000  }
0x3: {  	_ = 	snop  }
0x4: {  	_ = 	snop  }
0x5: {  	_ = 	snop  }
0x6: {  	_ = 	snop  }
0x7: {  	_ = 	snop  }
__scs_overlays_trampoline_lowered:
0x8: {  	[smem:$0x3FA8] =	sst s0  }
0x9: {  	[smem:$0x3FA9] =	sst s1  }
0xa: {  	[smem:$0x3FAA] =	sst s2  }
0xb: {  	[smem:$0x3FAB] =	sst s3  }
0xc: {  	[smem:$0x3FAC] =	sst s4  }
0xd: {  	[smem:$0x3FAD] =	sst s5  }
0xe: {  	[smem:$0x3FAE] =	sst s6  }
0xf: {  	[smem:$0x3FAF] =	sst s7  }
0x10: {  	[smem:$0x3FB0] =	sst s8  }
0x11: {  	[smem:$0x3FB1] =	sst s9;
	s0 =	simm.s32 @!p0 $0x0  }
0x12: {  	s1 =	sld [smem:$0x3F97];
	s0 =	simm.s32 @p0 $0x1  }
0x13: {  	[smem:$0x3FB2] =	sst s0;
	s0 =	simm.s32 @!p1 $0x0  }
0x14: {  	s2 =	sld [smem:$0x3F96];
	s0 =	simm.s32 @p1 $0x1  }
0x15: {  	[smem:$0x3FB3] =	sst s0;
	s0 =	simm.s32 @!p2 $0x0  }
0x16: {  	s3 =	sld [smem:$0x3FDB];
	s0 =	simm.s32 @p2 $0x1  }
0x17: {  	s4 =	simm.s32 $0x1BF5;
	[smem:$0x3FB5] =	sst s0  }
0x18: {  	s0 =	sld [smem:$0x3F98];
	_ =	swait.ge [sflag:s4], $0x0  }
0x19: {  	s7 =	sld [smem:$0x3F99]  }
0x1a: {  	s8 =	sadd.s32 $0xFFFFE003, lr  }
0x1b: {  	s9 =	sadd.s32 $0xFFFFFEF7, lr;
	s5 =	simm.s32 $0xFFFFFFFF;
	p2 =	slt.u32 s8, $0xFFFFF086  }
0x1c: {  	p1 =	slt.u32 s9, $0xF7A;
	s5 =	simm.s32 @!p2 $0x0  }
0x1d: {  	s5 =	simm.s32 @p1 $0x1;
	p0 =	seq.s32 s7, s2  }
0x1e: {  	s7 =	smul.u32 @!p0 $0xF7A, s2;
	p2 =	seq.s32 @!p0 s5, $0x0  }
0x1f: {  	s9 =	smul.u32 $0xF7A, s1;
	s8 =	simm.s32 @!p0 $0x1BF5;
	p2 =	por !p2, p0  }
0x20: {  	[sflag:s8] =	ssyncset.s32 @!p0 $0xFFFFF086;
	s6 =	sadd.s32 @!p0 s3, s7;
	s7 =	simm.s32 @!p0 $0x108  }
0x21: {  	s3 =	sadd.s32 s3, s9;
	s6 =	sadd.s32 @!p0 $0x88, s6;
	s7 =	simm.s32 @p2 $0x1082  }
0x22: {  	[simem:s7], [sflag:s8] =	dma.local @!p0 [hbm:s6], $0xF7A  }
0x23: {  	s9 =	sor.u32 $0xD0000000, s2;
	s6 =	simm.s32 $0x108;
	_ =	swait.ge @!p0 [sflag:s8], $0x0  }
0x24: {  	s3 =	sadd.s32 $0x88, s3;
	s6 =	simm.s32 @!p1 $0x1082;
	[sflag:s4] =	ssyncset.s32 $0xFFFFF086  }
0x25: {  	[simem:s6], [sflag:s4] =	dma.local [hbm:s3], $0xF7A  }
0x26: {  	[smem:$0x3F99] =	sst s1;
	(tag) =	ssettag s2;
	_ =	strace s9  }
0x27: {  	s1 =	sld [smem:$0x3FA9]  }
0x28: {  	s2 =	sld [smem:$0x3FAA]  }
0x29: {  	s4 =	sld [smem:$0x3FAC]  }
0x2a: {  	p0 =	seq.s32 s5, $0x0;
	s5 =	sld [smem:$0x3FAD]  }
0x2b: {  	s6 =	sld [smem:$0x3FAE]  }
0x2c: {  	s7 =	sld [smem:$0x3FAF]  }
0x2d: {  	s3 =	simm.s32 $0x108;
	s8 =	sld [smem:$0x3FB0]  }
0x2e: {  	s3 =	simm.s32 @!p0 $0x1082;
	s9 =	sld [smem:$0x3FB1]  }
0x2f: {  	lr =	sadd.s32 s0, s3;
	s0 =	sld [smem:$0x3FA8]  }
0x30: {  	s3 =	sld [smem:$0x3FAB]  }
0x31: {  	[smem:$0x3FB4] =	sst s10  }
0x32: {  	s10 =	sld [smem:$0x3FB2];
	_ =	sdelay $0x3  }
0x33: {  	p0 =	seq.s32 s10, $0x1;
	s10 =	sld [smem:$0x3FB4];
	_ =	sdelay $0x3  }
0x34: {  	[smem:$0x3FB4] =	sst s10  }
0x35: {  	s10 =	sld [smem:$0x3FB3];
	_ =	sdelay $0x3  }
0x36: {  	p1 =	seq.s32 s10, $0x1;
	s10 =	sld [smem:$0x3FB4];
	_ =	sdelay $0x3  }
0x37: {  	[smem:$0x3FB4] =	sst s10  }
0x38: {  	s10 =	sld [smem:$0x3FB5]  }
0x39: {  	_ = 	snop;
	(pc) =	sbr.ind lr, $3  }
0x3a: {  	_ = 	snop  }
0x3b: {  	_ = 	snop  }
0x3c: {  	p2 =	seq.s32 s10, $0x1;
	s10 =	sld [smem:$0x3FB4]  }
0x3d: {  	_ =	shalt  }
0x3e: {  	_ =	shalt  }
0x3f: {  	_ =	shalt  }
0x40: {  	_ =	shalt  }
0x41: {  	_ =	shalt  }
0x42: {  	_ =	shalt  }
0x43: {  	_ =	shalt  }
0x44: {  	_ =	shalt  }
0x45: {  	_ =	shalt  }
0x46: {  	_ =	shalt  }
0x47: {  	_ =	shalt  }
0x48: {  	_ =	shalt  }
0x49: {  	_ =	shalt  }
0x4a: {  	_ =	shalt  }
0x4b: {  	_ =	shalt  }
0x4c: {  	_ =	shalt  }
0x4d: {  	_ =	shalt  }
0x4e: {  	_ =	shalt  }
0x4f: {  	_ =	shalt  }
0x50: {  	_ =	shalt  }
0x51: {  	_ =	shalt  }
0x52: {  	_ =	shalt  }
0x53: {  	_ =	shalt  }
0x54: {  	_ =	shalt  }
0x55: {  	_ =	shalt  }
0x56: {  	_ =	shalt  }
0x57: {  	_ =	shalt  }
0x58: {  	_ =	shalt  }
0x59: {  	_ =	shalt  }
0x5a: {  	_ =	shalt  }
0x5b: {  	_ =	shalt  }
0x5c: {  	_ =	shalt  }
0x5d: {  	_ =	shalt  }
0x5e: {  	_ =	shalt  }
0x5f: {  	_ =	shalt  }
0x60: {  	_ =	shalt  }
0x61: {  	_ =	shalt  }
0x62: {  	_ =	shalt  }
0x63: {  	_ =	shalt  }
0x64: {  	_ =	shalt  }
0x65: {  	_ =	shalt  }
0x66: {  	_ =	shalt  }
0x67: {  	_ =	shalt  }
0x68: {  	_ =	shalt  }
0x69: {  	_ =	shalt  }
0x6a: {  	_ =	shalt  }
0x6b: {  	_ =	shalt  }
0x6c: {  	_ =	shalt  }
0x6d: {  	_ =	shalt  }
0x6e: {  	_ =	shalt  }
0x6f: {  	_ =	shalt  }
0x70: {  	_ =	shalt  }
0x71: {  	_ =	shalt  }
0x72: {  	_ =	shalt  }
0x73: {  	_ =	shalt  }
0x74: {  	_ =	shalt  }
0x75: {  	_ =	shalt  }
0x76: {  	_ =	shalt  }
0x77: {  	_ =	shalt  }
0x78: {  	_ =	shalt  }
0x79: {  	_ =	shalt  }
0x7a: {  	_ =	shalt  }
0x7b: {  	_ =	shalt  }
0x7c: {  	_ =	shalt  }
0x7d: {  	_ =	shalt  }
0x7e: {  	_ =	shalt  }
0x7f: {  	_ =	shalt  }
0x80: {  	_ =	shalt  }
0x81: {  	_ =	shalt  }
0x82: {  	_ =	shalt  }
0x83: {  	_ =	shalt  }
0x84: {  	_ =	shalt  }
0x85: {  	_ =	shalt  }
0x86: {  	_ =	shalt  }
0x87: {  	_ =	shalt  }
.Lfunc_end0:
.L_simem_size_0:
called_computation.3_lowered:
.L_overlay_start_0:
0x88: {  	s2 =	sld [smem:$0x3FD9]  }
0x89: {  	s3 =	sld [smem:$0x3FFE];
	_ =	sdelay $0x1  }
0x8a: {  	s1 =	srdreg.scid  }
0x8b: {  	s0 =	sand.u32 $0x1, s1  }
0x8c: {  	s17 =	sshll.u32 s0, $0xA;
	s2 =	sadd.s32 s3, s2  }
0x8d: {  	s2 =	sadd.s32 s2, s17  }
0x8e: {  	[smem:$0x3FC0] =	sst s2  }
0x8f: {  	_ = 	snop  }
0x90: {  	s2 =	sld [smem:$0x3FD0];
	(tm) =	ssettm $0x1  }
0x91: {  	s18 =	sld [smem:$0x3FFB];
	_ =	sdelay $0x3  }
0x92: {  	_ =	strace s18  }
0x93: {  	s3 =	sld [smem:$0x3FFC];
	_ =	sdelay $0x3  }
0x94: {  	_ =	strace s3  }
0x95: {  	s3 =	sld [smem:$0x3FFD];
	_ =	sdelay $0x3  }
0x96: {  	_ =	strace s3  }
0x97: {  	_ =	strace $0x8FFFFFFF  }
0x98: {  	s19 =	sld [smem:$0x3FDB];
	_ =	sdelay $0x1  }
0x99: {  	s4 =	simm.s32 $_scs_section_size  }
0x9a: {  	s5 =	simm.s32 $_size__tile_overlayer_lowered;
	s6 =	simm.s32 $_tile_overlayer_lowered  }
0x9b: {  	s22 =	simm.s32 $0x1BFF;
	s21 =	sshll.u32 s6, $0x1;
	s3 =	sadd.s32 s4, s19  }
0x9c: {  	s7 =	simm.s32 $0x0;
	s20 =	sshll.u32 s5, $0x1;
	s5 =	sadd.s32 s21, s3  }
0x9d: {  	[timem:s7], [sflag:s22] =	dma.local [hbm:s5], s20  }
0x9e: {  	_ =	swait.ge [sflag:s22], s20  }
0x9f: {  	s4 =	ssub.s32 $0x0, s20;
	[sflag:s22] =	ssyncset.done $0x0  }
0xa0: {  	[sflag:s22] =	ssyncadd.s32 s4;
	_ =	sdelay $0x1  }
0xa1: {  	s23 =	simm.s32 $0x1B8B  }
0xa2: {  	_ =	swait.ge [sflag:s23], $0x1  }
0xa3: {  	[sflag:s23] =	ssyncset.done $0x0  }
0xa4: {  	s25 =	simm.s32 $0x1B8E;
	s24 =	sld [smem:$0x3FFE];
	[sflag:s23] =	ssyncadd.s32 $0xFFFFFFFF  }
0xa5: {  	s26 =	simm.s32 $execute0_lowered;
	[smem:$0x3FD2] =	sst s25  }
0xa6: {  	s5 =	sshll.u32 s26, $0x1;
	_ =	strace $0x8000004F;
	[dreg:$0x1] =	wrdreg $0xFFFFFFFF  }
0xa7: {  	s28 =	simm.s32 $_size_execute0_lowered;
	s3 =	sadd.s32 s3, s5;
	[dreg:$0x0] =	wrdreg $0x0  }
0xa8: {  	s5 =	sshll.u32 s28, $0x1;
	[dreg:$0x2] =	wrdreg s3  }
0xa9: {  	[dreg:$0x3] =	wrdreg s5  }
0xaa: {  	[dreg:$0x4] =	wrdreg $0xC0  }
0xab: {  	_ =	task [dreg:s7], $0x5FFFF  }
0xac: {  	[dreg:$0x1] =	wrdreg $0xFFFFFFFF  }
0xad: {  	[dreg:$0x0] =	wrdreg $0x60  }
0xae: {  	[dreg:$0x2] =	wrdreg s2  }
0xaf: {  	[dreg:$0x3] =	wrdreg s24  }
0xb0: {  	[dreg:$0x4] =	wrdreg $0x90000  }
0xb1: {  	[dreg:$0x5] =	wrdreg $0x9  }
0xb2: {  	_ =	task.clear_ibuf [dreg:s7], $0x6FFFF;
	_ =	strace $0x9000004F  }
0xb3: {  	s29 =	simm.s32 $0x9;
	_ =	strace $0x80000051  }
0xb4: {  	_ =	swait.ge [sflag:s29], $0x1  }
0xb5: {  	[sflag:s29] =	ssyncadd.s32 $0xFFFFFFFF  }
0xb6: {  	_ =	strace $0x90000051  }
0xb7: {  	_ =	sfence  }
0xb8: {  	s30 =	sld [smem:$0x0];
	_ =	sdelay $0x2  }
0xb9: {  	s31 =	sshll.u32 s1, $0xD;
	s1 =	sshrl.u32 s1, $0x2  }
0xba: {  	s3 =	sand.u32 $0x4000, s31;
	s1 =	sadd.s32 s1, s30  }
0xbb: {  	s0 =	sor.u32 s3, s0;
	s1 =	sshll.u32 s1, $0x11  }
0xbc: {  	s0 =	sor.u32 s1, s0  }
0xbd: {  	s0 =	sadd.s32 $0x8F2B, s0  }
0xbe: {  	[sflag:s0] =	ssyncadd.remote.s32 $0x1  }
0xbf: {  	_ =	sfence.sel $0xFFFF  }
0xc0: {  	[dreg:$0x0] =	wrdreg $0xFFFFFFFF;
	(pc) =	sbr.abs _section_cstart, $3  }
0xc1: {  	[dreg:$0x1] =	wrdreg $0xFFFFFFFF  }
0xc2: {  	_ =	task.clear_ibuf [dreg:s7], $0x2FFFF;
	_ =	strace $0x9FFFFFFF  }
0xc3: {  	(tm) =	ssettm $0x7FFFFFFF  }
tec
execute0_lowered:
.L_overlay_start_1:
0x0: {  	(tag) =	ssettag $0x1  }
0x1: {  	s1 =	rddreg [dreg:$0x0]  }
0x2: {  	s5 =	rddreg [dreg:$0x1]  }
0x3: {  	s3 =	rddreg [dreg:$0x2];
	s4 =	srdreg.scid  }
0x4: {  	s0 =	rddreg [dreg:$0x3];
	s2 =	stileid.u32  }
0x5: {  	s14 =	simm.s32 $0x2800;
	s15 =	simm.s32 $0x5000;
	s16 =	simm.s32 $0x4  }
0x6: {  	s17 =	simm.s32 $0x2;
	s18 =	simm.s32 $0x3;
	s19 =	simm.s32 $0x80  }
0x7: {  	s20 =	simm.s32 $0x1;
	s21 =	simm.s32 $0x0;
	s8 =	smul.u32 $0xA000, s2  }
0x8: {  	s6 =	sand.u32 $0x1, s4;
	s4 =	simm.s32 $0x0;
	s10 =	smul.u32 $0x28000, s2  }
0x9: {  	s7 =	sshll.u32 s6, $0x4;
	[smem:$0x7FF] =	sst s4;
	s9 =	smul.u32 $0xA0000, s6  }
0xa: {  	s6 =	ssub.s32 $0x2, s6;
	s7 =	sor.u32 s2, s7;
	_ =	strace $0x80000050  }
0xb: {  	s11 =	sshrl.u32 s6, $0x1;
	s30 =	sshrl.u32 s10, $0x2;
	s7 =	smul.u32 $0x500, s7  }
0xc: {  	s9 =	sadd.s32 s8, s9;
	s13 =	ssub.s32 s6, s11;
	s31 =	sadd.s32 s30, s3  }
0xd: {  	s9 =	sshrl.u32 s9, $0x3;
	s10 =	sadd.s32 $0x6000, s31;
	s11 =	sadd.s32 $0x8000, s31  }
0xe: {  	s13 =	smax.u32 s13, $0x1;
	s7 =	sadd.s32 s7, s5;
	s12 =	sadd.s32 s9, s5  }
0xf: {  	s9 =	sadd.s32 $0x4000, s31;
	s5 =	sadd.s32 $0x53800, s7;
	s6 =	sadd.s32 $0x5D800, s7  }
0x10: {  	v0 =	vimm.f32 $0.0e+00;
	s7 =	sadd.s32 s8, s3;
	s8 =	sadd.s32 $0x2000, s31;
	s12 =	sadd.s32 $0x2AA00, s12  }
.LBB2_1:
0x11: {  	[tilespmem:s4], [sflag:$0x2] =	stream.linear.gather [hbm4b:s5+s4], $0x2800, $0x38;
	[tilespmem:$0x13000] =	vst v63  }
0x12: {  	s23 =	simm.s32 $0x100;
	s22 =	simm.s32 $0x0  }
0x13: {  	[tilespmem:s14], [sflag:$0x3] =	stream.linear.gather [hbm4b:s6+s4], $0x2800, $0x38;
	[tilespmem:$0x13000] =	vst v63  }
.LBB2_2:
0x14: {  	p0 =	sne.s32 s23, $0x7F00;
	[tilespmem:s22+$0x5030] =	vst v0;
	s24 =	smov.u32 s23;
	s23 =	sadd.s32 $0x100, s23  }
.Ltmp0:
0x15: {  	[tilespmem:s22+$0x5020] =	vst v0;
	(pc) =	sbr.rel @p0 .LBB2_2-.Ltmp0, $3  }
0x16: {  	[tilespmem:s22+$0x5000] =	vst v0  }
0x17: {  	[tilespmem:s22+$0x5010] =	vst v0;
	_ =	sdelay $0x1  }
0x18: {  	s22 =	sshra.s32 s24, $0x2  }
0x19: {  	[tilespmem:s22+$0x5030] =	vst v0  }
0x1a: {  	[tilespmem:s22+$0x5020] =	vst v0  }
0x1b: {  	[tilespmem:s22+$0x5000] =	vst v0  }
0x1c: {  	[tilespmem:s22+$0x5010] =	vst v0  }
0x1d: {  	[spmem:s7] =	stream.linear.scatter [tilespmem:s15], [sflag:$0x4], $0x2000, $0x38;
	[tilespmem:$0x13000] =	vst v63  }
0x1e: {  	_ =	swait.ge [sflag:s16], $0x2000  }
0x1f: {  	[sflag:s16] =	ssyncset.done $0x0  }
0x20: {  	[sflag:s16] =	ssyncadd.s32 $0xFFFFE000  }
0x21: {  	[spmem:s8] =	stream.linear.scatter [tilespmem:s15], [sflag:$0x4], $0x2000, $0x38;
	[tilespmem:$0x13000] =	vst v63  }
0x22: {  	_ =	swait.ge [sflag:s16], $0x2000  }
0x23: {  	[sflag:s16] =	ssyncset.done $0x0  }
0x24: {  	[sflag:s16] =	ssyncadd.s32 $0xFFFFE000  }
0x25: {  	[spmem:s9] =	stream.linear.scatter [tilespmem:s15], [sflag:$0x4], $0x2000, $0x38;
	[tilespmem:$0x13000] =	vst v63  }
0x26: {  	_ =	swait.ge [sflag:s16], $0x2000  }
0x27: {  	[sflag:s16] =	ssyncset.done $0x0  }
0x28: {  	[sflag:s16] =	ssyncadd.s32 $0xFFFFE000  }
0x29: {  	[spmem:s10] =	stream.linear.scatter [tilespmem:s15], [sflag:$0x4], $0x2000, $0x38;
	[tilespmem:$0x13000] =	vst v63  }
0x2a: {  	_ =	swait.ge [sflag:s16], $0x2000  }
0x2b: {  	[sflag:s16] =	ssyncset.done $0x0  }
0x2c: {  	[sflag:s16] =	ssyncadd.s32 $0xFFFFE000  }
0x2d: {  	[spmem:s11] =	stream.linear.scatter [tilespmem:s15], [sflag:$0x4], $0x2000, $0x38;
	[tilespmem:$0x13000] =	vst v63  }
0x2e: {  	_ =	swait.ge [sflag:s16], $0x2000  }
0x2f: {  	[sflag:s16] =	ssyncset.done $0x0  }
0x30: {  	[sflag:s16] =	ssyncadd.s32 $0xFFFFE000  }
0x31: {  	_ =	swait.ge [sflag:s17], $0x2800  }
0x32: {  	[sflag:s17] =	ssyncset.done $0x0  }
0x33: {  	[sflag:s17] =	ssyncadd.s32 $0xFFFFD800  }
0x34: {  	_ =	swait.ge [sflag:s18], $0x2800  }
0x35: {  	s23 =	simm.s32 $0x8000;
	[sflag:s18] =	ssyncset.done $0x0  }
0x36: {  	s30 =	simm.s32 $0x80;
	s23 =	sand.u32 $0x8000, s23;
	[sflag:s18] =	ssyncadd.s32 $0xFFFFD800  }
0x37: {  	s24 =	simm.s32 $0x0;
	s23 =	sshrl.u32 s23, $0x2;
	[bflag:$0x0] =	sbarrier.arrive $0xFFFF  }
0x38: {  	[tilespmem:s15], [sflag:$0x1] =	stream.indirect.gather [hbm4b:s1+s30], $0x40, s24, s30, $0xb8;
	[tilespmem:$0x13000] =	vst v63  }
0x39: {  	s23 =	sor.u32 $0x5000, s23  }
0x3a: {  	[tilespmem:s23], [sflag:$0x1] =	stream.indirect.gather [hbm4b:s1+s19], $0x40, s30, s19, $0xb8;
	[tilespmem:$0x13000] =	vst v63  }
0x3b: {  	s26 =	simm.s32 $0x2800;
	s22 =	simm.s32 $0x4000;
	_ =	swait.ge [sflag:s20], $0x2000  }
0x3c: {  	s25 =	simm.s32 $0x10000;
	s24 =	sand.u32 $0x2000, s24;
	[sflag:s20] =	ssyncset.done $0x0  }
0x3d: {  	s31 =	sand.u32 $0x8000, s25;
	s24 =	sor.u32 $0x5000, s24;
	[sflag:s20] =	ssyncadd.s32 $0xFFFFE000  }
0x3e: {  	[spmem:s3] =	stream.indirect.scatter.add.f32 [tilespmem:s24], [sflag:$0x4], $0x40, s26, s19, $0xb8;
	[tilespmem:$0x13000] =	vst v63  }
0x3f: {  	s28 =	sshrl.u32 s31, $0x2;
	s23 =	simm.s32 $0x2000;
	_ =	swait.ge [sflag:s16], $0x2000  }
0x40: {  	s26 =	simm.s32 $0x100;
	s24 =	simm.s32 $0x2880;
	[sflag:s16] =	ssyncset.done $0x0  }
.LBB2_4:
0x41: {  	s28 =	sor.u32 $0x5000, s28;
	[sflag:s16] =	ssyncadd.s32 $0xFFFFE000  }
0x42: {  	s29 =	smov.u32 s23;
	s23 =	smov.u32 s22;
	s22 =	sadd.s32 $0x2000, s22  }
0x43: {  	[tilespmem:s28], [sflag:$0x1] =	stream.indirect.gather [hbm4b:s1+s19], $0x40, s26, s19, $0xb8;
	[tilespmem:$0x13000] =	vst v63  }
0x44: {  	p0 =	sne.s32 s22, $0x9E000;
	_ =	swait.ge [sflag:s20], $0x2000  }
.Ltmp1:
0x45: {  	s28 =	sand.u32 $0x2000, s29;
	[sflag:s20] =	ssyncset.done $0x0;
	(pc) =	sbr.rel @p0 .LBB2_4-.Ltmp1, $4  }
0x46: {  	s25 =	sadd.s32 $0x8000, s25;
	s28 =	sor.u32 $0x5000, s28;
	[sflag:s20] =	ssyncadd.s32 $0xFFFFE000  }
0x47: {  	[spmem:s3] =	stream.indirect.scatter.add.f32 [tilespmem:s28], [sflag:$0x4], $0x40, s24, s19, $0xb8;
	[tilespmem:$0x13000] =	vst v63  }
0x48: {  	s26 =	sadd.s32 $0x80, s26;
	s28 =	sand.u32 $0x8000, s25;
	_ =	swait.ge [sflag:s16], $0x2000  }
0x49: {  	s24 =	sadd.s32 $0x80, s24;
	s28 =	sshrl.u32 s28, $0x2;
	[sflag:s16] =	ssyncset.done $0x0  }
0x4a: {  	s25 =	sor.u32 $0x5000, s28;
	[sflag:s16] =	ssyncadd.s32 $0xFFFFE000  }
0x4b: {  	[tilespmem:s25], [sflag:$0x1] =	stream.indirect.gather [hbm4b:s1+s19], $0x40, s26, s19, $0xb8;
	[tilespmem:$0x13000] =	vst v63  }
0x4c: {  	_ =	swait.ge [sflag:s20], $0x2000  }
0x4d: {  	s23 =	sand.u32 $0x2000, s23;
	[sflag:s20] =	ssyncset.done $0x0  }
0x4e: {  	s23 =	sor.u32 $0x5000, s23;
	[sflag:s20] =	ssyncadd.s32 $0xFFFFE000  }
0x4f: {  	[spmem:s3] =	stream.indirect.scatter.add.f32 [tilespmem:s23], [sflag:$0x4], $0x40, s24, s19, $0xb8;
	[tilespmem:$0x13000] =	vst v63  }
0x50: {  	_ =	swait.ge [sflag:s16], $0x2000  }
0x51: {  	[sflag:s16] =	ssyncset.done $0x0  }
0x52: {  	[sflag:s16] =	ssyncadd.s32 $0xFFFFE000  }
0x53: {  	_ =	swait.ge [sflag:s20], $0x2000  }
0x54: {  	s22 =	sand.u32 $0x2000, s22;
	[sflag:s20] =	ssyncset.done $0x0  }
0x55: {  	s29 =	sadd.s32 $0x80, s24;
	s22 =	sor.u32 $0x5000, s22;
	[sflag:s20] =	ssyncadd.s32 $0xFFFFE000  }
0x56: {  	[spmem:s3] =	stream.indirect.scatter.add.f32 [tilespmem:s22], [sflag:$0x4], $0x40, s29, s19, $0xb8;
	[tilespmem:$0x13000] =	vst v63  }
0x57: {  	_ =	swait.ge [sflag:s16], $0x2000  }
0x58: {  	s30 =	sshll.u32 s2, $0x6;
	s21 =	sadd.s32 $0x1, s21;
	[sflag:s16] =	ssyncset.done $0x0  }
0x59: {  	s31 =	sshrl.u32 s7, $0x3;
	p0 =	sne.s32 s21, s13;
	[sflag:s16] =	ssyncadd.s32 $0xFFFFE000  }
.Ltmp2:
0x5a: {  	s22 =	sor.u32 $0x1C04, s30;
	[bflag:$0x0] =	sbarrier.arrive $0xFFFF;
	(pc) =	sbr.rel @p0 .LBB2_1-.Ltmp2, $4  }
0x5b: {  	[hbm:s12], [sflag:s22] =	dma.local [spmem:s31], $0x1400  }
0x5c: {  	_ =	swait.ge [sflag:s16], $0x1400  }
0x5d: {  	[sflag:s16] =	ssyncset.done $0x0  }
0x5e: {  	[sflag:s16] =	ssyncadd.s32 $0xFFFFEC00  }
0x5f: {  	_ =	sfence.sel $0x180000  }
0x60: {  	[bflag:$0x0] =	sbarrier.arrive $0xFFFF  }
0x61: {  	p0 =	sne.s32 s2, $0x0;
	_ =	strace $0x90000050  }
0x62: {  	s0 =	sadd.s32 @!p0 $0x100000, s0;
	[bflag:$0x2] =	sbarrier.arrive $0xFFFF  }
0x63: {  	[sflag:s0] =	ssyncadd.tile.s32 @!p0 $0x1;
	_ =	shalt  }
.Lfunc_end2:
_tile_overlayer_lowered:
.L_overlay_start_2:
0x64: {  	(tag) =	ssettag $0x2  }
0x65: {  	s0 =	rddreg [dreg:$0x0];
	s2 =	stileid.u32  }
0x66: {  	s1 =	rddreg [dreg:$0x1];
	p0 =	sne.s32 s2, $0x0  }
0x67: {  	s3 =	rddreg [dreg:$0x2];
	[bflag:$0x3] =	sbarrier.arrive $0xFFFF;
	s2 =	simm.s32 @!p0 $0x1C04  }
0x68: {  	[timem:s3], [sflag:s2] =	dma.local @!p0 [hbm:s0], s1  }
0x69: {  	s0 =	simm.s32 @!p0 $0x4  }
0x6a: {  	_ =	swait.ge @!p0 [sflag:s0], s1  }
0x6b: {  	s1 =	ssub.s32 @!p0 $0x0, s1;
	[sflag:s0] =	ssyncset.done @!p0 $0x0  }
0x6c: {  	[sflag:s0] =	ssyncadd.s32 @!p0 s1  }
0x6d: {  	[bflag:$0x3] =	sbarrier.arrive $0xFFFF  }
0x6e: {  	_ =	shalt  }

</sc_bundles>
